<compile_context>
chip_gen: v7x
topology: tpu7x:2x2x1
jax: 0.10.2.dev20260603
libtpu: 0.0.44.dev20260713+nightly
codegen_flags: <defaults>
</compile_context>

<pallas_src>
import jax
import jax.numpy as jnp
from jax import lax
from jax.experimental import pallas as pl
from jax.experimental.pallas import tpu as pltpu
from jax.experimental.pallas import tpu_sc as plsc

INFEATURES = 256
CAPACITY = 8192
NC, NS, L = 2, 16, 16
NW = NC * NS
R = CAPACITY // NW
NG = R // L
NCHUNK = 4
CROWS = R // NCHUNK
PSTRIDE = L + 1
EPS = 1e-8


def _rsqrt(n):
    i = lax.bitcast_convert_type(n, jnp.int32)
    y = lax.bitcast_convert_type(jnp.int32(0x5F3759DF) - (i >> 1), jnp.float32)
    for _ in range(3):
        y = y * (jnp.float32(1.5) - jnp.float32(0.5) * n * y * y)
    return y


def _sc_body(x_hbm, mem_hbm, val_out, idx_out, x_v, buf, pa, pn, vb, ib,
             s0, s1, s2, s3):
    wid = lax.axis_index("s") * NC + lax.axis_index("c")
    base = wid * R

    copies = [
        pltpu.async_copy(
            mem_hbm.at[pl.ds(base + k * CROWS, CROWS)],
            buf.at[pl.ds(k * CROWS, CROWS)],
            sem,
        )
        for k, sem in enumerate((s0, s1, s2, s3))
    ]
    pltpu.sync_copy(x_hbm, x_v)

    lane = lax.iota(jnp.int32, L)
    colbase = lane * PSTRIDE
    xvs = [x_v[pl.ds(L * j, L)] for j in range(INFEATURES // L)]

    def group_body(g, carry):
        bv, bi = carry
        for k in range(NCHUNK):
            @pl.when(g == k * (NG // NCHUNK))
            def _(k=k):
                copies[k].wait()
        for r16 in range(0, L, 8):
            rr = [g * L + r16 + i for i in range(8)]
            aa = [jnp.zeros((L,), jnp.float32) for _ in range(8)]
            nn = [jnp.zeros((L,), jnp.float32) for _ in range(8)]
            for j in range(INFEATURES // L):
                for i in range(8):
                    v = buf[rr[i], pl.ds(L * j, L)]
                    aa[i] = aa[i] + v * xvs[j]
                    nn[i] = nn[i] + v * v
            for i in range(8):
                pa[pl.ds((r16 + i) * PSTRIDE, L)] = aa[i]
                pn[pl.ds((r16 + i) * PSTRIDE, L)] = nn[i]
        dotv = plsc.load_gather(pa, [colbase])
        nrmv = plsc.load_gather(pn, [colbase])
        for c in range(1, L):
            dotv = dotv + plsc.load_gather(pa, [colbase + c])
            nrmv = nrmv + plsc.load_gather(pn, [colbase + c])
        mn = jnp.maximum(nrmv * _rsqrt(nrmv), EPS)
        d = dotv / mn
        upd = d > bv
        bi = jnp.where(upd, lane + g * L, bi)
        bv = jnp.where(upd, d, bv)
        return bv, bi

    bv0 = jnp.full((L,), -jnp.inf, jnp.float32)
    bi0 = jnp.zeros((L,), jnp.int32)
    bv, bi = lax.fori_loop(0, NG, group_body, (bv0, bi0))
    vb[...] = bv
    ib[...] = bi
    pltpu.sync_copy(vb, val_out.at[wid])
    pltpu.sync_copy(ib, idx_out.at[wid])


def _merge_body(x_ref, val_ref, idx_ref, out_ref):
    vals = val_ref[...]
    idxs = idx_ref[...] + lax.broadcasted_iota(jnp.int32, (NW, L), 0) * R
    m = jnp.max(vals)
    big = jnp.int32(jnp.iinfo(jnp.int32).max)
    idx = jnp.min(jnp.where(vals == m, idxs, big))
    xv = x_ref[...]
    xn = jnp.maximum(jnp.sqrt(jnp.sum(xv * xv)), jnp.float32(EPS))
    rows = lax.broadcasted_iota(jnp.int32, (64, 128), 0)
    cols = lax.broadcasted_iota(jnp.int32, (64, 128), 1)
    lin = rows * 128 + cols
    out_ref[...] = jnp.where(lin == idx, m / xn, jnp.float32(0.0))


@jax.jit
def kernel(x, memory):
    mesh = plsc.VectorSubcoreMesh(core_axis_name="c", subcore_axis_name="s")
    sc = pl.kernel(
        _sc_body,
        out_type=(
            jax.ShapeDtypeStruct((NW, L), jnp.float32),
            jax.ShapeDtypeStruct((NW, L), jnp.int32),
        ),
        mesh=mesh,
        compiler_params=pltpu.CompilerParams(needs_layout_passes=False),
        scratch_types=[
            pltpu.VMEM((INFEATURES,), jnp.float32),
            pltpu.VMEM((R, INFEATURES), jnp.float32),
            pltpu.VMEM((L * PSTRIDE,), jnp.float32),
            pltpu.VMEM((L * PSTRIDE,), jnp.float32),
            pltpu.VMEM((L,), jnp.float32),
            pltpu.VMEM((L,), jnp.int32),
            pltpu.SemaphoreType.DMA,
            pltpu.SemaphoreType.DMA,
            pltpu.SemaphoreType.DMA,
            pltpu.SemaphoreType.DMA,
        ],
    )
    cand_val, cand_idx = sc(x, memory)
    out2d = pl.pallas_call(
        _merge_body,
        out_shape=jax.ShapeDtypeStruct((64, 128), jnp.float32),
    )(x.reshape(2, 128), cand_val, cand_idx)
    return out2d.reshape(CAPACITY)

# --- scband reference (transcript-rebuilt; emitter-appended) ---
"""Pipeline reference for scband-net4-18519898980804 (READ-ONLY COPY).

The authoritative reference and input builder live on the scoring server;
editing this copy changes nothing except your own understanding.
"""

import jax, jax.numpy as jnp
import numpy as np

INFEATURES = 256
CAPACITY = 8192


def setup_inputs(seed: int = 0) -> dict:
    key = jax.random.key(seed)
    k1, k2 = jax.random.split(key)
    x = jax.random.normal(k1, (INFEATURES,), dtype=jnp.float32)
    # learned parameters: ParameterList of `capacity` vectors, each torch.rand(infeatures)
    # -> stacked into a single [capacity, infeatures] matrix
    memory = jax.random.uniform(k2, (CAPACITY, INFEATURES), dtype=jnp.float32)
    return {"x": x, "memory": memory}


def reference(x, memory):
    eps = 1e-8
    # torch.cosine_similarity(x, memory[i], dim=0) for each i, vectorized
    dots = memory @ x  # [capacity]
    x_norm = jnp.maximum(jnp.linalg.norm(x), eps)
    m_norm = jnp.maximum(jnp.linalg.norm(memory, axis=1), eps)  # [capacity]
    distances = dots / (x_norm * m_norm)  # [capacity]
    argmax = jnp.argmax(distances)
    out = jnp.zeros(distances.shape[0], dtype=jnp.float32)
    out = out.at[argmax].set(distances[argmax])
    return out

if __name__ == "__main__":
    import jax
    _d = setup_inputs()
    print(jax.jit(kernel)(*tuple(_d.values())))

</pallas_src>

<mosaic_0001>
#map = affine_map<(d0, d1) -> (0)>
#map1 = affine_map<(d0, d1) -> (0, 0)>
module attributes {stable_mosaic.version = 14 : i64} {
  func.func @_sc_body(%arg0: i32, %arg1: i32, %arg2: memref<256xf32, #tpu.memory_space<hbm>>, %arg3: memref<8192x256xf32, #tpu.memory_space<hbm>>, %arg4: memref<32x16xf32, #tpu.memory_space<hbm>>, %arg5: memref<32x16xi32, #tpu.memory_space<hbm>>, %arg6: memref<256xf32, #tpu.memory_space<vmem>>, %arg7: memref<256x256xf32, #tpu.memory_space<vmem>>, %arg8: memref<272xf32, #tpu.memory_space<vmem>>, %arg9: memref<272xf32, #tpu.memory_space<vmem>>, %arg10: memref<16xf32, #tpu.memory_space<vmem>>, %arg11: memref<16xi32, #tpu.memory_space<vmem>>, %arg12: memref<!tpu.dma_semaphore, #tpu.memory_space<semaphore_mem>>, %arg13: memref<!tpu.dma_semaphore, #tpu.memory_space<semaphore_mem>>, %arg14: memref<!tpu.dma_semaphore, #tpu.memory_space<semaphore_mem>>, %arg15: memref<!tpu.dma_semaphore, #tpu.memory_space<semaphore_mem>>) attributes {dimension_semantics = [#tpu.dimension_semantics<core_parallel>, #tpu.dimension_semantics<subcore_parallel>], iteration_bounds = array<i64: 2, 16>, scalar_prefetch = 0 : i64, scratch_operands = 10 : i64, tpu.core_type = #tpu.core_type<sc_vector_subcore>, window_params = [{transform_indices = #map}, {transform_indices = #map1}, {transform_indices = #map1}, {transform_indices = #map1}]} {
    %mul3A = arith.constant 2 : i32
    %mul3A_0 = arith.muli %arg1, %mul3A : i32
    %add3A = arith.addi %mul3A_0, %arg0 : i32
    %mul3A_1 = arith.constant 256 : i32
    %mul3A_2 = arith.muli %add3A, %mul3A_1 : i32
    %add3A_3 = arith.constant 0 : i32
    %add3A_4 = arith.addi %mul3A_2, %add3A_3 : i32
    %dma_start3A = arith.constant 0 : i32
    %dma_start3A_5 = arith.constant 0 : i32
    %dma_start3A_6 = tpu.memref_slice %arg7[%dma_start3A, %dma_start3A_5] : memref<256x256xf32, #tpu.memory_space<vmem>> -> memref<64x256xf32, #tpu.memory_space<vmem>>
    %dma_start3A_7 = arith.constant 0 : i32
    %dma_start3A_8 = tpu.memref_slice %arg3[%add3A_4, %dma_start3A_7] : memref<8192x256xf32, #tpu.memory_space<hbm>> -> memref<64x256xf32, #tpu.memory_space<hbm>>
    %dma_start3A_9 = arith.constant 0 : i32
    %dma_start3A_10 = arith.constant 0 : i32
    %dma_start3A_11 = tpu.memref_slice %arg7[%dma_start3A_9, %dma_start3A_10] : memref<256x256xf32, #tpu.memory_space<vmem>> -> memref<64x256xf32, #tpu.memory_space<vmem>>
    %dma_start3A_12 = arith.constant 0 : i32
    %dma_start3A_13 = tpu.memref_slice %arg3[%add3A_4, %dma_start3A_12] : memref<8192x256xf32, #tpu.memory_space<hbm>> -> memref<64x256xf32, #tpu.memory_space<hbm>>
    tpu.enqueue_dma source(%dma_start3A_13 : memref<64x256xf32, #tpu.memory_space<hbm>>) target(%dma_start3A_11 : memref<64x256xf32, #tpu.memory_space<vmem>>) target_semaphore(%arg12 : memref<!tpu.dma_semaphore, #tpu.memory_space<semaphore_mem>>)
    %add3A_14 = arith.constant 64 : i32
    %add3A_15 = arith.addi %mul3A_2, %add3A_14 : i32
    %dma_start3A_16 = arith.constant 64 : i32
    %dma_start3A_17 = arith.constant 0 : i32
    %dma_start3A_18 = tpu.memref_slice %arg7[%dma_start3A_16, %dma_start3A_17] : memref<256x256xf32, #tpu.memory_space<vmem>> -> memref<64x256xf32, #tpu.memory_space<vmem>>
    %dma_start3A_19 = arith.constant 0 : i32
    %dma_start3A_20 = tpu.memref_slice %arg3[%add3A_15, %dma_start3A_19] : memref<8192x256xf32, #tpu.memory_space<hbm>> -> memref<64x256xf32, #tpu.memory_space<hbm>>
    %dma_start3A_21 = arith.constant 64 : i32
    %dma_start3A_22 = arith.constant 0 : i32
    %dma_start3A_23 = tpu.memref_slice %arg7[%dma_start3A_21, %dma_start3A_22] : memref<256x256xf32, #tpu.memory_space<vmem>> -> memref<64x256xf32, #tpu.memory_space<vmem>>
    %dma_start3A_24 = arith.constant 0 : i32
    %dma_start3A_25 = tpu.memref_slice %arg3[%add3A_15, %dma_start3A_24] : memref<8192x256xf32, #tpu.memory_space<hbm>> -> memref<64x256xf32, #tpu.memory_space<hbm>>
    tpu.enqueue_dma source(%dma_start3A_25 : memref<64x256xf32, #tpu.memory_space<hbm>>) target(%dma_start3A_23 : memref<64x256xf32, #tpu.memory_space<vmem>>) target_semaphore(%arg13 : memref<!tpu.dma_semaphore, #tpu.memory_space<semaphore_mem>>)
    %add3A_26 = arith.constant 128 : i32
    %add3A_27 = arith.addi %mul3A_2, %add3A_26 : i32
    %dma_start3A_28 = arith.constant 128 : i32
    %dma_start3A_29 = arith.constant 0 : i32
    %dma_start3A_30 = tpu.memref_slice %arg7[%dma_start3A_28, %dma_start3A_29] : memref<256x256xf32, #tpu.memory_space<vmem>> -> memref<64x256xf32, #tpu.memory_space<vmem>>
    %dma_start3A_31 = arith.constant 0 : i32
    %dma_start3A_32 = tpu.memref_slice %arg3[%add3A_27, %dma_start3A_31] : memref<8192x256xf32, #tpu.memory_space<hbm>> -> memref<64x256xf32, #tpu.memory_space<hbm>>
    %dma_start3A_33 = arith.constant 128 : i32
    %dma_start3A_34 = arith.constant 0 : i32
    %dma_start3A_35 = tpu.memref_slice %arg7[%dma_start3A_33, %dma_start3A_34] : memref<256x256xf32, #tpu.memory_space<vmem>> -> memref<64x256xf32, #tpu.memory_space<vmem>>
    %dma_start3A_36 = arith.constant 0 : i32
    %dma_start3A_37 = tpu.memref_slice %arg3[%add3A_27, %dma_start3A_36] : memref<8192x256xf32, #tpu.memory_space<hbm>> -> memref<64x256xf32, #tpu.memory_space<hbm>>
    tpu.enqueue_dma source(%dma_start3A_37 : memref<64x256xf32, #tpu.memory_space<hbm>>) target(%dma_start3A_35 : memref<64x256xf32, #tpu.memory_space<vmem>>) target_semaphore(%arg14 : memref<!tpu.dma_semaphore, #tpu.memory_space<semaphore_mem>>)
    %add3A_38 = arith.constant 192 : i32
    %add3A_39 = arith.addi %mul3A_2, %add3A_38 : i32
    %dma_start3A_40 = arith.constant 192 : i32
    %dma_start3A_41 = arith.constant 0 : i32
    %dma_start3A_42 = tpu.memref_slice %arg7[%dma_start3A_40, %dma_start3A_41] : memref<256x256xf32, #tpu.memory_space<vmem>> -> memref<64x256xf32, #tpu.memory_space<vmem>>
    %dma_start3A_43 = arith.constant 0 : i32
    %dma_start3A_44 = tpu.memref_slice %arg3[%add3A_39, %dma_start3A_43] : memref<8192x256xf32, #tpu.memory_space<hbm>> -> memref<64x256xf32, #tpu.memory_space<hbm>>
    %dma_start3A_45 = arith.constant 192 : i32
    %dma_start3A_46 = arith.constant 0 : i32
    %dma_start3A_47 = tpu.memref_slice %arg7[%dma_start3A_45, %dma_start3A_46] : memref<256x256xf32, #tpu.memory_space<vmem>> -> memref<64x256xf32, #tpu.memory_space<vmem>>
    %dma_start3A_48 = arith.constant 0 : i32
    %dma_start3A_49 = tpu.memref_slice %arg3[%add3A_39, %dma_start3A_48] : memref<8192x256xf32, #tpu.memory_space<hbm>> -> memref<64x256xf32, #tpu.memory_space<hbm>>
    tpu.enqueue_dma source(%dma_start3A_49 : memref<64x256xf32, #tpu.memory_space<hbm>>) target(%dma_start3A_47 : memref<64x256xf32, #tpu.memory_space<vmem>>) target_semaphore(%arg15 : memref<!tpu.dma_semaphore, #tpu.memory_space<semaphore_mem>>)
    "tpu.region"() ({
      %run_scoped3A = tpu.sem_alloc : memref<!tpu.dma_semaphore, #tpu.memory_space<semaphore_mem>>
      tpu.enqueue_dma source(%arg2 : memref<256xf32, #tpu.memory_space<hbm>>) target(%arg6 : memref<256xf32, #tpu.memory_space<vmem>>) target_semaphore(%run_scoped3A : memref<!tpu.dma_semaphore, #tpu.memory_space<semaphore_mem>>)
      tpu.wait_dma2 semaphore(%run_scoped3A : memref<!tpu.dma_semaphore, #tpu.memory_space<semaphore_mem>>) src(%arg2 : memref<256xf32, #tpu.memory_space<hbm>>) dst(%arg6 : memref<256xf32, #tpu.memory_space<vmem>>)
      tpu.yield
    }) : () -> ()
    %iota3A = tpu.iota {dimensions = array<i32: 0>} : vector<16xi32>
    %mul3A_50 = arith.constant 17 : i32
    %mul3A_51 = vector.broadcast %mul3A_50 : i32 to vector<16xi32>
    %mul3A_52 = arith.muli %iota3A, %mul3A_51 : vector<16xi32>
    %get3A = arith.constant 0 : index
    %get3A_53 = tpu.vector_load %arg6[%get3A] {strides = array<i32>} : memref<256xf32, #tpu.memory_space<vmem>>, vector<16xf32>,
    %get3A_54 = arith.constant 16 : index
    %get3A_55 = tpu.vector_load %arg6[%get3A_54] {strides = array<i32>} : memref<256xf32, #tpu.memory_space<vmem>>, vector<16xf32>,
    %get3A_56 = arith.constant 32 : index
    %get3A_57 = tpu.vector_load %arg6[%get3A_56] {strides = array<i32>} : memref<256xf32, #tpu.memory_space<vmem>>, vector<16xf32>,
    %get3A_58 = arith.constant 48 : index
    %get3A_59 = tpu.vector_load %arg6[%get3A_58] {strides = array<i32>} : memref<256xf32, #tpu.memory_space<vmem>>, vector<16xf32>,
    %get3A_60 = arith.constant 64 : index
    %get3A_61 = tpu.vector_load %arg6[%get3A_60] {strides = array<i32>} : memref<256xf32, #tpu.memory_space<vmem>>, vector<16xf32>,
    %get3A_62 = arith.constant 80 : index
    %get3A_63 = tpu.vector_load %arg6[%get3A_62] {strides = array<i32>} : memref<256xf32, #tpu.memory_space<vmem>>, vector<16xf32>,
    %get3A_64 = arith.constant 96 : index
    %get3A_65 = tpu.vector_load %arg6[%get3A_64] {strides = array<i32>} : memref<256xf32, #tpu.memory_space<vmem>>, vector<16xf32>,
    %get3A_66 = arith.constant 112 : index
    %get3A_67 = tpu.vector_load %arg6[%get3A_66] {strides = array<i32>} : memref<256xf32, #tpu.memory_space<vmem>>, vector<16xf32>,
    %get3A_68 = arith.constant 128 : index
    %get3A_69 = tpu.vector_load %arg6[%get3A_68] {strides = array<i32>} : memref<256xf32, #tpu.memory_space<vmem>>, vector<16xf32>,
    %get3A_70 = arith.constant 144 : index
    %get3A_71 = tpu.vector_load %arg6[%get3A_70] {strides = array<i32>} : memref<256xf32, #tpu.memory_space<vmem>>, vector<16xf32>,
    %get3A_72 = arith.constant 160 : index
    %get3A_73 = tpu.vector_load %arg6[%get3A_72] {strides = array<i32>} : memref<256xf32, #tpu.memory_space<vmem>>, vector<16xf32>,
    %get3A_74 = arith.constant 176 : index
    %get3A_75 = tpu.vector_load %arg6[%get3A_74] {strides = array<i32>} : memref<256xf32, #tpu.memory_space<vmem>>, vector<16xf32>,
    %get3A_76 = arith.constant 192 : index
    %get3A_77 = tpu.vector_load %arg6[%get3A_76] {strides = array<i32>} : memref<256xf32, #tpu.memory_space<vmem>>, vector<16xf32>,
    %get3A_78 = arith.constant 208 : index
    %get3A_79 = tpu.vector_load %arg6[%get3A_78] {strides = array<i32>} : memref<256xf32, #tpu.memory_space<vmem>>, vector<16xf32>,
    %get3A_80 = arith.constant 224 : index
    %get3A_81 = tpu.vector_load %arg6[%get3A_80] {strides = array<i32>} : memref<256xf32, #tpu.memory_space<vmem>>, vector<16xf32>,
    %get3A_82 = arith.constant 240 : index
    %get3A_83 = tpu.vector_load %arg6[%get3A_82] {strides = array<i32>} : memref<256xf32, #tpu.memory_space<vmem>>, vector<16xf32>,
    %broadcast_in_dim3A = arith.constant 0xFF800000 : f32
    %broadcast_in_dim3A_84 = vector.broadcast %broadcast_in_dim3A : f32 to vector<16xf32>
    %broadcast_in_dim3A_85 = arith.constant 0 : i32
    %broadcast_in_dim3A_86 = vector.broadcast %broadcast_in_dim3A_85 : i32 to vector<16xi32>
    %scan3A = arith.constant 0 : i32
    %scan3A_87 = arith.constant 16 : i32
    %scan3A_88 = arith.addi %scan3A, %scan3A_87 : i32
    %scan3A_89 = arith.constant 1 : i32
    %scan3A_90:2 = scf.for %scan3A_95 = %scan3A to %scan3A_88 step %scan3A_89 iter_args(%scan3A_96 = %broadcast_in_dim3A_84, %scan3A_97 = %broadcast_in_dim3A_86) -> (vector<16xf32>, vector<16xi32>)  : i32 {
      %eq3A = arith.constant 0 : i32
      %eq3A_98 = arith.cmpi eq, %scan3A_95, %eq3A : i32
      %convert_element_type3A = arith.extui %eq3A_98 : i1 to i32
      %cond3A = arith.constant 0 : i32
      %cond3A_99 = arith.cmpi ne, %convert_element_type3A, %cond3A : i32
      scf.if %cond3A_99 {
        %dma_wait3A = arith.constant 0 : i32
        %dma_wait3A_2322 = arith.constant 0 : i32
        %dma_wait3A_2323 = tpu.memref_slice %arg7[%dma_wait3A, %dma_wait3A_2322] : memref<256x256xf32, #tpu.memory_space<vmem>> -> memref<64x256xf32, #tpu.memory_space<vmem>>
        %dma_wait3A_2324 = arith.constant 0 : i32
        %dma_wait3A_2325 = tpu.memref_slice %arg3[%add3A_4, %dma_wait3A_2324] : memref<8192x256xf32, #tpu.memory_space<hbm>> -> memref<64x256xf32, #tpu.memory_space<hbm>>
        %dma_wait3A_2326 = arith.constant 0 : i32
        %dma_wait3A_2327 = arith.constant 0 : i32
        %dma_wait3A_2328 = tpu.memref_slice %arg7[%dma_wait3A_2326, %dma_wait3A_2327] : memref<256x256xf32, #tpu.memory_space<vmem>> -> memref<64x256xf32, #tpu.memory_space<vmem>>
        %dma_wait3A_2329 = arith.constant 0 : i32
        %dma_wait3A_2330 = tpu.memref_slice %arg3[%add3A_4, %dma_wait3A_2329] : memref<8192x256xf32, #tpu.memory_space<hbm>> -> memref<64x256xf32, #tpu.memory_space<hbm>>
        tpu.wait_dma2 semaphore(%arg12 : memref<!tpu.dma_semaphore, #tpu.memory_space<semaphore_mem>>) src(%dma_wait3A_2330 : memref<64x256xf32, #tpu.memory_space<hbm>>) dst(%dma_wait3A_2328 : memref<64x256xf32, #tpu.memory_space<vmem>>)
      } else {
      }
      %eq3A_100 = arith.constant 4 : i32
      %eq3A_101 = arith.cmpi eq, %scan3A_95, %eq3A_100 : i32
      %convert_element_type3A_102 = arith.extui %eq3A_101 : i1 to i32
      %cond3A_103 = arith.constant 0 : i32
      %cond3A_104 = arith.cmpi ne, %convert_element_type3A_102, %cond3A_103 : i32
      scf.if %cond3A_104 {
        %dma_wait3A = arith.constant 64 : i32
        %dma_wait3A_2322 = arith.constant 0 : i32
        %dma_wait3A_2323 = tpu.memref_slice %arg7[%dma_wait3A, %dma_wait3A_2322] : memref<256x256xf32, #tpu.memory_space<vmem>> -> memref<64x256xf32, #tpu.memory_space<vmem>>
        %dma_wait3A_2324 = arith.constant 0 : i32
        %dma_wait3A_2325 = tpu.memref_slice %arg3[%add3A_15, %dma_wait3A_2324] : memref<8192x256xf32, #tpu.memory_space<hbm>> -> memref<64x256xf32, #tpu.memory_space<hbm>>
        %dma_wait3A_2326 = arith.constant 64 : i32
        %dma_wait3A_2327 = arith.constant 0 : i32
        %dma_wait3A_2328 = tpu.memref_slice %arg7[%dma_wait3A_2326, %dma_wait3A_2327] : memref<256x256xf32, #tpu.memory_space<vmem>> -> memref<64x256xf32, #tpu.memory_space<vmem>>
        %dma_wait3A_2329 = arith.constant 0 : i32
        %dma_wait3A_2330 = tpu.memref_slice %arg3[%add3A_15, %dma_wait3A_2329] : memref<8192x256xf32, #tpu.memory_space<hbm>> -> memref<64x256xf32, #tpu.memory_space<hbm>>
        tpu.wait_dma2 semaphore(%arg13 : memref<!tpu.dma_semaphore, #tpu.memory_space<semaphore_mem>>) src(%dma_wait3A_2330 : memref<64x256xf32, #tpu.memory_space<hbm>>) dst(%dma_wait3A_2328 : memref<64x256xf32, #tpu.memory_space<vmem>>)
      } else {
      }
      %eq3A_105 = arith.constant 8 : i32
      %eq3A_106 = arith.cmpi eq, %scan3A_95, %eq3A_105 : i32
      %convert_element_type3A_107 = arith.extui %eq3A_106 : i1 to i32
      %cond3A_108 = arith.constant 0 : i32
      %cond3A_109 = arith.cmpi ne, %convert_element_type3A_107, %cond3A_108 : i32
      scf.if %cond3A_109 {
        %dma_wait3A = arith.constant 128 : i32
        %dma_wait3A_2322 = arith.constant 0 : i32
        %dma_wait3A_2323 = tpu.memref_slice %arg7[%dma_wait3A, %dma_wait3A_2322] : memref<256x256xf32, #tpu.memory_space<vmem>> -> memref<64x256xf32, #tpu.memory_space<vmem>>
        %dma_wait3A_2324 = arith.constant 0 : i32
        %dma_wait3A_2325 = tpu.memref_slice %arg3[%add3A_27, %dma_wait3A_2324] : memref<8192x256xf32, #tpu.memory_space<hbm>> -> memref<64x256xf32, #tpu.memory_space<hbm>>
        %dma_wait3A_2326 = arith.constant 128 : i32
        %dma_wait3A_2327 = arith.constant 0 : i32
        %dma_wait3A_2328 = tpu.memref_slice %arg7[%dma_wait3A_2326, %dma_wait3A_2327] : memref<256x256xf32, #tpu.memory_space<vmem>> -> memref<64x256xf32, #tpu.memory_space<vmem>>
        %dma_wait3A_2329 = arith.constant 0 : i32
        %dma_wait3A_2330 = tpu.memref_slice %arg3[%add3A_27, %dma_wait3A_2329] : memref<8192x256xf32, #tpu.memory_space<hbm>> -> memref<64x256xf32, #tpu.memory_space<hbm>>
        tpu.wait_dma2 semaphore(%arg14 : memref<!tpu.dma_semaphore, #tpu.memory_space<semaphore_mem>>) src(%dma_wait3A_2330 : memref<64x256xf32, #tpu.memory_space<hbm>>) dst(%dma_wait3A_2328 : memref<64x256xf32, #tpu.memory_space<vmem>>)
      } else {
      }
      %eq3A_110 = arith.constant 12 : i32
      %eq3A_111 = arith.cmpi eq, %scan3A_95, %eq3A_110 : i32
      %convert_element_type3A_112 = arith.extui %eq3A_111 : i1 to i32
      %cond3A_113 = arith.constant 0 : i32
      %cond3A_114 = arith.cmpi ne, %convert_element_type3A_112, %cond3A_113 : i32
      scf.if %cond3A_114 {
        %dma_wait3A = arith.constant 192 : i32
        %dma_wait3A_2322 = arith.constant 0 : i32
        %dma_wait3A_2323 = tpu.memref_slice %arg7[%dma_wait3A, %dma_wait3A_2322] : memref<256x256xf32, #tpu.memory_space<vmem>> -> memref<64x256xf32, #tpu.memory_space<vmem>>
        %dma_wait3A_2324 = arith.constant 0 : i32
        %dma_wait3A_2325 = tpu.memref_slice %arg3[%add3A_39, %dma_wait3A_2324] : memref<8192x256xf32, #tpu.memory_space<hbm>> -> memref<64x256xf32, #tpu.memory_space<hbm>>
        %dma_wait3A_2326 = arith.constant 192 : i32
        %dma_wait3A_2327 = arith.constant 0 : i32
        %dma_wait3A_2328 = tpu.memref_slice %arg7[%dma_wait3A_2326, %dma_wait3A_2327] : memref<256x256xf32, #tpu.memory_space<vmem>> -> memref<64x256xf32, #tpu.memory_space<vmem>>
        %dma_wait3A_2329 = arith.constant 0 : i32
        %dma_wait3A_2330 = tpu.memref_slice %arg3[%add3A_39, %dma_wait3A_2329] : memref<8192x256xf32, #tpu.memory_space<hbm>> -> memref<64x256xf32, #tpu.memory_space<hbm>>
        tpu.wait_dma2 semaphore(%arg15 : memref<!tpu.dma_semaphore, #tpu.memory_space<semaphore_mem>>) src(%dma_wait3A_2330 : memref<64x256xf32, #tpu.memory_space<hbm>>) dst(%dma_wait3A_2328 : memref<64x256xf32, #tpu.memory_space<vmem>>)
      } else {
      }
      %mul3A_115 = arith.constant 16 : i32
      %mul3A_116 = arith.muli %scan3A_95, %mul3A_115 : i32
      %add3A_117 = arith.constant 0 : i32
      %add3A_118 = arith.addi %mul3A_116, %add3A_117 : i32
      %add3A_119 = arith.constant 0 : i32
      %add3A_120 = arith.addi %add3A_118, %add3A_119 : i32
      %mul3A_121 = arith.constant 16 : i32
      %mul3A_122 = arith.muli %scan3A_95, %mul3A_121 : i32
      %add3A_123 = arith.constant 0 : i32
      %add3A_124 = arith.addi %mul3A_122, %add3A_123 : i32
      %add3A_125 = arith.constant 1 : i32
      %add3A_126 = arith.addi %add3A_124, %add3A_125 : i32
      %mul3A_127 = arith.constant 16 : i32
      %mul3A_128 = arith.muli %scan3A_95, %mul3A_127 : i32
      %add3A_129 = arith.constant 0 : i32
      %add3A_130 = arith.addi %mul3A_128, %add3A_129 : i32
      %add3A_131 = arith.constant 2 : i32
      %add3A_132 = arith.addi %add3A_130, %add3A_131 : i32
      %mul3A_133 = arith.constant 16 : i32
      %mul3A_134 = arith.muli %scan3A_95, %mul3A_133 : i32
      %add3A_135 = arith.constant 0 : i32
      %add3A_136 = arith.addi %mul3A_134, %add3A_135 : i32
      %add3A_137 = arith.constant 3 : i32
      %add3A_138 = arith.addi %add3A_136, %add3A_137 : i32
      %mul3A_139 = arith.constant 16 : i32
      %mul3A_140 = arith.muli %scan3A_95, %mul3A_139 : i32
      %add3A_141 = arith.constant 0 : i32
      %add3A_142 = arith.addi %mul3A_140, %add3A_141 : i32
      %add3A_143 = arith.constant 4 : i32
      %add3A_144 = arith.addi %add3A_142, %add3A_143 : i32
      %mul3A_145 = arith.constant 16 : i32
      %mul3A_146 = arith.muli %scan3A_95, %mul3A_145 : i32
      %add3A_147 = arith.constant 0 : i32
      %add3A_148 = arith.addi %mul3A_146, %add3A_147 : i32
      %add3A_149 = arith.constant 5 : i32
      %add3A_150 = arith.addi %add3A_148, %add3A_149 : i32
      %mul3A_151 = arith.constant 16 : i32
      %mul3A_152 = arith.muli %scan3A_95, %mul3A_151 : i32
      %add3A_153 = arith.constant 0 : i32
      %add3A_154 = arith.addi %mul3A_152, %add3A_153 : i32
      %add3A_155 = arith.constant 6 : i32
      %add3A_156 = arith.addi %add3A_154, %add3A_155 : i32
      %mul3A_157 = arith.constant 16 : i32
      %mul3A_158 = arith.muli %scan3A_95, %mul3A_157 : i32
      %add3A_159 = arith.constant 0 : i32
      %add3A_160 = arith.addi %mul3A_158, %add3A_159 : i32
      %add3A_161 = arith.constant 7 : i32
      %add3A_162 = arith.addi %add3A_160, %add3A_161 : i32
      %broadcast_in_dim3A_163 = arith.constant 0.000000e+00 : f32
      %broadcast_in_dim3A_164 = vector.broadcast %broadcast_in_dim3A_163 : f32 to vector<16xf32>
      %broadcast_in_dim3A_165 = arith.constant 0.000000e+00 : f32
      %broadcast_in_dim3A_166 = vector.broadcast %broadcast_in_dim3A_165 : f32 to vector<16xf32>
      %broadcast_in_dim3A_167 = arith.constant 0.000000e+00 : f32
      %broadcast_in_dim3A_168 = vector.broadcast %broadcast_in_dim3A_167 : f32 to vector<16xf32>
      %broadcast_in_dim3A_169 = arith.constant 0.000000e+00 : f32
      %broadcast_in_dim3A_170 = vector.broadcast %broadcast_in_dim3A_169 : f32 to vector<16xf32>
      %broadcast_in_dim3A_171 = arith.constant 0.000000e+00 : f32
      %broadcast_in_dim3A_172 = vector.broadcast %broadcast_in_dim3A_171 : f32 to vector<16xf32>
      %broadcast_in_dim3A_173 = arith.constant 0.000000e+00 : f32
      %broadcast_in_dim3A_174 = vector.broadcast %broadcast_in_dim3A_173 : f32 to vector<16xf32>
      %broadcast_in_dim3A_175 = arith.constant 0.000000e+00 : f32
      %broadcast_in_dim3A_176 = vector.broadcast %broadcast_in_dim3A_175 : f32 to vector<16xf32>
      %broadcast_in_dim3A_177 = arith.constant 0.000000e+00 : f32
      %broadcast_in_dim3A_178 = vector.broadcast %broadcast_in_dim3A_177 : f32 to vector<16xf32>
      %broadcast_in_dim3A_179 = arith.constant 0.000000e+00 : f32
      %broadcast_in_dim3A_180 = vector.broadcast %broadcast_in_dim3A_179 : f32 to vector<16xf32>
      %broadcast_in_dim3A_181 = arith.constant 0.000000e+00 : f32
      %broadcast_in_dim3A_182 = vector.broadcast %broadcast_in_dim3A_181 : f32 to vector<16xf32>
      %broadcast_in_dim3A_183 = arith.constant 0.000000e+00 : f32
      %broadcast_in_dim3A_184 = vector.broadcast %broadcast_in_dim3A_183 : f32 to vector<16xf32>
      %broadcast_in_dim3A_185 = arith.constant 0.000000e+00 : f32
      %broadcast_in_dim3A_186 = vector.broadcast %broadcast_in_dim3A_185 : f32 to vector<16xf32>
      %broadcast_in_dim3A_187 = arith.constant 0.000000e+00 : f32
      %broadcast_in_dim3A_188 = vector.broadcast %broadcast_in_dim3A_187 : f32 to vector<16xf32>
      %broadcast_in_dim3A_189 = arith.constant 0.000000e+00 : f32
      %broadcast_in_dim3A_190 = vector.broadcast %broadcast_in_dim3A_189 : f32 to vector<16xf32>
      %broadcast_in_dim3A_191 = arith.constant 0.000000e+00 : f32
      %broadcast_in_dim3A_192 = vector.broadcast %broadcast_in_dim3A_191 : f32 to vector<16xf32>
      %broadcast_in_dim3A_193 = arith.constant 0.000000e+00 : f32
      %broadcast_in_dim3A_194 = vector.broadcast %broadcast_in_dim3A_193 : f32 to vector<16xf32>
      %get3A_195 = arith.index_cast %add3A_120 : i32 to index
      %get3A_196 = arith.constant 0 : index
      %get3A_197 = tpu.vector_load %arg7[%get3A_195, %get3A_196] {strides = array<i32>} : memref<256x256xf32, #tpu.memory_space<vmem>>, vector<16xf32>,
      %mul3A_198 = arith.mulf %get3A_197, %get3A_53 : vector<16xf32>
      %add3A_199 = arith.addf %broadcast_in_dim3A_164, %mul3A_198 : vector<16xf32>
      %mul3A_200 = arith.mulf %get3A_197, %get3A_197 : vector<16xf32>
      %add3A_201 = arith.addf %broadcast_in_dim3A_180, %mul3A_200 : vector<16xf32>
      %get3A_202 = arith.index_cast %add3A_126 : i32 to index
      %get3A_203 = arith.constant 0 : index
      %get3A_204 = tpu.vector_load %arg7[%get3A_202, %get3A_203] {strides = array<i32>} : memref<256x256xf32, #tpu.memory_space<vmem>>, vector<16xf32>,
      %mul3A_205 = arith.mulf %get3A_204, %get3A_53 : vector<16xf32>
      %add3A_206 = arith.addf %broadcast_in_dim3A_166, %mul3A_205 : vector<16xf32>
      %mul3A_207 = arith.mulf %get3A_204, %get3A_204 : vector<16xf32>
      %add3A_208 = arith.addf %broadcast_in_dim3A_182, %mul3A_207 : vector<16xf32>
      %get3A_209 = arith.index_cast %add3A_132 : i32 to index
      %get3A_210 = arith.constant 0 : index
      %get3A_211 = tpu.vector_load %arg7[%get3A_209, %get3A_210] {strides = array<i32>} : memref<256x256xf32, #tpu.memory_space<vmem>>, vector<16xf32>,
      %mul3A_212 = arith.mulf %get3A_211, %get3A_53 : vector<16xf32>
      %add3A_213 = arith.addf %broadcast_in_dim3A_168, %mul3A_212 : vector<16xf32>
      %mul3A_214 = arith.mulf %get3A_211, %get3A_211 : vector<16xf32>
      %add3A_215 = arith.addf %broadcast_in_dim3A_184, %mul3A_214 : vector<16xf32>
      %get3A_216 = arith.index_cast %add3A_138 : i32 to index
      %get3A_217 = arith.constant 0 : index
      %get3A_218 = tpu.vector_load %arg7[%get3A_216, %get3A_217] {strides = array<i32>} : memref<256x256xf32, #tpu.memory_space<vmem>>, vector<16xf32>,
      %mul3A_219 = arith.mulf %get3A_218, %get3A_53 : vector<16xf32>
      %add3A_220 = arith.addf %broadcast_in_dim3A_170, %mul3A_219 : vector<16xf32>
      %mul3A_221 = arith.mulf %get3A_218, %get3A_218 : vector<16xf32>
      %add3A_222 = arith.addf %broadcast_in_dim3A_186, %mul3A_221 : vector<16xf32>
      %get3A_223 = arith.index_cast %add3A_144 : i32 to index
      %get3A_224 = arith.constant 0 : index
      %get3A_225 = tpu.vector_load %arg7[%get3A_223, %get3A_224] {strides = array<i32>} : memref<256x256xf32, #tpu.memory_space<vmem>>, vector<16xf32>,
      %mul3A_226 = arith.mulf %get3A_225, %get3A_53 : vector<16xf32>
      %add3A_227 = arith.addf %broadcast_in_dim3A_172, %mul3A_226 : vector<16xf32>
      %mul3A_228 = arith.mulf %get3A_225, %get3A_225 : vector<16xf32>
      %add3A_229 = arith.addf %broadcast_in_dim3A_188, %mul3A_228 : vector<16xf32>
      %get3A_230 = arith.index_cast %add3A_150 : i32 to index
      %get3A_231 = arith.constant 0 : index
      %get3A_232 = tpu.vector_load %arg7[%get3A_230, %get3A_231] {strides = array<i32>} : memref<256x256xf32, #tpu.memory_space<vmem>>, vector<16xf32>,
      %mul3A_233 = arith.mulf %get3A_232, %get3A_53 : vector<16xf32>
      %add3A_234 = arith.addf %broadcast_in_dim3A_174, %mul3A_233 : vector<16xf32>
      %mul3A_235 = arith.mulf %get3A_232, %get3A_232 : vector<16xf32>
      %add3A_236 = arith.addf %broadcast_in_dim3A_190, %mul3A_235 : vector<16xf32>
      %get3A_237 = arith.index_cast %add3A_156 : i32 to index
      %get3A_238 = arith.constant 0 : index
      %get3A_239 = tpu.vector_load %arg7[%get3A_237, %get3A_238] {strides = array<i32>} : memref<256x256xf32, #tpu.memory_space<vmem>>, vector<16xf32>,
      %mul3A_240 = arith.mulf %get3A_239, %get3A_53 : vector<16xf32>
      %add3A_241 = arith.addf %broadcast_in_dim3A_176, %mul3A_240 : vector<16xf32>
      %mul3A_242 = arith.mulf %get3A_239, %get3A_239 : vector<16xf32>
      %add3A_243 = arith.addf %broadcast_in_dim3A_192, %mul3A_242 : vector<16xf32>
      %get3A_244 = arith.index_cast %add3A_162 : i32 to index
      %get3A_245 = arith.constant 0 : index
      %get3A_246 = tpu.vector_load %arg7[%get3A_244, %get3A_245] {strides = array<i32>} : memref<256x256xf32, #tpu.memory_space<vmem>>, vector<16xf32>,
      %mul3A_247 = arith.mulf %get3A_246, %get3A_53 : vector<16xf32>
      %add3A_248 = arith.addf %broadcast_in_dim3A_178, %mul3A_247 : vector<16xf32>
      %mul3A_249 = arith.mulf %get3A_246, %get3A_246 : vector<16xf32>
      %add3A_250 = arith.addf %broadcast_in_dim3A_194, %mul3A_249 : vector<16xf32>
      %get3A_251 = arith.index_cast %add3A_120 : i32 to index
      %get3A_252 = arith.constant 16 : index
      %get3A_253 = tpu.vector_load %arg7[%get3A_251, %get3A_252] {strides = array<i32>} : memref<256x256xf32, #tpu.memory_space<vmem>>, vector<16xf32>,
      %mul3A_254 = arith.mulf %get3A_253, %get3A_55 : vector<16xf32>
      %add3A_255 = arith.addf %add3A_199, %mul3A_254 : vector<16xf32>
      %mul3A_256 = arith.mulf %get3A_253, %get3A_253 : vector<16xf32>
      %add3A_257 = arith.addf %add3A_201, %mul3A_256 : vector<16xf32>
      %get3A_258 = arith.index_cast %add3A_126 : i32 to index
      %get3A_259 = arith.constant 16 : index
      %get3A_260 = tpu.vector_load %arg7[%get3A_258, %get3A_259] {strides = array<i32>} : memref<256x256xf32, #tpu.memory_space<vmem>>, vector<16xf32>,
      %mul3A_261 = arith.mulf %get3A_260, %get3A_55 : vector<16xf32>
      %add3A_262 = arith.addf %add3A_206, %mul3A_261 : vector<16xf32>
      %mul3A_263 = arith.mulf %get3A_260, %get3A_260 : vector<16xf32>
      %add3A_264 = arith.addf %add3A_208, %mul3A_263 : vector<16xf32>
      %get3A_265 = arith.index_cast %add3A_132 : i32 to index
      %get3A_266 = arith.constant 16 : index
      %get3A_267 = tpu.vector_load %arg7[%get3A_265, %get3A_266] {strides = array<i32>} : memref<256x256xf32, #tpu.memory_space<vmem>>, vector<16xf32>,
      %mul3A_268 = arith.mulf %get3A_267, %get3A_55 : vector<16xf32>
      %add3A_269 = arith.addf %add3A_213, %mul3A_268 : vector<16xf32>
      %mul3A_270 = arith.mulf %get3A_267, %get3A_267 : vector<16xf32>
      %add3A_271 = arith.addf %add3A_215, %mul3A_270 : vector<16xf32>
      %get3A_272 = arith.index_cast %add3A_138 : i32 to index
      %get3A_273 = arith.constant 16 : index
      %get3A_274 = tpu.vector_load %arg7[%get3A_272, %get3A_273] {strides = array<i32>} : memref<256x256xf32, #tpu.memory_space<vmem>>, vector<16xf32>,
      %mul3A_275 = arith.mulf %get3A_274, %get3A_55 : vector<16xf32>
      %add3A_276 = arith.addf %add3A_220, %mul3A_275 : vector<16xf32>
      %mul3A_277 = arith.mulf %get3A_274, %get3A_274 : vector<16xf32>
      %add3A_278 = arith.addf %add3A_222, %mul3A_277 : vector<16xf32>
      %get3A_279 = arith.index_cast %add3A_144 : i32 to index
      %get3A_280 = arith.constant 16 : index
      %get3A_281 = tpu.vector_load %arg7[%get3A_279, %get3A_280] {strides = array<i32>} : memref<256x256xf32, #tpu.memory_space<vmem>>, vector<16xf32>,
      %mul3A_282 = arith.mulf %get3A_281, %get3A_55 : vector<16xf32>
      %add3A_283 = arith.addf %add3A_227, %mul3A_282 : vector<16xf32>
      %mul3A_284 = arith.mulf %get3A_281, %get3A_281 : vector<16xf32>
      %add3A_285 = arith.addf %add3A_229, %mul3A_284 : vector<16xf32>
      %get3A_286 = arith.index_cast %add3A_150 : i32 to index
      %get3A_287 = arith.constant 16 : index
      %get3A_288 = tpu.vector_load %arg7[%get3A_286, %get3A_287] {strides = array<i32>} : memref<256x256xf32, #tpu.memory_space<vmem>>, vector<16xf32>,
      %mul3A_289 = arith.mulf %get3A_288, %get3A_55 : vector<16xf32>
      %add3A_290 = arith.addf %add3A_234, %mul3A_289 : vector<16xf32>
      %mul3A_291 = arith.mulf %get3A_288, %get3A_288 : vector<16xf32>
      %add3A_292 = arith.addf %add3A_236, %mul3A_291 : vector<16xf32>
      %get3A_293 = arith.index_cast %add3A_156 : i32 to index
      %get3A_294 = arith.constant 16 : index
      %get3A_295 = tpu.vector_load %arg7[%get3A_293, %get3A_294] {strides = array<i32>} : memref<256x256xf32, #tpu.memory_space<vmem>>, vector<16xf32>,
      %mul3A_296 = arith.mulf %get3A_295, %get3A_55 : vector<16xf32>
      %add3A_297 = arith.addf %add3A_241, %mul3A_296 : vector<16xf32>
      %mul3A_298 = arith.mulf %get3A_295, %get3A_295 : vector<16xf32>
      %add3A_299 = arith.addf %add3A_243, %mul3A_298 : vector<16xf32>
      %get3A_300 = arith.index_cast %add3A_162 : i32 to index
      %get3A_301 = arith.constant 16 : index
      %get3A_302 = tpu.vector_load %arg7[%get3A_300, %get3A_301] {strides = array<i32>} : memref<256x256xf32, #tpu.memory_space<vmem>>, vector<16xf32>,
      %mul3A_303 = arith.mulf %get3A_302, %get3A_55 : vector<16xf32>
      %add3A_304 = arith.addf %add3A_248, %mul3A_303 : vector<16xf32>
      %mul3A_305 = arith.mulf %get3A_302, %get3A_302 : vector<16xf32>
      %add3A_306 = arith.addf %add3A_250, %mul3A_305 : vector<16xf32>
      %get3A_307 = arith.index_cast %add3A_120 : i32 to index
      %get3A_308 = arith.constant 32 : index
      %get3A_309 = tpu.vector_load %arg7[%get3A_307, %get3A_308] {strides = array<i32>} : memref<256x256xf32, #tpu.memory_space<vmem>>, vector<16xf32>,
      %mul3A_310 = arith.mulf %get3A_309, %get3A_57 : vector<16xf32>
      %add3A_311 = arith.addf %add3A_255, %mul3A_310 : vector<16xf32>
      %mul3A_312 = arith.mulf %get3A_309, %get3A_309 : vector<16xf32>
      %add3A_313 = arith.addf %add3A_257, %mul3A_312 : vector<16xf32>
      %get3A_314 = arith.index_cast %add3A_126 : i32 to index
      %get3A_315 = arith.constant 32 : index
      %get3A_316 = tpu.vector_load %arg7[%get3A_314, %get3A_315] {strides = array<i32>} : memref<256x256xf32, #tpu.memory_space<vmem>>, vector<16xf32>,
      %mul3A_317 = arith.mulf %get3A_316, %get3A_57 : vector<16xf32>
      %add3A_318 = arith.addf %add3A_262, %mul3A_317 : vector<16xf32>
      %mul3A_319 = arith.mulf %get3A_316, %get3A_316 : vector<16xf32>
      %add3A_320 = arith.addf %add3A_264, %mul3A_319 : vector<16xf32>
      %get3A_321 = arith.index_cast %add3A_132 : i32 to index
      %get3A_322 = arith.constant 32 : index
      %get3A_323 = tpu.vector_load %arg7[%get3A_321, %get3A_322] {strides = array<i32>} : memref<256x256xf32, #tpu.memory_space<vmem>>, vector<16xf32>,
      %mul3A_324 = arith.mulf %get3A_323, %get3A_57 : vector<16xf32>
      %add3A_325 = arith.addf %add3A_269, %mul3A_324 : vector<16xf32>
      %mul3A_326 = arith.mulf %get3A_323, %get3A_323 : vector<16xf32>
      %add3A_327 = arith.addf %add3A_271, %mul3A_326 : vector<16xf32>
      %get3A_328 = arith.index_cast %add3A_138 : i32 to index
      %get3A_329 = arith.constant 32 : index
      %get3A_330 = tpu.vector_load %arg7[%get3A_328, %get3A_329] {strides = array<i32>} : memref<256x256xf32, #tpu.memory_space<vmem>>, vector<16xf32>,
      %mul3A_331 = arith.mulf %get3A_330, %get3A_57 : vector<16xf32>
      %add3A_332 = arith.addf %add3A_276, %mul3A_331 : vector<16xf32>
      %mul3A_333 = arith.mulf %get3A_330, %get3A_330 : vector<16xf32>
      %add3A_334 = arith.addf %add3A_278, %mul3A_333 : vector<16xf32>
      %get3A_335 = arith.index_cast %add3A_144 : i32 to index
      %get3A_336 = arith.constant 32 : index
      %get3A_337 = tpu.vector_load %arg7[%get3A_335, %get3A_336] {strides = array<i32>} : memref<256x256xf32, #tpu.memory_space<vmem>>, vector<16xf32>,
      %mul3A_338 = arith.mulf %get3A_337, %get3A_57 : vector<16xf32>
      %add3A_339 = arith.addf %add3A_283, %mul3A_338 : vector<16xf32>
      %mul3A_340 = arith.mulf %get3A_337, %get3A_337 : vector<16xf32>
      %add3A_341 = arith.addf %add3A_285, %mul3A_340 : vector<16xf32>
      %get3A_342 = arith.index_cast %add3A_150 : i32 to index
      %get3A_343 = arith.constant 32 : index
      %get3A_344 = tpu.vector_load %arg7[%get3A_342, %get3A_343] {strides = array<i32>} : memref<256x256xf32, #tpu.memory_space<vmem>>, vector<16xf32>,
      %mul3A_345 = arith.mulf %get3A_344, %get3A_57 : vector<16xf32>
      %add3A_346 = arith.addf %add3A_290, %mul3A_345 : vector<16xf32>
      %mul3A_347 = arith.mulf %get3A_344, %get3A_344 : vector<16xf32>
      %add3A_348 = arith.addf %add3A_292, %mul3A_347 : vector<16xf32>
      %get3A_349 = arith.index_cast %add3A_156 : i32 to index
      %get3A_350 = arith.constant 32 : index
      %get3A_351 = tpu.vector_load %arg7[%get3A_349, %get3A_350] {strides = array<i32>} : memref<256x256xf32, #tpu.memory_space<vmem>>, vector<16xf32>,
      %mul3A_352 = arith.mulf %get3A_351, %get3A_57 : vector<16xf32>
      %add3A_353 = arith.addf %add3A_297, %mul3A_352 : vector<16xf32>
      %mul3A_354 = arith.mulf %get3A_351, %get3A_351 : vector<16xf32>
      %add3A_355 = arith.addf %add3A_299, %mul3A_354 : vector<16xf32>
      %get3A_356 = arith.index_cast %add3A_162 : i32 to index
      %get3A_357 = arith.constant 32 : index
      %get3A_358 = tpu.vector_load %arg7[%get3A_356, %get3A_357] {strides = array<i32>} : memref<256x256xf32, #tpu.memory_space<vmem>>, vector<16xf32>,
      %mul3A_359 = arith.mulf %get3A_358, %get3A_57 : vector<16xf32>
      %add3A_360 = arith.addf %add3A_304, %mul3A_359 : vector<16xf32>
      %mul3A_361 = arith.mulf %get3A_358, %get3A_358 : vector<16xf32>
      %add3A_362 = arith.addf %add3A_306, %mul3A_361 : vector<16xf32>
      %get3A_363 = arith.index_cast %add3A_120 : i32 to index
      %get3A_364 = arith.constant 48 : index
      %get3A_365 = tpu.vector_load %arg7[%get3A_363, %get3A_364] {strides = array<i32>} : memref<256x256xf32, #tpu.memory_space<vmem>>, vector<16xf32>,
      %mul3A_366 = arith.mulf %get3A_365, %get3A_59 : vector<16xf32>
      %add3A_367 = arith.addf %add3A_311, %mul3A_366 : vector<16xf32>
      %mul3A_368 = arith.mulf %get3A_365, %get3A_365 : vector<16xf32>
      %add3A_369 = arith.addf %add3A_313, %mul3A_368 : vector<16xf32>
      %get3A_370 = arith.index_cast %add3A_126 : i32 to index
      %get3A_371 = arith.constant 48 : index
      %get3A_372 = tpu.vector_load %arg7[%get3A_370, %get3A_371] {strides = array<i32>} : memref<256x256xf32, #tpu.memory_space<vmem>>, vector<16xf32>,
      %mul3A_373 = arith.mulf %get3A_372, %get3A_59 : vector<16xf32>
      %add3A_374 = arith.addf %add3A_318, %mul3A_373 : vector<16xf32>
      %mul3A_375 = arith.mulf %get3A_372, %get3A_372 : vector<16xf32>
      %add3A_376 = arith.addf %add3A_320, %mul3A_375 : vector<16xf32>
      %get3A_377 = arith.index_cast %add3A_132 : i32 to index
      %get3A_378 = arith.constant 48 : index
      %get3A_379 = tpu.vector_load %arg7[%get3A_377, %get3A_378] {strides = array<i32>} : memref<256x256xf32, #tpu.memory_space<vmem>>, vector<16xf32>,
      %mul3A_380 = arith.mulf %get3A_379, %get3A_59 : vector<16xf32>
      %add3A_381 = arith.addf %add3A_325, %mul3A_380 : vector<16xf32>
      %mul3A_382 = arith.mulf %get3A_379, %get3A_379 : vector<16xf32>
      %add3A_383 = arith.addf %add3A_327, %mul3A_382 : vector<16xf32>
      %get3A_384 = arith.index_cast %add3A_138 : i32 to index
      %get3A_385 = arith.constant 48 : index
      %get3A_386 = tpu.vector_load %arg7[%get3A_384, %get3A_385] {strides = array<i32>} : memref<256x256xf32, #tpu.memory_space<vmem>>, vector<16xf32>,
      %mul3A_387 = arith.mulf %get3A_386, %get3A_59 : vector<16xf32>
      %add3A_388 = arith.addf %add3A_332, %mul3A_387 : vector<16xf32>
      %mul3A_389 = arith.mulf %get3A_386, %get3A_386 : vector<16xf32>
      %add3A_390 = arith.addf %add3A_334, %mul3A_389 : vector<16xf32>
      %get3A_391 = arith.index_cast %add3A_144 : i32 to index
      %get3A_392 = arith.constant 48 : index
      %get3A_393 = tpu.vector_load %arg7[%get3A_391, %get3A_392] {strides = array<i32>} : memref<256x256xf32, #tpu.memory_space<vmem>>, vector<16xf32>,
      %mul3A_394 = arith.mulf %get3A_393, %get3A_59 : vector<16xf32>
      %add3A_395 = arith.addf %add3A_339, %mul3A_394 : vector<16xf32>
      %mul3A_396 = arith.mulf %get3A_393, %get3A_393 : vector<16xf32>
      %add3A_397 = arith.addf %add3A_341, %mul3A_396 : vector<16xf32>
      %get3A_398 = arith.index_cast %add3A_150 : i32 to index
      %get3A_399 = arith.constant 48 : index
      %get3A_400 = tpu.vector_load %arg7[%get3A_398, %get3A_399] {strides = array<i32>} : memref<256x256xf32, #tpu.memory_space<vmem>>, vector<16xf32>,
      %mul3A_401 = arith.mulf %get3A_400, %get3A_59 : vector<16xf32>
      %add3A_402 = arith.addf %add3A_346, %mul3A_401 : vector<16xf32>
      %mul3A_403 = arith.mulf %get3A_400, %get3A_400 : vector<16xf32>
      %add3A_404 = arith.addf %add3A_348, %mul3A_403 : vector<16xf32>
      %get3A_405 = arith.index_cast %add3A_156 : i32 to index
      %get3A_406 = arith.constant 48 : index
      %get3A_407 = tpu.vector_load %arg7[%get3A_405, %get3A_406] {strides = array<i32>} : memref<256x256xf32, #tpu.memory_space<vmem>>, vector<16xf32>,
      %mul3A_408 = arith.mulf %get3A_407, %get3A_59 : vector<16xf32>
      %add3A_409 = arith.addf %add3A_353, %mul3A_408 : vector<16xf32>
      %mul3A_410 = arith.mulf %get3A_407, %get3A_407 : vector<16xf32>
      %add3A_411 = arith.addf %add3A_355, %mul3A_410 : vector<16xf32>
      %get3A_412 = arith.index_cast %add3A_162 : i32 to index
      %get3A_413 = arith.constant 48 : index
      %get3A_414 = tpu.vector_load %arg7[%get3A_412, %get3A_413] {strides = array<i32>} : memref<256x256xf32, #tpu.memory_space<vmem>>, vector<16xf32>,
      %mul3A_415 = arith.mulf %get3A_414, %get3A_59 : vector<16xf32>
      %add3A_416 = arith.addf %add3A_360, %mul3A_415 : vector<16xf32>
      %mul3A_417 = arith.mulf %get3A_414, %get3A_414 : vector<16xf32>
      %add3A_418 = arith.addf %add3A_362, %mul3A_417 : vector<16xf32>
      %get3A_419 = arith.index_cast %add3A_120 : i32 to index
      %get3A_420 = arith.constant 64 : index
      %get3A_421 = tpu.vector_load %arg7[%get3A_419, %get3A_420] {strides = array<i32>} : memref<256x256xf32, #tpu.memory_space<vmem>>, vector<16xf32>,
      %mul3A_422 = arith.mulf %get3A_421, %get3A_61 : vector<16xf32>
      %add3A_423 = arith.addf %add3A_367, %mul3A_422 : vector<16xf32>
      %mul3A_424 = arith.mulf %get3A_421, %get3A_421 : vector<16xf32>
      %add3A_425 = arith.addf %add3A_369, %mul3A_424 : vector<16xf32>
      %get3A_426 = arith.index_cast %add3A_126 : i32 to index
      %get3A_427 = arith.constant 64 : index
      %get3A_428 = tpu.vector_load %arg7[%get3A_426, %get3A_427] {strides = array<i32>} : memref<256x256xf32, #tpu.memory_space<vmem>>, vector<16xf32>,
      %mul3A_429 = arith.mulf %get3A_428, %get3A_61 : vector<16xf32>
      %add3A_430 = arith.addf %add3A_374, %mul3A_429 : vector<16xf32>
      %mul3A_431 = arith.mulf %get3A_428, %get3A_428 : vector<16xf32>
      %add3A_432 = arith.addf %add3A_376, %mul3A_431 : vector<16xf32>
      %get3A_433 = arith.index_cast %add3A_132 : i32 to index
      %get3A_434 = arith.constant 64 : index
      %get3A_435 = tpu.vector_load %arg7[%get3A_433, %get3A_434] {strides = array<i32>} : memref<256x256xf32, #tpu.memory_space<vmem>>, vector<16xf32>,
      %mul3A_436 = arith.mulf %get3A_435, %get3A_61 : vector<16xf32>
      %add3A_437 = arith.addf %add3A_381, %mul3A_436 : vector<16xf32>
      %mul3A_438 = arith.mulf %get3A_435, %get3A_435 : vector<16xf32>
      %add3A_439 = arith.addf %add3A_383, %mul3A_438 : vector<16xf32>
      %get3A_440 = arith.index_cast %add3A_138 : i32 to index
      %get3A_441 = arith.constant 64 : index
      %get3A_442 = tpu.vector_load %arg7[%get3A_440, %get3A_441] {strides = array<i32>} : memref<256x256xf32, #tpu.memory_space<vmem>>, vector<16xf32>,
      %mul3A_443 = arith.mulf %get3A_442, %get3A_61 : vector<16xf32>
      %add3A_444 = arith.addf %add3A_388, %mul3A_443 : vector<16xf32>
      %mul3A_445 = arith.mulf %get3A_442, %get3A_442 : vector<16xf32>
      %add3A_446 = arith.addf %add3A_390, %mul3A_445 : vector<16xf32>
      %get3A_447 = arith.index_cast %add3A_144 : i32 to index
      %get3A_448 = arith.constant 64 : index
      %get3A_449 = tpu.vector_load %arg7[%get3A_447, %get3A_448] {strides = array<i32>} : memref<256x256xf32, #tpu.memory_space<vmem>>, vector<16xf32>,
      %mul3A_450 = arith.mulf %get3A_449, %get3A_61 : vector<16xf32>
      %add3A_451 = arith.addf %add3A_395, %mul3A_450 : vector<16xf32>
      %mul3A_452 = arith.mulf %get3A_449, %get3A_449 : vector<16xf32>
      %add3A_453 = arith.addf %add3A_397, %mul3A_452 : vector<16xf32>
      %get3A_454 = arith.index_cast %add3A_150 : i32 to index
      %get3A_455 = arith.constant 64 : index
      %get3A_456 = tpu.vector_load %arg7[%get3A_454, %get3A_455] {strides = array<i32>} : memref<256x256xf32, #tpu.memory_space<vmem>>, vector<16xf32>,
      %mul3A_457 = arith.mulf %get3A_456, %get3A_61 : vector<16xf32>
      %add3A_458 = arith.addf %add3A_402, %mul3A_457 : vector<16xf32>
      %mul3A_459 = arith.mulf %get3A_456, %get3A_456 : vector<16xf32>
      %add3A_460 = arith.addf %add3A_404, %mul3A_459 : vector<16xf32>
      %get3A_461 = arith.index_cast %add3A_156 : i32 to index
      %get3A_462 = arith.constant 64 : index
      %get3A_463 = tpu.vector_load %arg7[%get3A_461, %get3A_462] {strides = array<i32>} : memref<256x256xf32, #tpu.memory_space<vmem>>, vector<16xf32>,
      %mul3A_464 = arith.mulf %get3A_463, %get3A_61 : vector<16xf32>
      %add3A_465 = arith.addf %add3A_409, %mul3A_464 : vector<16xf32>
      %mul3A_466 = arith.mulf %get3A_463, %get3A_463 : vector<16xf32>
      %add3A_467 = arith.addf %add3A_411, %mul3A_466 : vector<16xf32>
      %get3A_468 = arith.index_cast %add3A_162 : i32 to index
      %get3A_469 = arith.constant 64 : index
      %get3A_470 = tpu.vector_load %arg7[%get3A_468, %get3A_469] {strides = array<i32>} : memref<256x256xf32, #tpu.memory_space<vmem>>, vector<16xf32>,
      %mul3A_471 = arith.mulf %get3A_470, %get3A_61 : vector<16xf32>
      %add3A_472 = arith.addf %add3A_416, %mul3A_471 : vector<16xf32>
      %mul3A_473 = arith.mulf %get3A_470, %get3A_470 : vector<16xf32>
      %add3A_474 = arith.addf %add3A_418, %mul3A_473 : vector<16xf32>
      %get3A_475 = arith.index_cast %add3A_120 : i32 to index
      %get3A_476 = arith.constant 80 : index
      %get3A_477 = tpu.vector_load %arg7[%get3A_475, %get3A_476] {strides = array<i32>} : memref<256x256xf32, #tpu.memory_space<vmem>>, vector<16xf32>,
      %mul3A_478 = arith.mulf %get3A_477, %get3A_63 : vector<16xf32>
      %add3A_479 = arith.addf %add3A_423, %mul3A_478 : vector<16xf32>
      %mul3A_480 = arith.mulf %get3A_477, %get3A_477 : vector<16xf32>
      %add3A_481 = arith.addf %add3A_425, %mul3A_480 : vector<16xf32>
      %get3A_482 = arith.index_cast %add3A_126 : i32 to index
      %get3A_483 = arith.constant 80 : index
      %get3A_484 = tpu.vector_load %arg7[%get3A_482, %get3A_483] {strides = array<i32>} : memref<256x256xf32, #tpu.memory_space<vmem>>, vector<16xf32>,
      %mul3A_485 = arith.mulf %get3A_484, %get3A_63 : vector<16xf32>
      %add3A_486 = arith.addf %add3A_430, %mul3A_485 : vector<16xf32>
      %mul3A_487 = arith.mulf %get3A_484, %get3A_484 : vector<16xf32>
      %add3A_488 = arith.addf %add3A_432, %mul3A_487 : vector<16xf32>
      %get3A_489 = arith.index_cast %add3A_132 : i32 to index
      %get3A_490 = arith.constant 80 : index
      %get3A_491 = tpu.vector_load %arg7[%get3A_489, %get3A_490] {strides = array<i32>} : memref<256x256xf32, #tpu.memory_space<vmem>>, vector<16xf32>,
      %mul3A_492 = arith.mulf %get3A_491, %get3A_63 : vector<16xf32>
      %add3A_493 = arith.addf %add3A_437, %mul3A_492 : vector<16xf32>
      %mul3A_494 = arith.mulf %get3A_491, %get3A_491 : vector<16xf32>
      %add3A_495 = arith.addf %add3A_439, %mul3A_494 : vector<16xf32>
      %get3A_496 = arith.index_cast %add3A_138 : i32 to index
      %get3A_497 = arith.constant 80 : index
      %get3A_498 = tpu.vector_load %arg7[%get3A_496, %get3A_497] {strides = array<i32>} : memref<256x256xf32, #tpu.memory_space<vmem>>, vector<16xf32>,
      %mul3A_499 = arith.mulf %get3A_498, %get3A_63 : vector<16xf32>
      %add3A_500 = arith.addf %add3A_444, %mul3A_499 : vector<16xf32>
      %mul3A_501 = arith.mulf %get3A_498, %get3A_498 : vector<16xf32>
      %add3A_502 = arith.addf %add3A_446, %mul3A_501 : vector<16xf32>
      %get3A_503 = arith.index_cast %add3A_144 : i32 to index
      %get3A_504 = arith.constant 80 : index
      %get3A_505 = tpu.vector_load %arg7[%get3A_503, %get3A_504] {strides = array<i32>} : memref<256x256xf32, #tpu.memory_space<vmem>>, vector<16xf32>,
      %mul3A_506 = arith.mulf %get3A_505, %get3A_63 : vector<16xf32>
      %add3A_507 = arith.addf %add3A_451, %mul3A_506 : vector<16xf32>
      %mul3A_508 = arith.mulf %get3A_505, %get3A_505 : vector<16xf32>
      %add3A_509 = arith.addf %add3A_453, %mul3A_508 : vector<16xf32>
      %get3A_510 = arith.index_cast %add3A_150 : i32 to index
      %get3A_511 = arith.constant 80 : index
      %get3A_512 = tpu.vector_load %arg7[%get3A_510, %get3A_511] {strides = array<i32>} : memref<256x256xf32, #tpu.memory_space<vmem>>, vector<16xf32>,
      %mul3A_513 = arith.mulf %get3A_512, %get3A_63 : vector<16xf32>
      %add3A_514 = arith.addf %add3A_458, %mul3A_513 : vector<16xf32>
      %mul3A_515 = arith.mulf %get3A_512, %get3A_512 : vector<16xf32>
      %add3A_516 = arith.addf %add3A_460, %mul3A_515 : vector<16xf32>
      %get3A_517 = arith.index_cast %add3A_156 : i32 to index
      %get3A_518 = arith.constant 80 : index
      %get3A_519 = tpu.vector_load %arg7[%get3A_517, %get3A_518] {strides = array<i32>} : memref<256x256xf32, #tpu.memory_space<vmem>>, vector<16xf32>,
      %mul3A_520 = arith.mulf %get3A_519, %get3A_63 : vector<16xf32>
      %add3A_521 = arith.addf %add3A_465, %mul3A_520 : vector<16xf32>
      %mul3A_522 = arith.mulf %get3A_519, %get3A_519 : vector<16xf32>
      %add3A_523 = arith.addf %add3A_467, %mul3A_522 : vector<16xf32>
      %get3A_524 = arith.index_cast %add3A_162 : i32 to index
      %get3A_525 = arith.constant 80 : index
      %get3A_526 = tpu.vector_load %arg7[%get3A_524, %get3A_525] {strides = array<i32>} : memref<256x256xf32, #tpu.memory_space<vmem>>, vector<16xf32>,
      %mul3A_527 = arith.mulf %get3A_526, %get3A_63 : vector<16xf32>
      %add3A_528 = arith.addf %add3A_472, %mul3A_527 : vector<16xf32>
      %mul3A_529 = arith.mulf %get3A_526, %get3A_526 : vector<16xf32>
      %add3A_530 = arith.addf %add3A_474, %mul3A_529 : vector<16xf32>
      %get3A_531 = arith.index_cast %add3A_120 : i32 to index
      %get3A_532 = arith.constant 96 : index
      %get3A_533 = tpu.vector_load %arg7[%get3A_531, %get3A_532] {strides = array<i32>} : memref<256x256xf32, #tpu.memory_space<vmem>>, vector<16xf32>,
      %mul3A_534 = arith.mulf %get3A_533, %get3A_65 : vector<16xf32>
      %add3A_535 = arith.addf %add3A_479, %mul3A_534 : vector<16xf32>
      %mul3A_536 = arith.mulf %get3A_533, %get3A_533 : vector<16xf32>
      %add3A_537 = arith.addf %add3A_481, %mul3A_536 : vector<16xf32>
      %get3A_538 = arith.index_cast %add3A_126 : i32 to index
      %get3A_539 = arith.constant 96 : index
      %get3A_540 = tpu.vector_load %arg7[%get3A_538, %get3A_539] {strides = array<i32>} : memref<256x256xf32, #tpu.memory_space<vmem>>, vector<16xf32>,
      %mul3A_541 = arith.mulf %get3A_540, %get3A_65 : vector<16xf32>
      %add3A_542 = arith.addf %add3A_486, %mul3A_541 : vector<16xf32>
      %mul3A_543 = arith.mulf %get3A_540, %get3A_540 : vector<16xf32>
      %add3A_544 = arith.addf %add3A_488, %mul3A_543 : vector<16xf32>
      %get3A_545 = arith.index_cast %add3A_132 : i32 to index
      %get3A_546 = arith.constant 96 : index
      %get3A_547 = tpu.vector_load %arg7[%get3A_545, %get3A_546] {strides = array<i32>} : memref<256x256xf32, #tpu.memory_space<vmem>>, vector<16xf32>,
      %mul3A_548 = arith.mulf %get3A_547, %get3A_65 : vector<16xf32>
      %add3A_549 = arith.addf %add3A_493, %mul3A_548 : vector<16xf32>
      %mul3A_550 = arith.mulf %get3A_547, %get3A_547 : vector<16xf32>
      %add3A_551 = arith.addf %add3A_495, %mul3A_550 : vector<16xf32>
      %get3A_552 = arith.index_cast %add3A_138 : i32 to index
      %get3A_553 = arith.constant 96 : index
      %get3A_554 = tpu.vector_load %arg7[%get3A_552, %get3A_553] {strides = array<i32>} : memref<256x256xf32, #tpu.memory_space<vmem>>, vector<16xf32>,
      %mul3A_555 = arith.mulf %get3A_554, %get3A_65 : vector<16xf32>
      %add3A_556 = arith.addf %add3A_500, %mul3A_555 : vector<16xf32>
      %mul3A_557 = arith.mulf %get3A_554, %get3A_554 : vector<16xf32>
      %add3A_558 = arith.addf %add3A_502, %mul3A_557 : vector<16xf32>
      %get3A_559 = arith.index_cast %add3A_144 : i32 to index
      %get3A_560 = arith.constant 96 : index
      %get3A_561 = tpu.vector_load %arg7[%get3A_559, %get3A_560] {strides = array<i32>} : memref<256x256xf32, #tpu.memory_space<vmem>>, vector<16xf32>,
      %mul3A_562 = arith.mulf %get3A_561, %get3A_65 : vector<16xf32>
      %add3A_563 = arith.addf %add3A_507, %mul3A_562 : vector<16xf32>
      %mul3A_564 = arith.mulf %get3A_561, %get3A_561 : vector<16xf32>
      %add3A_565 = arith.addf %add3A_509, %mul3A_564 : vector<16xf32>
      %get3A_566 = arith.index_cast %add3A_150 : i32 to index
      %get3A_567 = arith.constant 96 : index
      %get3A_568 = tpu.vector_load %arg7[%get3A_566, %get3A_567] {strides = array<i32>} : memref<256x256xf32, #tpu.memory_space<vmem>>, vector<16xf32>,
      %mul3A_569 = arith.mulf %get3A_568, %get3A_65 : vector<16xf32>
      %add3A_570 = arith.addf %add3A_514, %mul3A_569 : vector<16xf32>
      %mul3A_571 = arith.mulf %get3A_568, %get3A_568 : vector<16xf32>
      %add3A_572 = arith.addf %add3A_516, %mul3A_571 : vector<16xf32>
      %get3A_573 = arith.index_cast %add3A_156 : i32 to index
      %get3A_574 = arith.constant 96 : index
      %get3A_575 = tpu.vector_load %arg7[%get3A_573, %get3A_574] {strides = array<i32>} : memref<256x256xf32, #tpu.memory_space<vmem>>, vector<16xf32>,
      %mul3A_576 = arith.mulf %get3A_575, %get3A_65 : vector<16xf32>
      %add3A_577 = arith.addf %add3A_521, %mul3A_576 : vector<16xf32>
      %mul3A_578 = arith.mulf %get3A_575, %get3A_575 : vector<16xf32>
      %add3A_579 = arith.addf %add3A_523, %mul3A_578 : vector<16xf32>
      %get3A_580 = arith.index_cast %add3A_162 : i32 to index
      %get3A_581 = arith.constant 96 : index
      %get3A_582 = tpu.vector_load %arg7[%get3A_580, %get3A_581] {strides = array<i32>} : memref<256x256xf32, #tpu.memory_space<vmem>>, vector<16xf32>,
      %mul3A_583 = arith.mulf %get3A_582, %get3A_65 : vector<16xf32>
      %add3A_584 = arith.addf %add3A_528, %mul3A_583 : vector<16xf32>
      %mul3A_585 = arith.mulf %get3A_582, %get3A_582 : vector<16xf32>
      %add3A_586 = arith.addf %add3A_530, %mul3A_585 : vector<16xf32>
      %get3A_587 = arith.index_cast %add3A_120 : i32 to index
      %get3A_588 = arith.constant 112 : index
      %get3A_589 = tpu.vector_load %arg7[%get3A_587, %get3A_588] {strides = array<i32>} : memref<256x256xf32, #tpu.memory_space<vmem>>, vector<16xf32>,
      %mul3A_590 = arith.mulf %get3A_589, %get3A_67 : vector<16xf32>
      %add3A_591 = arith.addf %add3A_535, %mul3A_590 : vector<16xf32>
      %mul3A_592 = arith.mulf %get3A_589, %get3A_589 : vector<16xf32>
      %add3A_593 = arith.addf %add3A_537, %mul3A_592 : vector<16xf32>
      %get3A_594 = arith.index_cast %add3A_126 : i32 to index
      %get3A_595 = arith.constant 112 : index
      %get3A_596 = tpu.vector_load %arg7[%get3A_594, %get3A_595] {strides = array<i32>} : memref<256x256xf32, #tpu.memory_space<vmem>>, vector<16xf32>,
      %mul3A_597 = arith.mulf %get3A_596, %get3A_67 : vector<16xf32>
      %add3A_598 = arith.addf %add3A_542, %mul3A_597 : vector<16xf32>
      %mul3A_599 = arith.mulf %get3A_596, %get3A_596 : vector<16xf32>
      %add3A_600 = arith.addf %add3A_544, %mul3A_599 : vector<16xf32>
      %get3A_601 = arith.index_cast %add3A_132 : i32 to index
      %get3A_602 = arith.constant 112 : index
      %get3A_603 = tpu.vector_load %arg7[%get3A_601, %get3A_602] {strides = array<i32>} : memref<256x256xf32, #tpu.memory_space<vmem>>, vector<16xf32>,
      %mul3A_604 = arith.mulf %get3A_603, %get3A_67 : vector<16xf32>
      %add3A_605 = arith.addf %add3A_549, %mul3A_604 : vector<16xf32>
      %mul3A_606 = arith.mulf %get3A_603, %get3A_603 : vector<16xf32>
      %add3A_607 = arith.addf %add3A_551, %mul3A_606 : vector<16xf32>
      %get3A_608 = arith.index_cast %add3A_138 : i32 to index
      %get3A_609 = arith.constant 112 : index
      %get3A_610 = tpu.vector_load %arg7[%get3A_608, %get3A_609] {strides = array<i32>} : memref<256x256xf32, #tpu.memory_space<vmem>>, vector<16xf32>,
      %mul3A_611 = arith.mulf %get3A_610, %get3A_67 : vector<16xf32>
      %add3A_612 = arith.addf %add3A_556, %mul3A_611 : vector<16xf32>
      %mul3A_613 = arith.mulf %get3A_610, %get3A_610 : vector<16xf32>
      %add3A_614 = arith.addf %add3A_558, %mul3A_613 : vector<16xf32>
      %get3A_615 = arith.index_cast %add3A_144 : i32 to index
      %get3A_616 = arith.constant 112 : index
      %get3A_617 = tpu.vector_load %arg7[%get3A_615, %get3A_616] {strides = array<i32>} : memref<256x256xf32, #tpu.memory_space<vmem>>, vector<16xf32>,
      %mul3A_618 = arith.mulf %get3A_617, %get3A_67 : vector<16xf32>
      %add3A_619 = arith.addf %add3A_563, %mul3A_618 : vector<16xf32>
      %mul3A_620 = arith.mulf %get3A_617, %get3A_617 : vector<16xf32>
      %add3A_621 = arith.addf %add3A_565, %mul3A_620 : vector<16xf32>
      %get3A_622 = arith.index_cast %add3A_150 : i32 to index
      %get3A_623 = arith.constant 112 : index
      %get3A_624 = tpu.vector_load %arg7[%get3A_622, %get3A_623] {strides = array<i32>} : memref<256x256xf32, #tpu.memory_space<vmem>>, vector<16xf32>,
      %mul3A_625 = arith.mulf %get3A_624, %get3A_67 : vector<16xf32>
      %add3A_626 = arith.addf %add3A_570, %mul3A_625 : vector<16xf32>
      %mul3A_627 = arith.mulf %get3A_624, %get3A_624 : vector<16xf32>
      %add3A_628 = arith.addf %add3A_572, %mul3A_627 : vector<16xf32>
      %get3A_629 = arith.index_cast %add3A_156 : i32 to index
      %get3A_630 = arith.constant 112 : index
      %get3A_631 = tpu.vector_load %arg7[%get3A_629, %get3A_630] {strides = array<i32>} : memref<256x256xf32, #tpu.memory_space<vmem>>, vector<16xf32>,
      %mul3A_632 = arith.mulf %get3A_631, %get3A_67 : vector<16xf32>
      %add3A_633 = arith.addf %add3A_577, %mul3A_632 : vector<16xf32>
      %mul3A_634 = arith.mulf %get3A_631, %get3A_631 : vector<16xf32>
      %add3A_635 = arith.addf %add3A_579, %mul3A_634 : vector<16xf32>
      %get3A_636 = arith.index_cast %add3A_162 : i32 to index
      %get3A_637 = arith.constant 112 : index
      %get3A_638 = tpu.vector_load %arg7[%get3A_636, %get3A_637] {strides = array<i32>} : memref<256x256xf32, #tpu.memory_space<vmem>>, vector<16xf32>,
      %mul3A_639 = arith.mulf %get3A_638, %get3A_67 : vector<16xf32>
      %add3A_640 = arith.addf %add3A_584, %mul3A_639 : vector<16xf32>
      %mul3A_641 = arith.mulf %get3A_638, %get3A_638 : vector<16xf32>
      %add3A_642 = arith.addf %add3A_586, %mul3A_641 : vector<16xf32>
      %get3A_643 = arith.index_cast %add3A_120 : i32 to index
      %get3A_644 = arith.constant 128 : index
      %get3A_645 = tpu.vector_load %arg7[%get3A_643, %get3A_644] {strides = array<i32>} : memref<256x256xf32, #tpu.memory_space<vmem>>, vector<16xf32>,
      %mul3A_646 = arith.mulf %get3A_645, %get3A_69 : vector<16xf32>
      %add3A_647 = arith.addf %add3A_591, %mul3A_646 : vector<16xf32>
      %mul3A_648 = arith.mulf %get3A_645, %get3A_645 : vector<16xf32>
      %add3A_649 = arith.addf %add3A_593, %mul3A_648 : vector<16xf32>
      %get3A_650 = arith.index_cast %add3A_126 : i32 to index
      %get3A_651 = arith.constant 128 : index
      %get3A_652 = tpu.vector_load %arg7[%get3A_650, %get3A_651] {strides = array<i32>} : memref<256x256xf32, #tpu.memory_space<vmem>>, vector<16xf32>,
      %mul3A_653 = arith.mulf %get3A_652, %get3A_69 : vector<16xf32>
      %add3A_654 = arith.addf %add3A_598, %mul3A_653 : vector<16xf32>
      %mul3A_655 = arith.mulf %get3A_652, %get3A_652 : vector<16xf32>
      %add3A_656 = arith.addf %add3A_600, %mul3A_655 : vector<16xf32>
      %get3A_657 = arith.index_cast %add3A_132 : i32 to index
      %get3A_658 = arith.constant 128 : index
      %get3A_659 = tpu.vector_load %arg7[%get3A_657, %get3A_658] {strides = array<i32>} : memref<256x256xf32, #tpu.memory_space<vmem>>, vector<16xf32>,
      %mul3A_660 = arith.mulf %get3A_659, %get3A_69 : vector<16xf32>
      %add3A_661 = arith.addf %add3A_605, %mul3A_660 : vector<16xf32>
      %mul3A_662 = arith.mulf %get3A_659, %get3A_659 : vector<16xf32>
      %add3A_663 = arith.addf %add3A_607, %mul3A_662 : vector<16xf32>
      %get3A_664 = arith.index_cast %add3A_138 : i32 to index
      %get3A_665 = arith.constant 128 : index
      %get3A_666 = tpu.vector_load %arg7[%get3A_664, %get3A_665] {strides = array<i32>} : memref<256x256xf32, #tpu.memory_space<vmem>>, vector<16xf32>,
      %mul3A_667 = arith.mulf %get3A_666, %get3A_69 : vector<16xf32>
      %add3A_668 = arith.addf %add3A_612, %mul3A_667 : vector<16xf32>
      %mul3A_669 = arith.mulf %get3A_666, %get3A_666 : vector<16xf32>
      %add3A_670 = arith.addf %add3A_614, %mul3A_669 : vector<16xf32>
      %get3A_671 = arith.index_cast %add3A_144 : i32 to index
      %get3A_672 = arith.constant 128 : index
      %get3A_673 = tpu.vector_load %arg7[%get3A_671, %get3A_672] {strides = array<i32>} : memref<256x256xf32, #tpu.memory_space<vmem>>, vector<16xf32>,
      %mul3A_674 = arith.mulf %get3A_673, %get3A_69 : vector<16xf32>
      %add3A_675 = arith.addf %add3A_619, %mul3A_674 : vector<16xf32>
      %mul3A_676 = arith.mulf %get3A_673, %get3A_673 : vector<16xf32>
      %add3A_677 = arith.addf %add3A_621, %mul3A_676 : vector<16xf32>
      %get3A_678 = arith.index_cast %add3A_150 : i32 to index
      %get3A_679 = arith.constant 128 : index
      %get3A_680 = tpu.vector_load %arg7[%get3A_678, %get3A_679] {strides = array<i32>} : memref<256x256xf32, #tpu.memory_space<vmem>>, vector<16xf32>,
      %mul3A_681 = arith.mulf %get3A_680, %get3A_69 : vector<16xf32>
      %add3A_682 = arith.addf %add3A_626, %mul3A_681 : vector<16xf32>
      %mul3A_683 = arith.mulf %get3A_680, %get3A_680 : vector<16xf32>
      %add3A_684 = arith.addf %add3A_628, %mul3A_683 : vector<16xf32>
      %get3A_685 = arith.index_cast %add3A_156 : i32 to index
      %get3A_686 = arith.constant 128 : index
      %get3A_687 = tpu.vector_load %arg7[%get3A_685, %get3A_686] {strides = array<i32>} : memref<256x256xf32, #tpu.memory_space<vmem>>, vector<16xf32>,
      %mul3A_688 = arith.mulf %get3A_687, %get3A_69 : vector<16xf32>
      %add3A_689 = arith.addf %add3A_633, %mul3A_688 : vector<16xf32>
      %mul3A_690 = arith.mulf %get3A_687, %get3A_687 : vector<16xf32>
      %add3A_691 = arith.addf %add3A_635, %mul3A_690 : vector<16xf32>
      %get3A_692 = arith.index_cast %add3A_162 : i32 to index
      %get3A_693 = arith.constant 128 : index
      %get3A_694 = tpu.vector_load %arg7[%get3A_692, %get3A_693] {strides = array<i32>} : memref<256x256xf32, #tpu.memory_space<vmem>>, vector<16xf32>,
      %mul3A_695 = arith.mulf %get3A_694, %get3A_69 : vector<16xf32>
      %add3A_696 = arith.addf %add3A_640, %mul3A_695 : vector<16xf32>
      %mul3A_697 = arith.mulf %get3A_694, %get3A_694 : vector<16xf32>
      %add3A_698 = arith.addf %add3A_642, %mul3A_697 : vector<16xf32>
      %get3A_699 = arith.index_cast %add3A_120 : i32 to index
      %get3A_700 = arith.constant 144 : index
      %get3A_701 = tpu.vector_load %arg7[%get3A_699, %get3A_700] {strides = array<i32>} : memref<256x256xf32, #tpu.memory_space<vmem>>, vector<16xf32>,
      %mul3A_702 = arith.mulf %get3A_701, %get3A_71 : vector<16xf32>
      %add3A_703 = arith.addf %add3A_647, %mul3A_702 : vector<16xf32>
      %mul3A_704 = arith.mulf %get3A_701, %get3A_701 : vector<16xf32>
      %add3A_705 = arith.addf %add3A_649, %mul3A_704 : vector<16xf32>
      %get3A_706 = arith.index_cast %add3A_126 : i32 to index
      %get3A_707 = arith.constant 144 : index
      %get3A_708 = tpu.vector_load %arg7[%get3A_706, %get3A_707] {strides = array<i32>} : memref<256x256xf32, #tpu.memory_space<vmem>>, vector<16xf32>,
      %mul3A_709 = arith.mulf %get3A_708, %get3A_71 : vector<16xf32>
      %add3A_710 = arith.addf %add3A_654, %mul3A_709 : vector<16xf32>
      %mul3A_711 = arith.mulf %get3A_708, %get3A_708 : vector<16xf32>
      %add3A_712 = arith.addf %add3A_656, %mul3A_711 : vector<16xf32>
      %get3A_713 = arith.index_cast %add3A_132 : i32 to index
      %get3A_714 = arith.constant 144 : index
      %get3A_715 = tpu.vector_load %arg7[%get3A_713, %get3A_714] {strides = array<i32>} : memref<256x256xf32, #tpu.memory_space<vmem>>, vector<16xf32>,
      %mul3A_716 = arith.mulf %get3A_715, %get3A_71 : vector<16xf32>
      %add3A_717 = arith.addf %add3A_661, %mul3A_716 : vector<16xf32>
      %mul3A_718 = arith.mulf %get3A_715, %get3A_715 : vector<16xf32>
      %add3A_719 = arith.addf %add3A_663, %mul3A_718 : vector<16xf32>
      %get3A_720 = arith.index_cast %add3A_138 : i32 to index
      %get3A_721 = arith.constant 144 : index
      %get3A_722 = tpu.vector_load %arg7[%get3A_720, %get3A_721] {strides = array<i32>} : memref<256x256xf32, #tpu.memory_space<vmem>>, vector<16xf32>,
      %mul3A_723 = arith.mulf %get3A_722, %get3A_71 : vector<16xf32>
      %add3A_724 = arith.addf %add3A_668, %mul3A_723 : vector<16xf32>
      %mul3A_725 = arith.mulf %get3A_722, %get3A_722 : vector<16xf32>
      %add3A_726 = arith.addf %add3A_670, %mul3A_725 : vector<16xf32>
      %get3A_727 = arith.index_cast %add3A_144 : i32 to index
      %get3A_728 = arith.constant 144 : index
      %get3A_729 = tpu.vector_load %arg7[%get3A_727, %get3A_728] {strides = array<i32>} : memref<256x256xf32, #tpu.memory_space<vmem>>, vector<16xf32>,
      %mul3A_730 = arith.mulf %get3A_729, %get3A_71 : vector<16xf32>
      %add3A_731 = arith.addf %add3A_675, %mul3A_730 : vector<16xf32>
      %mul3A_732 = arith.mulf %get3A_729, %get3A_729 : vector<16xf32>
      %add3A_733 = arith.addf %add3A_677, %mul3A_732 : vector<16xf32>
      %get3A_734 = arith.index_cast %add3A_150 : i32 to index
      %get3A_735 = arith.constant 144 : index
      %get3A_736 = tpu.vector_load %arg7[%get3A_734, %get3A_735] {strides = array<i32>} : memref<256x256xf32, #tpu.memory_space<vmem>>, vector<16xf32>,
      %mul3A_737 = arith.mulf %get3A_736, %get3A_71 : vector<16xf32>
      %add3A_738 = arith.addf %add3A_682, %mul3A_737 : vector<16xf32>
      %mul3A_739 = arith.mulf %get3A_736, %get3A_736 : vector<16xf32>
      %add3A_740 = arith.addf %add3A_684, %mul3A_739 : vector<16xf32>
      %get3A_741 = arith.index_cast %add3A_156 : i32 to index
      %get3A_742 = arith.constant 144 : index
      %get3A_743 = tpu.vector_load %arg7[%get3A_741, %get3A_742] {strides = array<i32>} : memref<256x256xf32, #tpu.memory_space<vmem>>, vector<16xf32>,
      %mul3A_744 = arith.mulf %get3A_743, %get3A_71 : vector<16xf32>
      %add3A_745 = arith.addf %add3A_689, %mul3A_744 : vector<16xf32>
      %mul3A_746 = arith.mulf %get3A_743, %get3A_743 : vector<16xf32>
      %add3A_747 = arith.addf %add3A_691, %mul3A_746 : vector<16xf32>
      %get3A_748 = arith.index_cast %add3A_162 : i32 to index
      %get3A_749 = arith.constant 144 : index
      %get3A_750 = tpu.vector_load %arg7[%get3A_748, %get3A_749] {strides = array<i32>} : memref<256x256xf32, #tpu.memory_space<vmem>>, vector<16xf32>,
      %mul3A_751 = arith.mulf %get3A_750, %get3A_71 : vector<16xf32>
      %add3A_752 = arith.addf %add3A_696, %mul3A_751 : vector<16xf32>
      %mul3A_753 = arith.mulf %get3A_750, %get3A_750 : vector<16xf32>
      %add3A_754 = arith.addf %add3A_698, %mul3A_753 : vector<16xf32>
      %get3A_755 = arith.index_cast %add3A_120 : i32 to index
      %get3A_756 = arith.constant 160 : index
      %get3A_757 = tpu.vector_load %arg7[%get3A_755, %get3A_756] {strides = array<i32>} : memref<256x256xf32, #tpu.memory_space<vmem>>, vector<16xf32>,
      %mul3A_758 = arith.mulf %get3A_757, %get3A_73 : vector<16xf32>
      %add3A_759 = arith.addf %add3A_703, %mul3A_758 : vector<16xf32>
      %mul3A_760 = arith.mulf %get3A_757, %get3A_757 : vector<16xf32>
      %add3A_761 = arith.addf %add3A_705, %mul3A_760 : vector<16xf32>
      %get3A_762 = arith.index_cast %add3A_126 : i32 to index
      %get3A_763 = arith.constant 160 : index
      %get3A_764 = tpu.vector_load %arg7[%get3A_762, %get3A_763] {strides = array<i32>} : memref<256x256xf32, #tpu.memory_space<vmem>>, vector<16xf32>,
      %mul3A_765 = arith.mulf %get3A_764, %get3A_73 : vector<16xf32>
      %add3A_766 = arith.addf %add3A_710, %mul3A_765 : vector<16xf32>
      %mul3A_767 = arith.mulf %get3A_764, %get3A_764 : vector<16xf32>
      %add3A_768 = arith.addf %add3A_712, %mul3A_767 : vector<16xf32>
      %get3A_769 = arith.index_cast %add3A_132 : i32 to index
      %get3A_770 = arith.constant 160 : index
      %get3A_771 = tpu.vector_load %arg7[%get3A_769, %get3A_770] {strides = array<i32>} : memref<256x256xf32, #tpu.memory_space<vmem>>, vector<16xf32>,
      %mul3A_772 = arith.mulf %get3A_771, %get3A_73 : vector<16xf32>
      %add3A_773 = arith.addf %add3A_717, %mul3A_772 : vector<16xf32>
      %mul3A_774 = arith.mulf %get3A_771, %get3A_771 : vector<16xf32>
      %add3A_775 = arith.addf %add3A_719, %mul3A_774 : vector<16xf32>
      %get3A_776 = arith.index_cast %add3A_138 : i32 to index
      %get3A_777 = arith.constant 160 : index
      %get3A_778 = tpu.vector_load %arg7[%get3A_776, %get3A_777] {strides = array<i32>} : memref<256x256xf32, #tpu.memory_space<vmem>>, vector<16xf32>,
      %mul3A_779 = arith.mulf %get3A_778, %get3A_73 : vector<16xf32>
      %add3A_780 = arith.addf %add3A_724, %mul3A_779 : vector<16xf32>
      %mul3A_781 = arith.mulf %get3A_778, %get3A_778 : vector<16xf32>
      %add3A_782 = arith.addf %add3A_726, %mul3A_781 : vector<16xf32>
      %get3A_783 = arith.index_cast %add3A_144 : i32 to index
      %get3A_784 = arith.constant 160 : index
      %get3A_785 = tpu.vector_load %arg7[%get3A_783, %get3A_784] {strides = array<i32>} : memref<256x256xf32, #tpu.memory_space<vmem>>, vector<16xf32>,
      %mul3A_786 = arith.mulf %get3A_785, %get3A_73 : vector<16xf32>
      %add3A_787 = arith.addf %add3A_731, %mul3A_786 : vector<16xf32>
      %mul3A_788 = arith.mulf %get3A_785, %get3A_785 : vector<16xf32>
      %add3A_789 = arith.addf %add3A_733, %mul3A_788 : vector<16xf32>
      %get3A_790 = arith.index_cast %add3A_150 : i32 to index
      %get3A_791 = arith.constant 160 : index
      %get3A_792 = tpu.vector_load %arg7[%get3A_790, %get3A_791] {strides = array<i32>} : memref<256x256xf32, #tpu.memory_space<vmem>>, vector<16xf32>,
      %mul3A_793 = arith.mulf %get3A_792, %get3A_73 : vector<16xf32>
      %add3A_794 = arith.addf %add3A_738, %mul3A_793 : vector<16xf32>
      %mul3A_795 = arith.mulf %get3A_792, %get3A_792 : vector<16xf32>
      %add3A_796 = arith.addf %add3A_740, %mul3A_795 : vector<16xf32>
      %get3A_797 = arith.index_cast %add3A_156 : i32 to index
      %get3A_798 = arith.constant 160 : index
      %get3A_799 = tpu.vector_load %arg7[%get3A_797, %get3A_798] {strides = array<i32>} : memref<256x256xf32, #tpu.memory_space<vmem>>, vector<16xf32>,
      %mul3A_800 = arith.mulf %get3A_799, %get3A_73 : vector<16xf32>
      %add3A_801 = arith.addf %add3A_745, %mul3A_800 : vector<16xf32>
      %mul3A_802 = arith.mulf %get3A_799, %get3A_799 : vector<16xf32>
      %add3A_803 = arith.addf %add3A_747, %mul3A_802 : vector<16xf32>
      %get3A_804 = arith.index_cast %add3A_162 : i32 to index
      %get3A_805 = arith.constant 160 : index
      %get3A_806 = tpu.vector_load %arg7[%get3A_804, %get3A_805] {strides = array<i32>} : memref<256x256xf32, #tpu.memory_space<vmem>>, vector<16xf32>,
      %mul3A_807 = arith.mulf %get3A_806, %get3A_73 : vector<16xf32>
      %add3A_808 = arith.addf %add3A_752, %mul3A_807 : vector<16xf32>
      %mul3A_809 = arith.mulf %get3A_806, %get3A_806 : vector<16xf32>
      %add3A_810 = arith.addf %add3A_754, %mul3A_809 : vector<16xf32>
      %get3A_811 = arith.index_cast %add3A_120 : i32 to index
      %get3A_812 = arith.constant 176 : index
      %get3A_813 = tpu.vector_load %arg7[%get3A_811, %get3A_812] {strides = array<i32>} : memref<256x256xf32, #tpu.memory_space<vmem>>, vector<16xf32>,
      %mul3A_814 = arith.mulf %get3A_813, %get3A_75 : vector<16xf32>
      %add3A_815 = arith.addf %add3A_759, %mul3A_814 : vector<16xf32>
      %mul3A_816 = arith.mulf %get3A_813, %get3A_813 : vector<16xf32>
      %add3A_817 = arith.addf %add3A_761, %mul3A_816 : vector<16xf32>
      %get3A_818 = arith.index_cast %add3A_126 : i32 to index
      %get3A_819 = arith.constant 176 : index
      %get3A_820 = tpu.vector_load %arg7[%get3A_818, %get3A_819] {strides = array<i32>} : memref<256x256xf32, #tpu.memory_space<vmem>>, vector<16xf32>,
      %mul3A_821 = arith.mulf %get3A_820, %get3A_75 : vector<16xf32>
      %add3A_822 = arith.addf %add3A_766, %mul3A_821 : vector<16xf32>
      %mul3A_823 = arith.mulf %get3A_820, %get3A_820 : vector<16xf32>
      %add3A_824 = arith.addf %add3A_768, %mul3A_823 : vector<16xf32>
      %get3A_825 = arith.index_cast %add3A_132 : i32 to index
      %get3A_826 = arith.constant 176 : index
      %get3A_827 = tpu.vector_load %arg7[%get3A_825, %get3A_826] {strides = array<i32>} : memref<256x256xf32, #tpu.memory_space<vmem>>, vector<16xf32>,
      %mul3A_828 = arith.mulf %get3A_827, %get3A_75 : vector<16xf32>
      %add3A_829 = arith.addf %add3A_773, %mul3A_828 : vector<16xf32>
      %mul3A_830 = arith.mulf %get3A_827, %get3A_827 : vector<16xf32>
      %add3A_831 = arith.addf %add3A_775, %mul3A_830 : vector<16xf32>
      %get3A_832 = arith.index_cast %add3A_138 : i32 to index
      %get3A_833 = arith.constant 176 : index
      %get3A_834 = tpu.vector_load %arg7[%get3A_832, %get3A_833] {strides = array<i32>} : memref<256x256xf32, #tpu.memory_space<vmem>>, vector<16xf32>,
      %mul3A_835 = arith.mulf %get3A_834, %get3A_75 : vector<16xf32>
      %add3A_836 = arith.addf %add3A_780, %mul3A_835 : vector<16xf32>
      %mul3A_837 = arith.mulf %get3A_834, %get3A_834 : vector<16xf32>
      %add3A_838 = arith.addf %add3A_782, %mul3A_837 : vector<16xf32>
      %get3A_839 = arith.index_cast %add3A_144 : i32 to index
      %get3A_840 = arith.constant 176 : index
      %get3A_841 = tpu.vector_load %arg7[%get3A_839, %get3A_840] {strides = array<i32>} : memref<256x256xf32, #tpu.memory_space<vmem>>, vector<16xf32>,
      %mul3A_842 = arith.mulf %get3A_841, %get3A_75 : vector<16xf32>
      %add3A_843 = arith.addf %add3A_787, %mul3A_842 : vector<16xf32>
      %mul3A_844 = arith.mulf %get3A_841, %get3A_841 : vector<16xf32>
      %add3A_845 = arith.addf %add3A_789, %mul3A_844 : vector<16xf32>
      %get3A_846 = arith.index_cast %add3A_150 : i32 to index
      %get3A_847 = arith.constant 176 : index
      %get3A_848 = tpu.vector_load %arg7[%get3A_846, %get3A_847] {strides = array<i32>} : memref<256x256xf32, #tpu.memory_space<vmem>>, vector<16xf32>,
      %mul3A_849 = arith.mulf %get3A_848, %get3A_75 : vector<16xf32>
      %add3A_850 = arith.addf %add3A_794, %mul3A_849 : vector<16xf32>
      %mul3A_851 = arith.mulf %get3A_848, %get3A_848 : vector<16xf32>
      %add3A_852 = arith.addf %add3A_796, %mul3A_851 : vector<16xf32>
      %get3A_853 = arith.index_cast %add3A_156 : i32 to index
      %get3A_854 = arith.constant 176 : index
      %get3A_855 = tpu.vector_load %arg7[%get3A_853, %get3A_854] {strides = array<i32>} : memref<256x256xf32, #tpu.memory_space<vmem>>, vector<16xf32>,
      %mul3A_856 = arith.mulf %get3A_855, %get3A_75 : vector<16xf32>
      %add3A_857 = arith.addf %add3A_801, %mul3A_856 : vector<16xf32>
      %mul3A_858 = arith.mulf %get3A_855, %get3A_855 : vector<16xf32>
      %add3A_859 = arith.addf %add3A_803, %mul3A_858 : vector<16xf32>
      %get3A_860 = arith.index_cast %add3A_162 : i32 to index
      %get3A_861 = arith.constant 176 : index
      %get3A_862 = tpu.vector_load %arg7[%get3A_860, %get3A_861] {strides = array<i32>} : memref<256x256xf32, #tpu.memory_space<vmem>>, vector<16xf32>,
      %mul3A_863 = arith.mulf %get3A_862, %get3A_75 : vector<16xf32>
      %add3A_864 = arith.addf %add3A_808, %mul3A_863 : vector<16xf32>
      %mul3A_865 = arith.mulf %get3A_862, %get3A_862 : vector<16xf32>
      %add3A_866 = arith.addf %add3A_810, %mul3A_865 : vector<16xf32>
      %get3A_867 = arith.index_cast %add3A_120 : i32 to index
      %get3A_868 = arith.constant 192 : index
      %get3A_869 = tpu.vector_load %arg7[%get3A_867, %get3A_868] {strides = array<i32>} : memref<256x256xf32, #tpu.memory_space<vmem>>, vector<16xf32>,
      %mul3A_870 = arith.mulf %get3A_869, %get3A_77 : vector<16xf32>
      %add3A_871 = arith.addf %add3A_815, %mul3A_870 : vector<16xf32>
      %mul3A_872 = arith.mulf %get3A_869, %get3A_869 : vector<16xf32>
      %add3A_873 = arith.addf %add3A_817, %mul3A_872 : vector<16xf32>
      %get3A_874 = arith.index_cast %add3A_126 : i32 to index
      %get3A_875 = arith.constant 192 : index
      %get3A_876 = tpu.vector_load %arg7[%get3A_874, %get3A_875] {strides = array<i32>} : memref<256x256xf32, #tpu.memory_space<vmem>>, vector<16xf32>,
      %mul3A_877 = arith.mulf %get3A_876, %get3A_77 : vector<16xf32>
      %add3A_878 = arith.addf %add3A_822, %mul3A_877 : vector<16xf32>
      %mul3A_879 = arith.mulf %get3A_876, %get3A_876 : vector<16xf32>
      %add3A_880 = arith.addf %add3A_824, %mul3A_879 : vector<16xf32>
      %get3A_881 = arith.index_cast %add3A_132 : i32 to index
      %get3A_882 = arith.constant 192 : index
      %get3A_883 = tpu.vector_load %arg7[%get3A_881, %get3A_882] {strides = array<i32>} : memref<256x256xf32, #tpu.memory_space<vmem>>, vector<16xf32>,
      %mul3A_884 = arith.mulf %get3A_883, %get3A_77 : vector<16xf32>
      %add3A_885 = arith.addf %add3A_829, %mul3A_884 : vector<16xf32>
      %mul3A_886 = arith.mulf %get3A_883, %get3A_883 : vector<16xf32>
      %add3A_887 = arith.addf %add3A_831, %mul3A_886 : vector<16xf32>
      %get3A_888 = arith.index_cast %add3A_138 : i32 to index
      %get3A_889 = arith.constant 192 : index
      %get3A_890 = tpu.vector_load %arg7[%get3A_888, %get3A_889] {strides = array<i32>} : memref<256x256xf32, #tpu.memory_space<vmem>>, vector<16xf32>,
      %mul3A_891 = arith.mulf %get3A_890, %get3A_77 : vector<16xf32>
      %add3A_892 = arith.addf %add3A_836, %mul3A_891 : vector<16xf32>
      %mul3A_893 = arith.mulf %get3A_890, %get3A_890 : vector<16xf32>
      %add3A_894 = arith.addf %add3A_838, %mul3A_893 : vector<16xf32>
      %get3A_895 = arith.index_cast %add3A_144 : i32 to index
      %get3A_896 = arith.constant 192 : index
      %get3A_897 = tpu.vector_load %arg7[%get3A_895, %get3A_896] {strides = array<i32>} : memref<256x256xf32, #tpu.memory_space<vmem>>, vector<16xf32>,
      %mul3A_898 = arith.mulf %get3A_897, %get3A_77 : vector<16xf32>
      %add3A_899 = arith.addf %add3A_843, %mul3A_898 : vector<16xf32>
      %mul3A_900 = arith.mulf %get3A_897, %get3A_897 : vector<16xf32>
      %add3A_901 = arith.addf %add3A_845, %mul3A_900 : vector<16xf32>
      %get3A_902 = arith.index_cast %add3A_150 : i32 to index
      %get3A_903 = arith.constant 192 : index
      %get3A_904 = tpu.vector_load %arg7[%get3A_902, %get3A_903] {strides = array<i32>} : memref<256x256xf32, #tpu.memory_space<vmem>>, vector<16xf32>,
      %mul3A_905 = arith.mulf %get3A_904, %get3A_77 : vector<16xf32>
      %add3A_906 = arith.addf %add3A_850, %mul3A_905 : vector<16xf32>
      %mul3A_907 = arith.mulf %get3A_904, %get3A_904 : vector<16xf32>
      %add3A_908 = arith.addf %add3A_852, %mul3A_907 : vector<16xf32>
      %get3A_909 = arith.index_cast %add3A_156 : i32 to index
      %get3A_910 = arith.constant 192 : index
      %get3A_911 = tpu.vector_load %arg7[%get3A_909, %get3A_910] {strides = array<i32>} : memref<256x256xf32, #tpu.memory_space<vmem>>, vector<16xf32>,
      %mul3A_912 = arith.mulf %get3A_911, %get3A_77 : vector<16xf32>
      %add3A_913 = arith.addf %add3A_857, %mul3A_912 : vector<16xf32>
      %mul3A_914 = arith.mulf %get3A_911, %get3A_911 : vector<16xf32>
      %add3A_915 = arith.addf %add3A_859, %mul3A_914 : vector<16xf32>
      %get3A_916 = arith.index_cast %add3A_162 : i32 to index
      %get3A_917 = arith.constant 192 : index
      %get3A_918 = tpu.vector_load %arg7[%get3A_916, %get3A_917] {strides = array<i32>} : memref<256x256xf32, #tpu.memory_space<vmem>>, vector<16xf32>,
      %mul3A_919 = arith.mulf %get3A_918, %get3A_77 : vector<16xf32>
      %add3A_920 = arith.addf %add3A_864, %mul3A_919 : vector<16xf32>
      %mul3A_921 = arith.mulf %get3A_918, %get3A_918 : vector<16xf32>
      %add3A_922 = arith.addf %add3A_866, %mul3A_921 : vector<16xf32>
      %get3A_923 = arith.index_cast %add3A_120 : i32 to index
      %get3A_924 = arith.constant 208 : index
      %get3A_925 = tpu.vector_load %arg7[%get3A_923, %get3A_924] {strides = array<i32>} : memref<256x256xf32, #tpu.memory_space<vmem>>, vector<16xf32>,
      %mul3A_926 = arith.mulf %get3A_925, %get3A_79 : vector<16xf32>
      %add3A_927 = arith.addf %add3A_871, %mul3A_926 : vector<16xf32>
      %mul3A_928 = arith.mulf %get3A_925, %get3A_925 : vector<16xf32>
      %add3A_929 = arith.addf %add3A_873, %mul3A_928 : vector<16xf32>
      %get3A_930 = arith.index_cast %add3A_126 : i32 to index
      %get3A_931 = arith.constant 208 : index
      %get3A_932 = tpu.vector_load %arg7[%get3A_930, %get3A_931] {strides = array<i32>} : memref<256x256xf32, #tpu.memory_space<vmem>>, vector<16xf32>,
      %mul3A_933 = arith.mulf %get3A_932, %get3A_79 : vector<16xf32>
      %add3A_934 = arith.addf %add3A_878, %mul3A_933 : vector<16xf32>
      %mul3A_935 = arith.mulf %get3A_932, %get3A_932 : vector<16xf32>
      %add3A_936 = arith.addf %add3A_880, %mul3A_935 : vector<16xf32>
      %get3A_937 = arith.index_cast %add3A_132 : i32 to index
      %get3A_938 = arith.constant 208 : index
      %get3A_939 = tpu.vector_load %arg7[%get3A_937, %get3A_938] {strides = array<i32>} : memref<256x256xf32, #tpu.memory_space<vmem>>, vector<16xf32>,
      %mul3A_940 = arith.mulf %get3A_939, %get3A_79 : vector<16xf32>
      %add3A_941 = arith.addf %add3A_885, %mul3A_940 : vector<16xf32>
      %mul3A_942 = arith.mulf %get3A_939, %get3A_939 : vector<16xf32>
      %add3A_943 = arith.addf %add3A_887, %mul3A_942 : vector<16xf32>
      %get3A_944 = arith.index_cast %add3A_138 : i32 to index
      %get3A_945 = arith.constant 208 : index
      %get3A_946 = tpu.vector_load %arg7[%get3A_944, %get3A_945] {strides = array<i32>} : memref<256x256xf32, #tpu.memory_space<vmem>>, vector<16xf32>,
      %mul3A_947 = arith.mulf %get3A_946, %get3A_79 : vector<16xf32>
      %add3A_948 = arith.addf %add3A_892, %mul3A_947 : vector<16xf32>
      %mul3A_949 = arith.mulf %get3A_946, %get3A_946 : vector<16xf32>
      %add3A_950 = arith.addf %add3A_894, %mul3A_949 : vector<16xf32>
      %get3A_951 = arith.index_cast %add3A_144 : i32 to index
      %get3A_952 = arith.constant 208 : index
      %get3A_953 = tpu.vector_load %arg7[%get3A_951, %get3A_952] {strides = array<i32>} : memref<256x256xf32, #tpu.memory_space<vmem>>, vector<16xf32>,
      %mul3A_954 = arith.mulf %get3A_953, %get3A_79 : vector<16xf32>
      %add3A_955 = arith.addf %add3A_899, %mul3A_954 : vector<16xf32>
      %mul3A_956 = arith.mulf %get3A_953, %get3A_953 : vector<16xf32>
      %add3A_957 = arith.addf %add3A_901, %mul3A_956 : vector<16xf32>
      %get3A_958 = arith.index_cast %add3A_150 : i32 to index
      %get3A_959 = arith.constant 208 : index
      %get3A_960 = tpu.vector_load %arg7[%get3A_958, %get3A_959] {strides = array<i32>} : memref<256x256xf32, #tpu.memory_space<vmem>>, vector<16xf32>,
      %mul3A_961 = arith.mulf %get3A_960, %get3A_79 : vector<16xf32>
      %add3A_962 = arith.addf %add3A_906, %mul3A_961 : vector<16xf32>
      %mul3A_963 = arith.mulf %get3A_960, %get3A_960 : vector<16xf32>
      %add3A_964 = arith.addf %add3A_908, %mul3A_963 : vector<16xf32>
      %get3A_965 = arith.index_cast %add3A_156 : i32 to index
      %get3A_966 = arith.constant 208 : index
      %get3A_967 = tpu.vector_load %arg7[%get3A_965, %get3A_966] {strides = array<i32>} : memref<256x256xf32, #tpu.memory_space<vmem>>, vector<16xf32>,
      %mul3A_968 = arith.mulf %get3A_967, %get3A_79 : vector<16xf32>
      %add3A_969 = arith.addf %add3A_913, %mul3A_968 : vector<16xf32>
      %mul3A_970 = arith.mulf %get3A_967, %get3A_967 : vector<16xf32>
      %add3A_971 = arith.addf %add3A_915, %mul3A_970 : vector<16xf32>
      %get3A_972 = arith.index_cast %add3A_162 : i32 to index
      %get3A_973 = arith.constant 208 : index
      %get3A_974 = tpu.vector_load %arg7[%get3A_972, %get3A_973] {strides = array<i32>} : memref<256x256xf32, #tpu.memory_space<vmem>>, vector<16xf32>,
      %mul3A_975 = arith.mulf %get3A_974, %get3A_79 : vector<16xf32>
      %add3A_976 = arith.addf %add3A_920, %mul3A_975 : vector<16xf32>
      %mul3A_977 = arith.mulf %get3A_974, %get3A_974 : vector<16xf32>
      %add3A_978 = arith.addf %add3A_922, %mul3A_977 : vector<16xf32>
      %get3A_979 = arith.index_cast %add3A_120 : i32 to index
      %get3A_980 = arith.constant 224 : index
      %get3A_981 = tpu.vector_load %arg7[%get3A_979, %get3A_980] {strides = array<i32>} : memref<256x256xf32, #tpu.memory_space<vmem>>, vector<16xf32>,
      %mul3A_982 = arith.mulf %get3A_981, %get3A_81 : vector<16xf32>
      %add3A_983 = arith.addf %add3A_927, %mul3A_982 : vector<16xf32>
      %mul3A_984 = arith.mulf %get3A_981, %get3A_981 : vector<16xf32>
      %add3A_985 = arith.addf %add3A_929, %mul3A_984 : vector<16xf32>
      %get3A_986 = arith.index_cast %add3A_126 : i32 to index
      %get3A_987 = arith.constant 224 : index
      %get3A_988 = tpu.vector_load %arg7[%get3A_986, %get3A_987] {strides = array<i32>} : memref<256x256xf32, #tpu.memory_space<vmem>>, vector<16xf32>,
      %mul3A_989 = arith.mulf %get3A_988, %get3A_81 : vector<16xf32>
      %add3A_990 = arith.addf %add3A_934, %mul3A_989 : vector<16xf32>
      %mul3A_991 = arith.mulf %get3A_988, %get3A_988 : vector<16xf32>
      %add3A_992 = arith.addf %add3A_936, %mul3A_991 : vector<16xf32>
      %get3A_993 = arith.index_cast %add3A_132 : i32 to index
      %get3A_994 = arith.constant 224 : index
      %get3A_995 = tpu.vector_load %arg7[%get3A_993, %get3A_994] {strides = array<i32>} : memref<256x256xf32, #tpu.memory_space<vmem>>, vector<16xf32>,
      %mul3A_996 = arith.mulf %get3A_995, %get3A_81 : vector<16xf32>
      %add3A_997 = arith.addf %add3A_941, %mul3A_996 : vector<16xf32>
      %mul3A_998 = arith.mulf %get3A_995, %get3A_995 : vector<16xf32>
      %add3A_999 = arith.addf %add3A_943, %mul3A_998 : vector<16xf32>
      %get3A_1000 = arith.index_cast %add3A_138 : i32 to index
      %get3A_1001 = arith.constant 224 : index
      %get3A_1002 = tpu.vector_load %arg7[%get3A_1000, %get3A_1001] {strides = array<i32>} : memref<256x256xf32, #tpu.memory_space<vmem>>, vector<16xf32>,
      %mul3A_1003 = arith.mulf %get3A_1002, %get3A_81 : vector<16xf32>
      %add3A_1004 = arith.addf %add3A_948, %mul3A_1003 : vector<16xf32>
      %mul3A_1005 = arith.mulf %get3A_1002, %get3A_1002 : vector<16xf32>
      %add3A_1006 = arith.addf %add3A_950, %mul3A_1005 : vector<16xf32>
      %get3A_1007 = arith.index_cast %add3A_144 : i32 to index
      %get3A_1008 = arith.constant 224 : index
      %get3A_1009 = tpu.vector_load %arg7[%get3A_1007, %get3A_1008] {strides = array<i32>} : memref<256x256xf32, #tpu.memory_space<vmem>>, vector<16xf32>,
      %mul3A_1010 = arith.mulf %get3A_1009, %get3A_81 : vector<16xf32>
      %add3A_1011 = arith.addf %add3A_955, %mul3A_1010 : vector<16xf32>
      %mul3A_1012 = arith.mulf %get3A_1009, %get3A_1009 : vector<16xf32>
      %add3A_1013 = arith.addf %add3A_957, %mul3A_1012 : vector<16xf32>
      %get3A_1014 = arith.index_cast %add3A_150 : i32 to index
      %get3A_1015 = arith.constant 224 : index
      %get3A_1016 = tpu.vector_load %arg7[%get3A_1014, %get3A_1015] {strides = array<i32>} : memref<256x256xf32, #tpu.memory_space<vmem>>, vector<16xf32>,
      %mul3A_1017 = arith.mulf %get3A_1016, %get3A_81 : vector<16xf32>
      %add3A_1018 = arith.addf %add3A_962, %mul3A_1017 : vector<16xf32>
      %mul3A_1019 = arith.mulf %get3A_1016, %get3A_1016 : vector<16xf32>
      %add3A_1020 = arith.addf %add3A_964, %mul3A_1019 : vector<16xf32>
      %get3A_1021 = arith.index_cast %add3A_156 : i32 to index
      %get3A_1022 = arith.constant 224 : index
      %get3A_1023 = tpu.vector_load %arg7[%get3A_1021, %get3A_1022] {strides = array<i32>} : memref<256x256xf32, #tpu.memory_space<vmem>>, vector<16xf32>,
      %mul3A_1024 = arith.mulf %get3A_1023, %get3A_81 : vector<16xf32>
      %add3A_1025 = arith.addf %add3A_969, %mul3A_1024 : vector<16xf32>
      %mul3A_1026 = arith.mulf %get3A_1023, %get3A_1023 : vector<16xf32>
      %add3A_1027 = arith.addf %add3A_971, %mul3A_1026 : vector<16xf32>
      %get3A_1028 = arith.index_cast %add3A_162 : i32 to index
      %get3A_1029 = arith.constant 224 : index
      %get3A_1030 = tpu.vector_load %arg7[%get3A_1028, %get3A_1029] {strides = array<i32>} : memref<256x256xf32, #tpu.memory_space<vmem>>, vector<16xf32>,
      %mul3A_1031 = arith.mulf %get3A_1030, %get3A_81 : vector<16xf32>
      %add3A_1032 = arith.addf %add3A_976, %mul3A_1031 : vector<16xf32>
      %mul3A_1033 = arith.mulf %get3A_1030, %get3A_1030 : vector<16xf32>
      %add3A_1034 = arith.addf %add3A_978, %mul3A_1033 : vector<16xf32>
      %get3A_1035 = arith.index_cast %add3A_120 : i32 to index
      %get3A_1036 = arith.constant 240 : index
      %get3A_1037 = tpu.vector_load %arg7[%get3A_1035, %get3A_1036] {strides = array<i32>} : memref<256x256xf32, #tpu.memory_space<vmem>>, vector<16xf32>,
      %mul3A_1038 = arith.mulf %get3A_1037, %get3A_83 : vector<16xf32>
      %add3A_1039 = arith.addf %add3A_983, %mul3A_1038 : vector<16xf32>
      %mul3A_1040 = arith.mulf %get3A_1037, %get3A_1037 : vector<16xf32>
      %add3A_1041 = arith.addf %add3A_985, %mul3A_1040 : vector<16xf32>
      %get3A_1042 = arith.index_cast %add3A_126 : i32 to index
      %get3A_1043 = arith.constant 240 : index
      %get3A_1044 = tpu.vector_load %arg7[%get3A_1042, %get3A_1043] {strides = array<i32>} : memref<256x256xf32, #tpu.memory_space<vmem>>, vector<16xf32>,
      %mul3A_1045 = arith.mulf %get3A_1044, %get3A_83 : vector<16xf32>
      %add3A_1046 = arith.addf %add3A_990, %mul3A_1045 : vector<16xf32>
      %mul3A_1047 = arith.mulf %get3A_1044, %get3A_1044 : vector<16xf32>
      %add3A_1048 = arith.addf %add3A_992, %mul3A_1047 : vector<16xf32>
      %get3A_1049 = arith.index_cast %add3A_132 : i32 to index
      %get3A_1050 = arith.constant 240 : index
      %get3A_1051 = tpu.vector_load %arg7[%get3A_1049, %get3A_1050] {strides = array<i32>} : memref<256x256xf32, #tpu.memory_space<vmem>>, vector<16xf32>,
      %mul3A_1052 = arith.mulf %get3A_1051, %get3A_83 : vector<16xf32>
      %add3A_1053 = arith.addf %add3A_997, %mul3A_1052 : vector<16xf32>
      %mul3A_1054 = arith.mulf %get3A_1051, %get3A_1051 : vector<16xf32>
      %add3A_1055 = arith.addf %add3A_999, %mul3A_1054 : vector<16xf32>
      %get3A_1056 = arith.index_cast %add3A_138 : i32 to index
      %get3A_1057 = arith.constant 240 : index
      %get3A_1058 = tpu.vector_load %arg7[%get3A_1056, %get3A_1057] {strides = array<i32>} : memref<256x256xf32, #tpu.memory_space<vmem>>, vector<16xf32>,
      %mul3A_1059 = arith.mulf %get3A_1058, %get3A_83 : vector<16xf32>
      %add3A_1060 = arith.addf %add3A_1004, %mul3A_1059 : vector<16xf32>
      %mul3A_1061 = arith.mulf %get3A_1058, %get3A_1058 : vector<16xf32>
      %add3A_1062 = arith.addf %add3A_1006, %mul3A_1061 : vector<16xf32>
      %get3A_1063 = arith.index_cast %add3A_144 : i32 to index
      %get3A_1064 = arith.constant 240 : index
      %get3A_1065 = tpu.vector_load %arg7[%get3A_1063, %get3A_1064] {strides = array<i32>} : memref<256x256xf32, #tpu.memory_space<vmem>>, vector<16xf32>,
      %mul3A_1066 = arith.mulf %get3A_1065, %get3A_83 : vector<16xf32>
      %add3A_1067 = arith.addf %add3A_1011, %mul3A_1066 : vector<16xf32>
      %mul3A_1068 = arith.mulf %get3A_1065, %get3A_1065 : vector<16xf32>
      %add3A_1069 = arith.addf %add3A_1013, %mul3A_1068 : vector<16xf32>
      %get3A_1070 = arith.index_cast %add3A_150 : i32 to index
      %get3A_1071 = arith.constant 240 : index
      %get3A_1072 = tpu.vector_load %arg7[%get3A_1070, %get3A_1071] {strides = array<i32>} : memref<256x256xf32, #tpu.memory_space<vmem>>, vector<16xf32>,
      %mul3A_1073 = arith.mulf %get3A_1072, %get3A_83 : vector<16xf32>
      %add3A_1074 = arith.addf %add3A_1018, %mul3A_1073 : vector<16xf32>
      %mul3A_1075 = arith.mulf %get3A_1072, %get3A_1072 : vector<16xf32>
      %add3A_1076 = arith.addf %add3A_1020, %mul3A_1075 : vector<16xf32>
      %get3A_1077 = arith.index_cast %add3A_156 : i32 to index
      %get3A_1078 = arith.constant 240 : index
      %get3A_1079 = tpu.vector_load %arg7[%get3A_1077, %get3A_1078] {strides = array<i32>} : memref<256x256xf32, #tpu.memory_space<vmem>>, vector<16xf32>,
      %mul3A_1080 = arith.mulf %get3A_1079, %get3A_83 : vector<16xf32>
      %add3A_1081 = arith.addf %add3A_1025, %mul3A_1080 : vector<16xf32>
      %mul3A_1082 = arith.mulf %get3A_1079, %get3A_1079 : vector<16xf32>
      %add3A_1083 = arith.addf %add3A_1027, %mul3A_1082 : vector<16xf32>
      %get3A_1084 = arith.index_cast %add3A_162 : i32 to index
      %get3A_1085 = arith.constant 240 : index
      %get3A_1086 = tpu.vector_load %arg7[%get3A_1084, %get3A_1085] {strides = array<i32>} : memref<256x256xf32, #tpu.memory_space<vmem>>, vector<16xf32>,
      %mul3A_1087 = arith.mulf %get3A_1086, %get3A_83 : vector<16xf32>
      %add3A_1088 = arith.addf %add3A_1032, %mul3A_1087 : vector<16xf32>
      %mul3A_1089 = arith.mulf %get3A_1086, %get3A_1086 : vector<16xf32>
      %add3A_1090 = arith.addf %add3A_1034, %mul3A_1089 : vector<16xf32>
      %swap3A_1091 = arith.constant 0 : index
      %swap3A_1092 = tpu.vector_load %arg8[%swap3A_1091] {strides = array<i32>} : memref<272xf32, #tpu.memory_space<vmem>>, vector<16xf32>,
      tpu.vector_store %arg8[%swap3A_1091], %add3A_1039 {strides = array<i32>} : memref<272xf32, #tpu.memory_space<vmem>>, vector<16xf32>,
      %swap3A_1093 = arith.constant 0 : index
      %swap3A_1094 = tpu.vector_load %arg9[%swap3A_1093] {strides = array<i32>} : memref<272xf32, #tpu.memory_space<vmem>>, vector<16xf32>,
      tpu.vector_store %arg9[%swap3A_1093], %add3A_1041 {strides = array<i32>} : memref<272xf32, #tpu.memory_space<vmem>>, vector<16xf32>,
      %swap3A_1095 = arith.constant 17 : index
      %swap3A_1096 = tpu.vector_load %arg8[%swap3A_1095] {strides = array<i32>} : memref<272xf32, #tpu.memory_space<vmem>>, vector<16xf32>,
      tpu.vector_store %arg8[%swap3A_1095], %add3A_1046 {strides = array<i32>} : memref<272xf32, #tpu.memory_space<vmem>>, vector<16xf32>,
      %swap3A_1097 = arith.constant 17 : index
      %swap3A_1098 = tpu.vector_load %arg9[%swap3A_1097] {strides = array<i32>} : memref<272xf32, #tpu.memory_space<vmem>>, vector<16xf32>,
      tpu.vector_store %arg9[%swap3A_1097], %add3A_1048 {strides = array<i32>} : memref<272xf32, #tpu.memory_space<vmem>>, vector<16xf32>,
      %swap3A_1099 = arith.constant 34 : index
      %swap3A_1100 = tpu.vector_load %arg8[%swap3A_1099] {strides = array<i32>} : memref<272xf32, #tpu.memory_space<vmem>>, vector<16xf32>,
      tpu.vector_store %arg8[%swap3A_1099], %add3A_1053 {strides = array<i32>} : memref<272xf32, #tpu.memory_space<vmem>>, vector<16xf32>,
      %swap3A_1101 = arith.constant 34 : index
      %swap3A_1102 = tpu.vector_load %arg9[%swap3A_1101] {strides = array<i32>} : memref<272xf32, #tpu.memory_space<vmem>>, vector<16xf32>,
      tpu.vector_store %arg9[%swap3A_1101], %add3A_1055 {strides = array<i32>} : memref<272xf32, #tpu.memory_space<vmem>>, vector<16xf32>,
      %swap3A_1103 = arith.constant 51 : index
      %swap3A_1104 = tpu.vector_load %arg8[%swap3A_1103] {strides = array<i32>} : memref<272xf32, #tpu.memory_space<vmem>>, vector<16xf32>,
      tpu.vector_store %arg8[%swap3A_1103], %add3A_1060 {strides = array<i32>} : memref<272xf32, #tpu.memory_space<vmem>>, vector<16xf32>,
      %swap3A_1105 = arith.constant 51 : index
      %swap3A_1106 = tpu.vector_load %arg9[%swap3A_1105] {strides = array<i32>} : memref<272xf32, #tpu.memory_space<vmem>>, vector<16xf32>,
      tpu.vector_store %arg9[%swap3A_1105], %add3A_1062 {strides = array<i32>} : memref<272xf32, #tpu.memory_space<vmem>>, vector<16xf32>,
      %swap3A_1107 = arith.constant 68 : index
      %swap3A_1108 = tpu.vector_load %arg8[%swap3A_1107] {strides = array<i32>} : memref<272xf32, #tpu.memory_space<vmem>>, vector<16xf32>,
      tpu.vector_store %arg8[%swap3A_1107], %add3A_1067 {strides = array<i32>} : memref<272xf32, #tpu.memory_space<vmem>>, vector<16xf32>,
      %swap3A_1109 = arith.constant 68 : index
      %swap3A_1110 = tpu.vector_load %arg9[%swap3A_1109] {strides = array<i32>} : memref<272xf32, #tpu.memory_space<vmem>>, vector<16xf32>,
      tpu.vector_store %arg9[%swap3A_1109], %add3A_1069 {strides = array<i32>} : memref<272xf32, #tpu.memory_space<vmem>>, vector<16xf32>,
      %swap3A_1111 = arith.constant 85 : index
      %swap3A_1112 = tpu.vector_load %arg8[%swap3A_1111] {strides = array<i32>} : memref<272xf32, #tpu.memory_space<vmem>>, vector<16xf32>,
      tpu.vector_store %arg8[%swap3A_1111], %add3A_1074 {strides = array<i32>} : memref<272xf32, #tpu.memory_space<vmem>>, vector<16xf32>,
      %swap3A_1113 = arith.constant 85 : index
      %swap3A_1114 = tpu.vector_load %arg9[%swap3A_1113] {strides = array<i32>} : memref<272xf32, #tpu.memory_space<vmem>>, vector<16xf32>,
      tpu.vector_store %arg9[%swap3A_1113], %add3A_1076 {strides = array<i32>} : memref<272xf32, #tpu.memory_space<vmem>>, vector<16xf32>,
      %swap3A_1115 = arith.constant 102 : index
      %swap3A_1116 = tpu.vector_load %arg8[%swap3A_1115] {strides = array<i32>} : memref<272xf32, #tpu.memory_space<vmem>>, vector<16xf32>,
      tpu.vector_store %arg8[%swap3A_1115], %add3A_1081 {strides = array<i32>} : memref<272xf32, #tpu.memory_space<vmem>>, vector<16xf32>,
      %swap3A_1117 = arith.constant 102 : index
      %swap3A_1118 = tpu.vector_load %arg9[%swap3A_1117] {strides = array<i32>} : memref<272xf32, #tpu.memory_space<vmem>>, vector<16xf32>,
      tpu.vector_store %arg9[%swap3A_1117], %add3A_1083 {strides = array<i32>} : memref<272xf32, #tpu.memory_space<vmem>>, vector<16xf32>,
      %swap3A_1119 = arith.constant 119 : index
      %swap3A_1120 = tpu.vector_load %arg8[%swap3A_1119] {strides = array<i32>} : memref<272xf32, #tpu.memory_space<vmem>>, vector<16xf32>,
      tpu.vector_store %arg8[%swap3A_1119], %add3A_1088 {strides = array<i32>} : memref<272xf32, #tpu.memory_space<vmem>>, vector<16xf32>,
      %swap3A_1121 = arith.constant 119 : index
      %swap3A_1122 = tpu.vector_load %arg9[%swap3A_1121] {strides = array<i32>} : memref<272xf32, #tpu.memory_space<vmem>>, vector<16xf32>,
      tpu.vector_store %arg9[%swap3A_1121], %add3A_1090 {strides = array<i32>} : memref<272xf32, #tpu.memory_space<vmem>>, vector<16xf32>,
      %mul3A_1123 = arith.constant 16 : i32
      %mul3A_1124 = arith.muli %scan3A_95, %mul3A_1123 : i32
      %add3A_1125 = arith.constant 8 : i32
      %add3A_1126 = arith.addi %mul3A_1124, %add3A_1125 : i32
      %add3A_1127 = arith.constant 0 : i32
      %add3A_1128 = arith.addi %add3A_1126, %add3A_1127 : i32
      %mul3A_1129 = arith.constant 16 : i32
      %mul3A_1130 = arith.muli %scan3A_95, %mul3A_1129 : i32
      %add3A_1131 = arith.constant 8 : i32
      %add3A_1132 = arith.addi %mul3A_1130, %add3A_1131 : i32
      %add3A_1133 = arith.constant 1 : i32
      %add3A_1134 = arith.addi %add3A_1132, %add3A_1133 : i32
      %mul3A_1135 = arith.constant 16 : i32
      %mul3A_1136 = arith.muli %scan3A_95, %mul3A_1135 : i32
      %add3A_1137 = arith.constant 8 : i32
      %add3A_1138 = arith.addi %mul3A_1136, %add3A_1137 : i32
      %add3A_1139 = arith.constant 2 : i32
      %add3A_1140 = arith.addi %add3A_1138, %add3A_1139 : i32
      %mul3A_1141 = arith.constant 16 : i32
      %mul3A_1142 = arith.muli %scan3A_95, %mul3A_1141 : i32
      %add3A_1143 = arith.constant 8 : i32
      %add3A_1144 = arith.addi %mul3A_1142, %add3A_1143 : i32
      %add3A_1145 = arith.constant 3 : i32
      %add3A_1146 = arith.addi %add3A_1144, %add3A_1145 : i32
      %mul3A_1147 = arith.constant 16 : i32
      %mul3A_1148 = arith.muli %scan3A_95, %mul3A_1147 : i32
      %add3A_1149 = arith.constant 8 : i32
      %add3A_1150 = arith.addi %mul3A_1148, %add3A_1149 : i32
      %add3A_1151 = arith.constant 4 : i32
      %add3A_1152 = arith.addi %add3A_1150, %add3A_1151 : i32
      %mul3A_1153 = arith.constant 16 : i32
      %mul3A_1154 = arith.muli %scan3A_95, %mul3A_1153 : i32
      %add3A_1155 = arith.constant 8 : i32
      %add3A_1156 = arith.addi %mul3A_1154, %add3A_1155 : i32
      %add3A_1157 = arith.constant 5 : i32
      %add3A_1158 = arith.addi %add3A_1156, %add3A_1157 : i32
      %mul3A_1159 = arith.constant 16 : i32
      %mul3A_1160 = arith.muli %scan3A_95, %mul3A_1159 : i32
      %add3A_1161 = arith.constant 8 : i32
      %add3A_1162 = arith.addi %mul3A_1160, %add3A_1161 : i32
      %add3A_1163 = arith.constant 6 : i32
      %add3A_1164 = arith.addi %add3A_1162, %add3A_1163 : i32
      %mul3A_1165 = arith.constant 16 : i32
      %mul3A_1166 = arith.muli %scan3A_95, %mul3A_1165 : i32
      %add3A_1167 = arith.constant 8 : i32
      %add3A_1168 = arith.addi %mul3A_1166, %add3A_1167 : i32
      %add3A_1169 = arith.constant 7 : i32
      %add3A_1170 = arith.addi %add3A_1168, %add3A_1169 : i32
      %broadcast_in_dim3A_1171 = arith.constant 0.000000e+00 : f32
      %broadcast_in_dim3A_1172 = vector.broadcast %broadcast_in_dim3A_1171 : f32 to vector<16xf32>
      %broadcast_in_dim3A_1173 = arith.constant 0.000000e+00 : f32
      %broadcast_in_dim3A_1174 = vector.broadcast %broadcast_in_dim3A_1173 : f32 to vector<16xf32>
      %broadcast_in_dim3A_1175 = arith.constant 0.000000e+00 : f32
      %broadcast_in_dim3A_1176 = vector.broadcast %broadcast_in_dim3A_1175 : f32 to vector<16xf32>
      %broadcast_in_dim3A_1177 = arith.constant 0.000000e+00 : f32
      %broadcast_in_dim3A_1178 = vector.broadcast %broadcast_in_dim3A_1177 : f32 to vector<16xf32>
      %broadcast_in_dim3A_1179 = arith.constant 0.000000e+00 : f32
      %broadcast_in_dim3A_1180 = vector.broadcast %broadcast_in_dim3A_1179 : f32 to vector<16xf32>
      %broadcast_in_dim3A_1181 = arith.constant 0.000000e+00 : f32
      %broadcast_in_dim3A_1182 = vector.broadcast %broadcast_in_dim3A_1181 : f32 to vector<16xf32>
      %broadcast_in_dim3A_1183 = arith.constant 0.000000e+00 : f32
      %broadcast_in_dim3A_1184 = vector.broadcast %broadcast_in_dim3A_1183 : f32 to vector<16xf32>
      %broadcast_in_dim3A_1185 = arith.constant 0.000000e+00 : f32
      %broadcast_in_dim3A_1186 = vector.broadcast %broadcast_in_dim3A_1185 : f32 to vector<16xf32>
      %broadcast_in_dim3A_1187 = arith.constant 0.000000e+00 : f32
      %broadcast_in_dim3A_1188 = vector.broadcast %broadcast_in_dim3A_1187 : f32 to vector<16xf32>
      %broadcast_in_dim3A_1189 = arith.constant 0.000000e+00 : f32
      %broadcast_in_dim3A_1190 = vector.broadcast %broadcast_in_dim3A_1189 : f32 to vector<16xf32>
      %broadcast_in_dim3A_1191 = arith.constant 0.000000e+00 : f32
      %broadcast_in_dim3A_1192 = vector.broadcast %broadcast_in_dim3A_1191 : f32 to vector<16xf32>
      %broadcast_in_dim3A_1193 = arith.constant 0.000000e+00 : f32
      %broadcast_in_dim3A_1194 = vector.broadcast %broadcast_in_dim3A_1193 : f32 to vector<16xf32>
      %broadcast_in_dim3A_1195 = arith.constant 0.000000e+00 : f32
      %broadcast_in_dim3A_1196 = vector.broadcast %broadcast_in_dim3A_1195 : f32 to vector<16xf32>
      %broadcast_in_dim3A_1197 = arith.constant 0.000000e+00 : f32
      %broadcast_in_dim3A_1198 = vector.broadcast %broadcast_in_dim3A_1197 : f32 to vector<16xf32>
      %broadcast_in_dim3A_1199 = arith.constant 0.000000e+00 : f32
      %broadcast_in_dim3A_1200 = vector.broadcast %broadcast_in_dim3A_1199 : f32 to vector<16xf32>
      %broadcast_in_dim3A_1201 = arith.constant 0.000000e+00 : f32
      %broadcast_in_dim3A_1202 = vector.broadcast %broadcast_in_dim3A_1201 : f32 to vector<16xf32>
      %get3A_1203 = arith.index_cast %add3A_1128 : i32 to index
      %get3A_1204 = arith.constant 0 : index
      %get3A_1205 = tpu.vector_load %arg7[%get3A_1203, %get3A_1204] {strides = array<i32>} : memref<256x256xf32, #tpu.memory_space<vmem>>, vector<16xf32>,
      %mul3A_1206 = arith.mulf %get3A_1205, %get3A_53 : vector<16xf32>
      %add3A_1207 = arith.addf %broadcast_in_dim3A_1172, %mul3A_1206 : vector<16xf32>
      %mul3A_1208 = arith.mulf %get3A_1205, %get3A_1205 : vector<16xf32>
      %add3A_1209 = arith.addf %broadcast_in_dim3A_1188, %mul3A_1208 : vector<16xf32>
      %get3A_1210 = arith.index_cast %add3A_1134 : i32 to index
      %get3A_1211 = arith.constant 0 : index
      %get3A_1212 = tpu.vector_load %arg7[%get3A_1210, %get3A_1211] {strides = array<i32>} : memref<256x256xf32, #tpu.memory_space<vmem>>, vector<16xf32>,
      %mul3A_1213 = arith.mulf %get3A_1212, %get3A_53 : vector<16xf32>
      %add3A_1214 = arith.addf %broadcast_in_dim3A_1174, %mul3A_1213 : vector<16xf32>
      %mul3A_1215 = arith.mulf %get3A_1212, %get3A_1212 : vector<16xf32>
      %add3A_1216 = arith.addf %broadcast_in_dim3A_1190, %mul3A_1215 : vector<16xf32>
      %get3A_1217 = arith.index_cast %add3A_1140 : i32 to index
      %get3A_1218 = arith.constant 0 : index
      %get3A_1219 = tpu.vector_load %arg7[%get3A_1217, %get3A_1218] {strides = array<i32>} : memref<256x256xf32, #tpu.memory_space<vmem>>, vector<16xf32>,
      %mul3A_1220 = arith.mulf %get3A_1219, %get3A_53 : vector<16xf32>
      %add3A_1221 = arith.addf %broadcast_in_dim3A_1176, %mul3A_1220 : vector<16xf32>
      %mul3A_1222 = arith.mulf %get3A_1219, %get3A_1219 : vector<16xf32>
      %add3A_1223 = arith.addf %broadcast_in_dim3A_1192, %mul3A_1222 : vector<16xf32>
      %get3A_1224 = arith.index_cast %add3A_1146 : i32 to index
      %get3A_1225 = arith.constant 0 : index
      %get3A_1226 = tpu.vector_load %arg7[%get3A_1224, %get3A_1225] {strides = array<i32>} : memref<256x256xf32, #tpu.memory_space<vmem>>, vector<16xf32>,
      %mul3A_1227 = arith.mulf %get3A_1226, %get3A_53 : vector<16xf32>
      %add3A_1228 = arith.addf %broadcast_in_dim3A_1178, %mul3A_1227 : vector<16xf32>
      %mul3A_1229 = arith.mulf %get3A_1226, %get3A_1226 : vector<16xf32>
      %add3A_1230 = arith.addf %broadcast_in_dim3A_1194, %mul3A_1229 : vector<16xf32>
      %get3A_1231 = arith.index_cast %add3A_1152 : i32 to index
      %get3A_1232 = arith.constant 0 : index
      %get3A_1233 = tpu.vector_load %arg7[%get3A_1231, %get3A_1232] {strides = array<i32>} : memref<256x256xf32, #tpu.memory_space<vmem>>, vector<16xf32>,
      %mul3A_1234 = arith.mulf %get3A_1233, %get3A_53 : vector<16xf32>
      %add3A_1235 = arith.addf %broadcast_in_dim3A_1180, %mul3A_1234 : vector<16xf32>
      %mul3A_1236 = arith.mulf %get3A_1233, %get3A_1233 : vector<16xf32>
      %add3A_1237 = arith.addf %broadcast_in_dim3A_1196, %mul3A_1236 : vector<16xf32>
      %get3A_1238 = arith.index_cast %add3A_1158 : i32 to index
      %get3A_1239 = arith.constant 0 : index
      %get3A_1240 = tpu.vector_load %arg7[%get3A_1238, %get3A_1239] {strides = array<i32>} : memref<256x256xf32, #tpu.memory_space<vmem>>, vector<16xf32>,
      %mul3A_1241 = arith.mulf %get3A_1240, %get3A_53 : vector<16xf32>
      %add3A_1242 = arith.addf %broadcast_in_dim3A_1182, %mul3A_1241 : vector<16xf32>
      %mul3A_1243 = arith.mulf %get3A_1240, %get3A_1240 : vector<16xf32>
      %add3A_1244 = arith.addf %broadcast_in_dim3A_1198, %mul3A_1243 : vector<16xf32>
      %get3A_1245 = arith.index_cast %add3A_1164 : i32 to index
      %get3A_1246 = arith.constant 0 : index
      %get3A_1247 = tpu.vector_load %arg7[%get3A_1245, %get3A_1246] {strides = array<i32>} : memref<256x256xf32, #tpu.memory_space<vmem>>, vector<16xf32>,
      %mul3A_1248 = arith.mulf %get3A_1247, %get3A_53 : vector<16xf32>
      %add3A_1249 = arith.addf %broadcast_in_dim3A_1184, %mul3A_1248 : vector<16xf32>
      %mul3A_1250 = arith.mulf %get3A_1247, %get3A_1247 : vector<16xf32>
      %add3A_1251 = arith.addf %broadcast_in_dim3A_1200, %mul3A_1250 : vector<16xf32>
      %get3A_1252 = arith.index_cast %add3A_1170 : i32 to index
      %get3A_1253 = arith.constant 0 : index
      %get3A_1254 = tpu.vector_load %arg7[%get3A_1252, %get3A_1253] {strides = array<i32>} : memref<256x256xf32, #tpu.memory_space<vmem>>, vector<16xf32>,
      %mul3A_1255 = arith.mulf %get3A_1254, %get3A_53 : vector<16xf32>
      %add3A_1256 = arith.addf %broadcast_in_dim3A_1186, %mul3A_1255 : vector<16xf32>
      %mul3A_1257 = arith.mulf %get3A_1254, %get3A_1254 : vector<16xf32>
      %add3A_1258 = arith.addf %broadcast_in_dim3A_1202, %mul3A_1257 : vector<16xf32>
      %get3A_1259 = arith.index_cast %add3A_1128 : i32 to index
      %get3A_1260 = arith.constant 16 : index
      %get3A_1261 = tpu.vector_load %arg7[%get3A_1259, %get3A_1260] {strides = array<i32>} : memref<256x256xf32, #tpu.memory_space<vmem>>, vector<16xf32>,
      %mul3A_1262 = arith.mulf %get3A_1261, %get3A_55 : vector<16xf32>
      %add3A_1263 = arith.addf %add3A_1207, %mul3A_1262 : vector<16xf32>
      %mul3A_1264 = arith.mulf %get3A_1261, %get3A_1261 : vector<16xf32>
      %add3A_1265 = arith.addf %add3A_1209, %mul3A_1264 : vector<16xf32>
      %get3A_1266 = arith.index_cast %add3A_1134 : i32 to index
      %get3A_1267 = arith.constant 16 : index
      %get3A_1268 = tpu.vector_load %arg7[%get3A_1266, %get3A_1267] {strides = array<i32>} : memref<256x256xf32, #tpu.memory_space<vmem>>, vector<16xf32>,
      %mul3A_1269 = arith.mulf %get3A_1268, %get3A_55 : vector<16xf32>
      %add3A_1270 = arith.addf %add3A_1214, %mul3A_1269 : vector<16xf32>
      %mul3A_1271 = arith.mulf %get3A_1268, %get3A_1268 : vector<16xf32>
      %add3A_1272 = arith.addf %add3A_1216, %mul3A_1271 : vector<16xf32>
      %get3A_1273 = arith.index_cast %add3A_1140 : i32 to index
      %get3A_1274 = arith.constant 16 : index
      %get3A_1275 = tpu.vector_load %arg7[%get3A_1273, %get3A_1274] {strides = array<i32>} : memref<256x256xf32, #tpu.memory_space<vmem>>, vector<16xf32>,
      %mul3A_1276 = arith.mulf %get3A_1275, %get3A_55 : vector<16xf32>
      %add3A_1277 = arith.addf %add3A_1221, %mul3A_1276 : vector<16xf32>
      %mul3A_1278 = arith.mulf %get3A_1275, %get3A_1275 : vector<16xf32>
      %add3A_1279 = arith.addf %add3A_1223, %mul3A_1278 : vector<16xf32>
      %get3A_1280 = arith.index_cast %add3A_1146 : i32 to index
      %get3A_1281 = arith.constant 16 : index
      %get3A_1282 = tpu.vector_load %arg7[%get3A_1280, %get3A_1281] {strides = array<i32>} : memref<256x256xf32, #tpu.memory_space<vmem>>, vector<16xf32>,
      %mul3A_1283 = arith.mulf %get3A_1282, %get3A_55 : vector<16xf32>
      %add3A_1284 = arith.addf %add3A_1228, %mul3A_1283 : vector<16xf32>
      %mul3A_1285 = arith.mulf %get3A_1282, %get3A_1282 : vector<16xf32>
      %add3A_1286 = arith.addf %add3A_1230, %mul3A_1285 : vector<16xf32>
      %get3A_1287 = arith.index_cast %add3A_1152 : i32 to index
      %get3A_1288 = arith.constant 16 : index
      %get3A_1289 = tpu.vector_load %arg7[%get3A_1287, %get3A_1288] {strides = array<i32>} : memref<256x256xf32, #tpu.memory_space<vmem>>, vector<16xf32>,
      %mul3A_1290 = arith.mulf %get3A_1289, %get3A_55 : vector<16xf32>
      %add3A_1291 = arith.addf %add3A_1235, %mul3A_1290 : vector<16xf32>
      %mul3A_1292 = arith.mulf %get3A_1289, %get3A_1289 : vector<16xf32>
      %add3A_1293 = arith.addf %add3A_1237, %mul3A_1292 : vector<16xf32>
      %get3A_1294 = arith.index_cast %add3A_1158 : i32 to index
      %get3A_1295 = arith.constant 16 : index
      %get3A_1296 = tpu.vector_load %arg7[%get3A_1294, %get3A_1295] {strides = array<i32>} : memref<256x256xf32, #tpu.memory_space<vmem>>, vector<16xf32>,
      %mul3A_1297 = arith.mulf %get3A_1296, %get3A_55 : vector<16xf32>
      %add3A_1298 = arith.addf %add3A_1242, %mul3A_1297 : vector<16xf32>
      %mul3A_1299 = arith.mulf %get3A_1296, %get3A_1296 : vector<16xf32>
      %add3A_1300 = arith.addf %add3A_1244, %mul3A_1299 : vector<16xf32>
      %get3A_1301 = arith.index_cast %add3A_1164 : i32 to index
      %get3A_1302 = arith.constant 16 : index
      %get3A_1303 = tpu.vector_load %arg7[%get3A_1301, %get3A_1302] {strides = array<i32>} : memref<256x256xf32, #tpu.memory_space<vmem>>, vector<16xf32>,
      %mul3A_1304 = arith.mulf %get3A_1303, %get3A_55 : vector<16xf32>
      %add3A_1305 = arith.addf %add3A_1249, %mul3A_1304 : vector<16xf32>
      %mul3A_1306 = arith.mulf %get3A_1303, %get3A_1303 : vector<16xf32>
      %add3A_1307 = arith.addf %add3A_1251, %mul3A_1306 : vector<16xf32>
      %get3A_1308 = arith.index_cast %add3A_1170 : i32 to index
      %get3A_1309 = arith.constant 16 : index
      %get3A_1310 = tpu.vector_load %arg7[%get3A_1308, %get3A_1309] {strides = array<i32>} : memref<256x256xf32, #tpu.memory_space<vmem>>, vector<16xf32>,
      %mul3A_1311 = arith.mulf %get3A_1310, %get3A_55 : vector<16xf32>
      %add3A_1312 = arith.addf %add3A_1256, %mul3A_1311 : vector<16xf32>
      %mul3A_1313 = arith.mulf %get3A_1310, %get3A_1310 : vector<16xf32>
      %add3A_1314 = arith.addf %add3A_1258, %mul3A_1313 : vector<16xf32>
      %get3A_1315 = arith.index_cast %add3A_1128 : i32 to index
      %get3A_1316 = arith.constant 32 : index
      %get3A_1317 = tpu.vector_load %arg7[%get3A_1315, %get3A_1316] {strides = array<i32>} : memref<256x256xf32, #tpu.memory_space<vmem>>, vector<16xf32>,
      %mul3A_1318 = arith.mulf %get3A_1317, %get3A_57 : vector<16xf32>
      %add3A_1319 = arith.addf %add3A_1263, %mul3A_1318 : vector<16xf32>
      %mul3A_1320 = arith.mulf %get3A_1317, %get3A_1317 : vector<16xf32>
      %add3A_1321 = arith.addf %add3A_1265, %mul3A_1320 : vector<16xf32>
      %get3A_1322 = arith.index_cast %add3A_1134 : i32 to index
      %get3A_1323 = arith.constant 32 : index
      %get3A_1324 = tpu.vector_load %arg7[%get3A_1322, %get3A_1323] {strides = array<i32>} : memref<256x256xf32, #tpu.memory_space<vmem>>, vector<16xf32>,
      %mul3A_1325 = arith.mulf %get3A_1324, %get3A_57 : vector<16xf32>
      %add3A_1326 = arith.addf %add3A_1270, %mul3A_1325 : vector<16xf32>
      %mul3A_1327 = arith.mulf %get3A_1324, %get3A_1324 : vector<16xf32>
      %add3A_1328 = arith.addf %add3A_1272, %mul3A_1327 : vector<16xf32>
      %get3A_1329 = arith.index_cast %add3A_1140 : i32 to index
      %get3A_1330 = arith.constant 32 : index
      %get3A_1331 = tpu.vector_load %arg7[%get3A_1329, %get3A_1330] {strides = array<i32>} : memref<256x256xf32, #tpu.memory_space<vmem>>, vector<16xf32>,
      %mul3A_1332 = arith.mulf %get3A_1331, %get3A_57 : vector<16xf32>
      %add3A_1333 = arith.addf %add3A_1277, %mul3A_1332 : vector<16xf32>
      %mul3A_1334 = arith.mulf %get3A_1331, %get3A_1331 : vector<16xf32>
      %add3A_1335 = arith.addf %add3A_1279, %mul3A_1334 : vector<16xf32>
      %get3A_1336 = arith.index_cast %add3A_1146 : i32 to index
      %get3A_1337 = arith.constant 32 : index
      %get3A_1338 = tpu.vector_load %arg7[%get3A_1336, %get3A_1337] {strides = array<i32>} : memref<256x256xf32, #tpu.memory_space<vmem>>, vector<16xf32>,
      %mul3A_1339 = arith.mulf %get3A_1338, %get3A_57 : vector<16xf32>
      %add3A_1340 = arith.addf %add3A_1284, %mul3A_1339 : vector<16xf32>
      %mul3A_1341 = arith.mulf %get3A_1338, %get3A_1338 : vector<16xf32>
      %add3A_1342 = arith.addf %add3A_1286, %mul3A_1341 : vector<16xf32>
      %get3A_1343 = arith.index_cast %add3A_1152 : i32 to index
      %get3A_1344 = arith.constant 32 : index
      %get3A_1345 = tpu.vector_load %arg7[%get3A_1343, %get3A_1344] {strides = array<i32>} : memref<256x256xf32, #tpu.memory_space<vmem>>, vector<16xf32>,
      %mul3A_1346 = arith.mulf %get3A_1345, %get3A_57 : vector<16xf32>
      %add3A_1347 = arith.addf %add3A_1291, %mul3A_1346 : vector<16xf32>
      %mul3A_1348 = arith.mulf %get3A_1345, %get3A_1345 : vector<16xf32>
      %add3A_1349 = arith.addf %add3A_1293, %mul3A_1348 : vector<16xf32>
      %get3A_1350 = arith.index_cast %add3A_1158 : i32 to index
      %get3A_1351 = arith.constant 32 : index
      %get3A_1352 = tpu.vector_load %arg7[%get3A_1350, %get3A_1351] {strides = array<i32>} : memref<256x256xf32, #tpu.memory_space<vmem>>, vector<16xf32>,
      %mul3A_1353 = arith.mulf %get3A_1352, %get3A_57 : vector<16xf32>
      %add3A_1354 = arith.addf %add3A_1298, %mul3A_1353 : vector<16xf32>
      %mul3A_1355 = arith.mulf %get3A_1352, %get3A_1352 : vector<16xf32>
      %add3A_1356 = arith.addf %add3A_1300, %mul3A_1355 : vector<16xf32>
      %get3A_1357 = arith.index_cast %add3A_1164 : i32 to index
      %get3A_1358 = arith.constant 32 : index
      %get3A_1359 = tpu.vector_load %arg7[%get3A_1357, %get3A_1358] {strides = array<i32>} : memref<256x256xf32, #tpu.memory_space<vmem>>, vector<16xf32>,
      %mul3A_1360 = arith.mulf %get3A_1359, %get3A_57 : vector<16xf32>
      %add3A_1361 = arith.addf %add3A_1305, %mul3A_1360 : vector<16xf32>
      %mul3A_1362 = arith.mulf %get3A_1359, %get3A_1359 : vector<16xf32>
      %add3A_1363 = arith.addf %add3A_1307, %mul3A_1362 : vector<16xf32>
      %get3A_1364 = arith.index_cast %add3A_1170 : i32 to index
      %get3A_1365 = arith.constant 32 : index
      %get3A_1366 = tpu.vector_load %arg7[%get3A_1364, %get3A_1365] {strides = array<i32>} : memref<256x256xf32, #tpu.memory_space<vmem>>, vector<16xf32>,
      %mul3A_1367 = arith.mulf %get3A_1366, %get3A_57 : vector<16xf32>
      %add3A_1368 = arith.addf %add3A_1312, %mul3A_1367 : vector<16xf32>
      %mul3A_1369 = arith.mulf %get3A_1366, %get3A_1366 : vector<16xf32>
      %add3A_1370 = arith.addf %add3A_1314, %mul3A_1369 : vector<16xf32>
      %get3A_1371 = arith.index_cast %add3A_1128 : i32 to index
      %get3A_1372 = arith.constant 48 : index
      %get3A_1373 = tpu.vector_load %arg7[%get3A_1371, %get3A_1372] {strides = array<i32>} : memref<256x256xf32, #tpu.memory_space<vmem>>, vector<16xf32>,
      %mul3A_1374 = arith.mulf %get3A_1373, %get3A_59 : vector<16xf32>
      %add3A_1375 = arith.addf %add3A_1319, %mul3A_1374 : vector<16xf32>
      %mul3A_1376 = arith.mulf %get3A_1373, %get3A_1373 : vector<16xf32>
      %add3A_1377 = arith.addf %add3A_1321, %mul3A_1376 : vector<16xf32>
      %get3A_1378 = arith.index_cast %add3A_1134 : i32 to index
      %get3A_1379 = arith.constant 48 : index
      %get3A_1380 = tpu.vector_load %arg7[%get3A_1378, %get3A_1379] {strides = array<i32>} : memref<256x256xf32, #tpu.memory_space<vmem>>, vector<16xf32>,
      %mul3A_1381 = arith.mulf %get3A_1380, %get3A_59 : vector<16xf32>
      %add3A_1382 = arith.addf %add3A_1326, %mul3A_1381 : vector<16xf32>
      %mul3A_1383 = arith.mulf %get3A_1380, %get3A_1380 : vector<16xf32>
      %add3A_1384 = arith.addf %add3A_1328, %mul3A_1383 : vector<16xf32>
      %get3A_1385 = arith.index_cast %add3A_1140 : i32 to index
      %get3A_1386 = arith.constant 48 : index
      %get3A_1387 = tpu.vector_load %arg7[%get3A_1385, %get3A_1386] {strides = array<i32>} : memref<256x256xf32, #tpu.memory_space<vmem>>, vector<16xf32>,
      %mul3A_1388 = arith.mulf %get3A_1387, %get3A_59 : vector<16xf32>
      %add3A_1389 = arith.addf %add3A_1333, %mul3A_1388 : vector<16xf32>
      %mul3A_1390 = arith.mulf %get3A_1387, %get3A_1387 : vector<16xf32>
      %add3A_1391 = arith.addf %add3A_1335, %mul3A_1390 : vector<16xf32>
      %get3A_1392 = arith.index_cast %add3A_1146 : i32 to index
      %get3A_1393 = arith.constant 48 : index
      %get3A_1394 = tpu.vector_load %arg7[%get3A_1392, %get3A_1393] {strides = array<i32>} : memref<256x256xf32, #tpu.memory_space<vmem>>, vector<16xf32>,
      %mul3A_1395 = arith.mulf %get3A_1394, %get3A_59 : vector<16xf32>
      %add3A_1396 = arith.addf %add3A_1340, %mul3A_1395 : vector<16xf32>
      %mul3A_1397 = arith.mulf %get3A_1394, %get3A_1394 : vector<16xf32>
      %add3A_1398 = arith.addf %add3A_1342, %mul3A_1397 : vector<16xf32>
      %get3A_1399 = arith.index_cast %add3A_1152 : i32 to index
      %get3A_1400 = arith.constant 48 : index
      %get3A_1401 = tpu.vector_load %arg7[%get3A_1399, %get3A_1400] {strides = array<i32>} : memref<256x256xf32, #tpu.memory_space<vmem>>, vector<16xf32>,
      %mul3A_1402 = arith.mulf %get3A_1401, %get3A_59 : vector<16xf32>
      %add3A_1403 = arith.addf %add3A_1347, %mul3A_1402 : vector<16xf32>
      %mul3A_1404 = arith.mulf %get3A_1401, %get3A_1401 : vector<16xf32>
      %add3A_1405 = arith.addf %add3A_1349, %mul3A_1404 : vector<16xf32>
      %get3A_1406 = arith.index_cast %add3A_1158 : i32 to index
      %get3A_1407 = arith.constant 48 : index
      %get3A_1408 = tpu.vector_load %arg7[%get3A_1406, %get3A_1407] {strides = array<i32>} : memref<256x256xf32, #tpu.memory_space<vmem>>, vector<16xf32>,
      %mul3A_1409 = arith.mulf %get3A_1408, %get3A_59 : vector<16xf32>
      %add3A_1410 = arith.addf %add3A_1354, %mul3A_1409 : vector<16xf32>
      %mul3A_1411 = arith.mulf %get3A_1408, %get3A_1408 : vector<16xf32>
      %add3A_1412 = arith.addf %add3A_1356, %mul3A_1411 : vector<16xf32>
      %get3A_1413 = arith.index_cast %add3A_1164 : i32 to index
      %get3A_1414 = arith.constant 48 : index
      %get3A_1415 = tpu.vector_load %arg7[%get3A_1413, %get3A_1414] {strides = array<i32>} : memref<256x256xf32, #tpu.memory_space<vmem>>, vector<16xf32>,
      %mul3A_1416 = arith.mulf %get3A_1415, %get3A_59 : vector<16xf32>
      %add3A_1417 = arith.addf %add3A_1361, %mul3A_1416 : vector<16xf32>
      %mul3A_1418 = arith.mulf %get3A_1415, %get3A_1415 : vector<16xf32>
      %add3A_1419 = arith.addf %add3A_1363, %mul3A_1418 : vector<16xf32>
      %get3A_1420 = arith.index_cast %add3A_1170 : i32 to index
      %get3A_1421 = arith.constant 48 : index
      %get3A_1422 = tpu.vector_load %arg7[%get3A_1420, %get3A_1421] {strides = array<i32>} : memref<256x256xf32, #tpu.memory_space<vmem>>, vector<16xf32>,
      %mul3A_1423 = arith.mulf %get3A_1422, %get3A_59 : vector<16xf32>
      %add3A_1424 = arith.addf %add3A_1368, %mul3A_1423 : vector<16xf32>
      %mul3A_1425 = arith.mulf %get3A_1422, %get3A_1422 : vector<16xf32>
      %add3A_1426 = arith.addf %add3A_1370, %mul3A_1425 : vector<16xf32>
      %get3A_1427 = arith.index_cast %add3A_1128 : i32 to index
      %get3A_1428 = arith.constant 64 : index
      %get3A_1429 = tpu.vector_load %arg7[%get3A_1427, %get3A_1428] {strides = array<i32>} : memref<256x256xf32, #tpu.memory_space<vmem>>, vector<16xf32>,
      %mul3A_1430 = arith.mulf %get3A_1429, %get3A_61 : vector<16xf32>
      %add3A_1431 = arith.addf %add3A_1375, %mul3A_1430 : vector<16xf32>
      %mul3A_1432 = arith.mulf %get3A_1429, %get3A_1429 : vector<16xf32>
      %add3A_1433 = arith.addf %add3A_1377, %mul3A_1432 : vector<16xf32>
      %get3A_1434 = arith.index_cast %add3A_1134 : i32 to index
      %get3A_1435 = arith.constant 64 : index
      %get3A_1436 = tpu.vector_load %arg7[%get3A_1434, %get3A_1435] {strides = array<i32>} : memref<256x256xf32, #tpu.memory_space<vmem>>, vector<16xf32>,
      %mul3A_1437 = arith.mulf %get3A_1436, %get3A_61 : vector<16xf32>
      %add3A_1438 = arith.addf %add3A_1382, %mul3A_1437 : vector<16xf32>
      %mul3A_1439 = arith.mulf %get3A_1436, %get3A_1436 : vector<16xf32>
      %add3A_1440 = arith.addf %add3A_1384, %mul3A_1439 : vector<16xf32>
      %get3A_1441 = arith.index_cast %add3A_1140 : i32 to index
      %get3A_1442 = arith.constant 64 : index
      %get3A_1443 = tpu.vector_load %arg7[%get3A_1441, %get3A_1442] {strides = array<i32>} : memref<256x256xf32, #tpu.memory_space<vmem>>, vector<16xf32>,
      %mul3A_1444 = arith.mulf %get3A_1443, %get3A_61 : vector<16xf32>
      %add3A_1445 = arith.addf %add3A_1389, %mul3A_1444 : vector<16xf32>
      %mul3A_1446 = arith.mulf %get3A_1443, %get3A_1443 : vector<16xf32>
      %add3A_1447 = arith.addf %add3A_1391, %mul3A_1446 : vector<16xf32>
      %get3A_1448 = arith.index_cast %add3A_1146 : i32 to index
      %get3A_1449 = arith.constant 64 : index
      %get3A_1450 = tpu.vector_load %arg7[%get3A_1448, %get3A_1449] {strides = array<i32>} : memref<256x256xf32, #tpu.memory_space<vmem>>, vector<16xf32>,
      %mul3A_1451 = arith.mulf %get3A_1450, %get3A_61 : vector<16xf32>
      %add3A_1452 = arith.addf %add3A_1396, %mul3A_1451 : vector<16xf32>
      %mul3A_1453 = arith.mulf %get3A_1450, %get3A_1450 : vector<16xf32>
      %add3A_1454 = arith.addf %add3A_1398, %mul3A_1453 : vector<16xf32>
      %get3A_1455 = arith.index_cast %add3A_1152 : i32 to index
      %get3A_1456 = arith.constant 64 : index
      %get3A_1457 = tpu.vector_load %arg7[%get3A_1455, %get3A_1456] {strides = array<i32>} : memref<256x256xf32, #tpu.memory_space<vmem>>, vector<16xf32>,
      %mul3A_1458 = arith.mulf %get3A_1457, %get3A_61 : vector<16xf32>
      %add3A_1459 = arith.addf %add3A_1403, %mul3A_1458 : vector<16xf32>
      %mul3A_1460 = arith.mulf %get3A_1457, %get3A_1457 : vector<16xf32>
      %add3A_1461 = arith.addf %add3A_1405, %mul3A_1460 : vector<16xf32>
      %get3A_1462 = arith.index_cast %add3A_1158 : i32 to index
      %get3A_1463 = arith.constant 64 : index
      %get3A_1464 = tpu.vector_load %arg7[%get3A_1462, %get3A_1463] {strides = array<i32>} : memref<256x256xf32, #tpu.memory_space<vmem>>, vector<16xf32>,
      %mul3A_1465 = arith.mulf %get3A_1464, %get3A_61 : vector<16xf32>
      %add3A_1466 = arith.addf %add3A_1410, %mul3A_1465 : vector<16xf32>
      %mul3A_1467 = arith.mulf %get3A_1464, %get3A_1464 : vector<16xf32>
      %add3A_1468 = arith.addf %add3A_1412, %mul3A_1467 : vector<16xf32>
      %get3A_1469 = arith.index_cast %add3A_1164 : i32 to index
      %get3A_1470 = arith.constant 64 : index
      %get3A_1471 = tpu.vector_load %arg7[%get3A_1469, %get3A_1470] {strides = array<i32>} : memref<256x256xf32, #tpu.memory_space<vmem>>, vector<16xf32>,
      %mul3A_1472 = arith.mulf %get3A_1471, %get3A_61 : vector<16xf32>
      %add3A_1473 = arith.addf %add3A_1417, %mul3A_1472 : vector<16xf32>
      %mul3A_1474 = arith.mulf %get3A_1471, %get3A_1471 : vector<16xf32>
      %add3A_1475 = arith.addf %add3A_1419, %mul3A_1474 : vector<16xf32>
      %get3A_1476 = arith.index_cast %add3A_1170 : i32 to index
      %get3A_1477 = arith.constant 64 : index
      %get3A_1478 = tpu.vector_load %arg7[%get3A_1476, %get3A_1477] {strides = array<i32>} : memref<256x256xf32, #tpu.memory_space<vmem>>, vector<16xf32>,
      %mul3A_1479 = arith.mulf %get3A_1478, %get3A_61 : vector<16xf32>
      %add3A_1480 = arith.addf %add3A_1424, %mul3A_1479 : vector<16xf32>
      %mul3A_1481 = arith.mulf %get3A_1478, %get3A_1478 : vector<16xf32>
      %add3A_1482 = arith.addf %add3A_1426, %mul3A_1481 : vector<16xf32>
      %get3A_1483 = arith.index_cast %add3A_1128 : i32 to index
      %get3A_1484 = arith.constant 80 : index
      %get3A_1485 = tpu.vector_load %arg7[%get3A_1483, %get3A_1484] {strides = array<i32>} : memref<256x256xf32, #tpu.memory_space<vmem>>, vector<16xf32>,
      %mul3A_1486 = arith.mulf %get3A_1485, %get3A_63 : vector<16xf32>
      %add3A_1487 = arith.addf %add3A_1431, %mul3A_1486 : vector<16xf32>
      %mul3A_1488 = arith.mulf %get3A_1485, %get3A_1485 : vector<16xf32>
      %add3A_1489 = arith.addf %add3A_1433, %mul3A_1488 : vector<16xf32>
      %get3A_1490 = arith.index_cast %add3A_1134 : i32 to index
      %get3A_1491 = arith.constant 80 : index
      %get3A_1492 = tpu.vector_load %arg7[%get3A_1490, %get3A_1491] {strides = array<i32>} : memref<256x256xf32, #tpu.memory_space<vmem>>, vector<16xf32>,
      %mul3A_1493 = arith.mulf %get3A_1492, %get3A_63 : vector<16xf32>
      %add3A_1494 = arith.addf %add3A_1438, %mul3A_1493 : vector<16xf32>
      %mul3A_1495 = arith.mulf %get3A_1492, %get3A_1492 : vector<16xf32>
      %add3A_1496 = arith.addf %add3A_1440, %mul3A_1495 : vector<16xf32>
      %get3A_1497 = arith.index_cast %add3A_1140 : i32 to index
      %get3A_1498 = arith.constant 80 : index
      %get3A_1499 = tpu.vector_load %arg7[%get3A_1497, %get3A_1498] {strides = array<i32>} : memref<256x256xf32, #tpu.memory_space<vmem>>, vector<16xf32>,
      %mul3A_1500 = arith.mulf %get3A_1499, %get3A_63 : vector<16xf32>
      %add3A_1501 = arith.addf %add3A_1445, %mul3A_1500 : vector<16xf32>
      %mul3A_1502 = arith.mulf %get3A_1499, %get3A_1499 : vector<16xf32>
      %add3A_1503 = arith.addf %add3A_1447, %mul3A_1502 : vector<16xf32>
      %get3A_1504 = arith.index_cast %add3A_1146 : i32 to index
      %get3A_1505 = arith.constant 80 : index
      %get3A_1506 = tpu.vector_load %arg7[%get3A_1504, %get3A_1505] {strides = array<i32>} : memref<256x256xf32, #tpu.memory_space<vmem>>, vector<16xf32>,
      %mul3A_1507 = arith.mulf %get3A_1506, %get3A_63 : vector<16xf32>
      %add3A_1508 = arith.addf %add3A_1452, %mul3A_1507 : vector<16xf32>
      %mul3A_1509 = arith.mulf %get3A_1506, %get3A_1506 : vector<16xf32>
      %add3A_1510 = arith.addf %add3A_1454, %mul3A_1509 : vector<16xf32>
      %get3A_1511 = arith.index_cast %add3A_1152 : i32 to index
      %get3A_1512 = arith.constant 80 : index
      %get3A_1513 = tpu.vector_load %arg7[%get3A_1511, %get3A_1512] {strides = array<i32>} : memref<256x256xf32, #tpu.memory_space<vmem>>, vector<16xf32>,
      %mul3A_1514 = arith.mulf %get3A_1513, %get3A_63 : vector<16xf32>
      %add3A_1515 = arith.addf %add3A_1459, %mul3A_1514 : vector<16xf32>
      %mul3A_1516 = arith.mulf %get3A_1513, %get3A_1513 : vector<16xf32>
      %add3A_1517 = arith.addf %add3A_1461, %mul3A_1516 : vector<16xf32>
      %get3A_1518 = arith.index_cast %add3A_1158 : i32 to index
      %get3A_1519 = arith.constant 80 : index
      %get3A_1520 = tpu.vector_load %arg7[%get3A_1518, %get3A_1519] {strides = array<i32>} : memref<256x256xf32, #tpu.memory_space<vmem>>, vector<16xf32>,
      %mul3A_1521 = arith.mulf %get3A_1520, %get3A_63 : vector<16xf32>
      %add3A_1522 = arith.addf %add3A_1466, %mul3A_1521 : vector<16xf32>
      %mul3A_1523 = arith.mulf %get3A_1520, %get3A_1520 : vector<16xf32>
      %add3A_1524 = arith.addf %add3A_1468, %mul3A_1523 : vector<16xf32>
      %get3A_1525 = arith.index_cast %add3A_1164 : i32 to index
      %get3A_1526 = arith.constant 80 : index
      %get3A_1527 = tpu.vector_load %arg7[%get3A_1525, %get3A_1526] {strides = array<i32>} : memref<256x256xf32, #tpu.memory_space<vmem>>, vector<16xf32>,
      %mul3A_1528 = arith.mulf %get3A_1527, %get3A_63 : vector<16xf32>
      %add3A_1529 = arith.addf %add3A_1473, %mul3A_1528 : vector<16xf32>
      %mul3A_1530 = arith.mulf %get3A_1527, %get3A_1527 : vector<16xf32>
      %add3A_1531 = arith.addf %add3A_1475, %mul3A_1530 : vector<16xf32>
      %get3A_1532 = arith.index_cast %add3A_1170 : i32 to index
      %get3A_1533 = arith.constant 80 : index
      %get3A_1534 = tpu.vector_load %arg7[%get3A_1532, %get3A_1533] {strides = array<i32>} : memref<256x256xf32, #tpu.memory_space<vmem>>, vector<16xf32>,
      %mul3A_1535 = arith.mulf %get3A_1534, %get3A_63 : vector<16xf32>
      %add3A_1536 = arith.addf %add3A_1480, %mul3A_1535 : vector<16xf32>
      %mul3A_1537 = arith.mulf %get3A_1534, %get3A_1534 : vector<16xf32>
      %add3A_1538 = arith.addf %add3A_1482, %mul3A_1537 : vector<16xf32>
      %get3A_1539 = arith.index_cast %add3A_1128 : i32 to index
      %get3A_1540 = arith.constant 96 : index
      %get3A_1541 = tpu.vector_load %arg7[%get3A_1539, %get3A_1540] {strides = array<i32>} : memref<256x256xf32, #tpu.memory_space<vmem>>, vector<16xf32>,
      %mul3A_1542 = arith.mulf %get3A_1541, %get3A_65 : vector<16xf32>
      %add3A_1543 = arith.addf %add3A_1487, %mul3A_1542 : vector<16xf32>
      %mul3A_1544 = arith.mulf %get3A_1541, %get3A_1541 : vector<16xf32>
      %add3A_1545 = arith.addf %add3A_1489, %mul3A_1544 : vector<16xf32>
      %get3A_1546 = arith.index_cast %add3A_1134 : i32 to index
      %get3A_1547 = arith.constant 96 : index
      %get3A_1548 = tpu.vector_load %arg7[%get3A_1546, %get3A_1547] {strides = array<i32>} : memref<256x256xf32, #tpu.memory_space<vmem>>, vector<16xf32>,
      %mul3A_1549 = arith.mulf %get3A_1548, %get3A_65 : vector<16xf32>
      %add3A_1550 = arith.addf %add3A_1494, %mul3A_1549 : vector<16xf32>
      %mul3A_1551 = arith.mulf %get3A_1548, %get3A_1548 : vector<16xf32>
      %add3A_1552 = arith.addf %add3A_1496, %mul3A_1551 : vector<16xf32>
      %get3A_1553 = arith.index_cast %add3A_1140 : i32 to index
      %get3A_1554 = arith.constant 96 : index
      %get3A_1555 = tpu.vector_load %arg7[%get3A_1553, %get3A_1554] {strides = array<i32>} : memref<256x256xf32, #tpu.memory_space<vmem>>, vector<16xf32>,
      %mul3A_1556 = arith.mulf %get3A_1555, %get3A_65 : vector<16xf32>
      %add3A_1557 = arith.addf %add3A_1501, %mul3A_1556 : vector<16xf32>
      %mul3A_1558 = arith.mulf %get3A_1555, %get3A_1555 : vector<16xf32>
      %add3A_1559 = arith.addf %add3A_1503, %mul3A_1558 : vector<16xf32>
      %get3A_1560 = arith.index_cast %add3A_1146 : i32 to index
      %get3A_1561 = arith.constant 96 : index
      %get3A_1562 = tpu.vector_load %arg7[%get3A_1560, %get3A_1561] {strides = array<i32>} : memref<256x256xf32, #tpu.memory_space<vmem>>, vector<16xf32>,
      %mul3A_1563 = arith.mulf %get3A_1562, %get3A_65 : vector<16xf32>
      %add3A_1564 = arith.addf %add3A_1508, %mul3A_1563 : vector<16xf32>
      %mul3A_1565 = arith.mulf %get3A_1562, %get3A_1562 : vector<16xf32>
      %add3A_1566 = arith.addf %add3A_1510, %mul3A_1565 : vector<16xf32>
      %get3A_1567 = arith.index_cast %add3A_1152 : i32 to index
      %get3A_1568 = arith.constant 96 : index
      %get3A_1569 = tpu.vector_load %arg7[%get3A_1567, %get3A_1568] {strides = array<i32>} : memref<256x256xf32, #tpu.memory_space<vmem>>, vector<16xf32>,
      %mul3A_1570 = arith.mulf %get3A_1569, %get3A_65 : vector<16xf32>
      %add3A_1571 = arith.addf %add3A_1515, %mul3A_1570 : vector<16xf32>
      %mul3A_1572 = arith.mulf %get3A_1569, %get3A_1569 : vector<16xf32>
      %add3A_1573 = arith.addf %add3A_1517, %mul3A_1572 : vector<16xf32>
      %get3A_1574 = arith.index_cast %add3A_1158 : i32 to index
      %get3A_1575 = arith.constant 96 : index
      %get3A_1576 = tpu.vector_load %arg7[%get3A_1574, %get3A_1575] {strides = array<i32>} : memref<256x256xf32, #tpu.memory_space<vmem>>, vector<16xf32>,
      %mul3A_1577 = arith.mulf %get3A_1576, %get3A_65 : vector<16xf32>
      %add3A_1578 = arith.addf %add3A_1522, %mul3A_1577 : vector<16xf32>
      %mul3A_1579 = arith.mulf %get3A_1576, %get3A_1576 : vector<16xf32>
      %add3A_1580 = arith.addf %add3A_1524, %mul3A_1579 : vector<16xf32>
      %get3A_1581 = arith.index_cast %add3A_1164 : i32 to index
      %get3A_1582 = arith.constant 96 : index
      %get3A_1583 = tpu.vector_load %arg7[%get3A_1581, %get3A_1582] {strides = array<i32>} : memref<256x256xf32, #tpu.memory_space<vmem>>, vector<16xf32>,
      %mul3A_1584 = arith.mulf %get3A_1583, %get3A_65 : vector<16xf32>
      %add3A_1585 = arith.addf %add3A_1529, %mul3A_1584 : vector<16xf32>
      %mul3A_1586 = arith.mulf %get3A_1583, %get3A_1583 : vector<16xf32>
      %add3A_1587 = arith.addf %add3A_1531, %mul3A_1586 : vector<16xf32>
      %get3A_1588 = arith.index_cast %add3A_1170 : i32 to index
      %get3A_1589 = arith.constant 96 : index
      %get3A_1590 = tpu.vector_load %arg7[%get3A_1588, %get3A_1589] {strides = array<i32>} : memref<256x256xf32, #tpu.memory_space<vmem>>, vector<16xf32>,
      %mul3A_1591 = arith.mulf %get3A_1590, %get3A_65 : vector<16xf32>
      %add3A_1592 = arith.addf %add3A_1536, %mul3A_1591 : vector<16xf32>
      %mul3A_1593 = arith.mulf %get3A_1590, %get3A_1590 : vector<16xf32>
      %add3A_1594 = arith.addf %add3A_1538, %mul3A_1593 : vector<16xf32>
      %get3A_1595 = arith.index_cast %add3A_1128 : i32 to index
      %get3A_1596 = arith.constant 112 : index
      %get3A_1597 = tpu.vector_load %arg7[%get3A_1595, %get3A_1596] {strides = array<i32>} : memref<256x256xf32, #tpu.memory_space<vmem>>, vector<16xf32>,
      %mul3A_1598 = arith.mulf %get3A_1597, %get3A_67 : vector<16xf32>
      %add3A_1599 = arith.addf %add3A_1543, %mul3A_1598 : vector<16xf32>
      %mul3A_1600 = arith.mulf %get3A_1597, %get3A_1597 : vector<16xf32>
      %add3A_1601 = arith.addf %add3A_1545, %mul3A_1600 : vector<16xf32>
      %get3A_1602 = arith.index_cast %add3A_1134 : i32 to index
      %get3A_1603 = arith.constant 112 : index
      %get3A_1604 = tpu.vector_load %arg7[%get3A_1602, %get3A_1603] {strides = array<i32>} : memref<256x256xf32, #tpu.memory_space<vmem>>, vector<16xf32>,
      %mul3A_1605 = arith.mulf %get3A_1604, %get3A_67 : vector<16xf32>
      %add3A_1606 = arith.addf %add3A_1550, %mul3A_1605 : vector<16xf32>
      %mul3A_1607 = arith.mulf %get3A_1604, %get3A_1604 : vector<16xf32>
      %add3A_1608 = arith.addf %add3A_1552, %mul3A_1607 : vector<16xf32>
      %get3A_1609 = arith.index_cast %add3A_1140 : i32 to index
      %get3A_1610 = arith.constant 112 : index
      %get3A_1611 = tpu.vector_load %arg7[%get3A_1609, %get3A_1610] {strides = array<i32>} : memref<256x256xf32, #tpu.memory_space<vmem>>, vector<16xf32>,
      %mul3A_1612 = arith.mulf %get3A_1611, %get3A_67 : vector<16xf32>
      %add3A_1613 = arith.addf %add3A_1557, %mul3A_1612 : vector<16xf32>
      %mul3A_1614 = arith.mulf %get3A_1611, %get3A_1611 : vector<16xf32>
      %add3A_1615 = arith.addf %add3A_1559, %mul3A_1614 : vector<16xf32>
      %get3A_1616 = arith.index_cast %add3A_1146 : i32 to index
      %get3A_1617 = arith.constant 112 : index
      %get3A_1618 = tpu.vector_load %arg7[%get3A_1616, %get3A_1617] {strides = array<i32>} : memref<256x256xf32, #tpu.memory_space<vmem>>, vector<16xf32>,
      %mul3A_1619 = arith.mulf %get3A_1618, %get3A_67 : vector<16xf32>
      %add3A_1620 = arith.addf %add3A_1564, %mul3A_1619 : vector<16xf32>
      %mul3A_1621 = arith.mulf %get3A_1618, %get3A_1618 : vector<16xf32>
      %add3A_1622 = arith.addf %add3A_1566, %mul3A_1621 : vector<16xf32>
      %get3A_1623 = arith.index_cast %add3A_1152 : i32 to index
      %get3A_1624 = arith.constant 112 : index
      %get3A_1625 = tpu.vector_load %arg7[%get3A_1623, %get3A_1624] {strides = array<i32>} : memref<256x256xf32, #tpu.memory_space<vmem>>, vector<16xf32>,
      %mul3A_1626 = arith.mulf %get3A_1625, %get3A_67 : vector<16xf32>
      %add3A_1627 = arith.addf %add3A_1571, %mul3A_1626 : vector<16xf32>
      %mul3A_1628 = arith.mulf %get3A_1625, %get3A_1625 : vector<16xf32>
      %add3A_1629 = arith.addf %add3A_1573, %mul3A_1628 : vector<16xf32>
      %get3A_1630 = arith.index_cast %add3A_1158 : i32 to index
      %get3A_1631 = arith.constant 112 : index
      %get3A_1632 = tpu.vector_load %arg7[%get3A_1630, %get3A_1631] {strides = array<i32>} : memref<256x256xf32, #tpu.memory_space<vmem>>, vector<16xf32>,
      %mul3A_1633 = arith.mulf %get3A_1632, %get3A_67 : vector<16xf32>
      %add3A_1634 = arith.addf %add3A_1578, %mul3A_1633 : vector<16xf32>
      %mul3A_1635 = arith.mulf %get3A_1632, %get3A_1632 : vector<16xf32>
      %add3A_1636 = arith.addf %add3A_1580, %mul3A_1635 : vector<16xf32>
      %get3A_1637 = arith.index_cast %add3A_1164 : i32 to index
      %get3A_1638 = arith.constant 112 : index
      %get3A_1639 = tpu.vector_load %arg7[%get3A_1637, %get3A_1638] {strides = array<i32>} : memref<256x256xf32, #tpu.memory_space<vmem>>, vector<16xf32>,
      %mul3A_1640 = arith.mulf %get3A_1639, %get3A_67 : vector<16xf32>
      %add3A_1641 = arith.addf %add3A_1585, %mul3A_1640 : vector<16xf32>
      %mul3A_1642 = arith.mulf %get3A_1639, %get3A_1639 : vector<16xf32>
      %add3A_1643 = arith.addf %add3A_1587, %mul3A_1642 : vector<16xf32>
      %get3A_1644 = arith.index_cast %add3A_1170 : i32 to index
      %get3A_1645 = arith.constant 112 : index
      %get3A_1646 = tpu.vector_load %arg7[%get3A_1644, %get3A_1645] {strides = array<i32>} : memref<256x256xf32, #tpu.memory_space<vmem>>, vector<16xf32>,
      %mul3A_1647 = arith.mulf %get3A_1646, %get3A_67 : vector<16xf32>
      %add3A_1648 = arith.addf %add3A_1592, %mul3A_1647 : vector<16xf32>
      %mul3A_1649 = arith.mulf %get3A_1646, %get3A_1646 : vector<16xf32>
      %add3A_1650 = arith.addf %add3A_1594, %mul3A_1649 : vector<16xf32>
      %get3A_1651 = arith.index_cast %add3A_1128 : i32 to index
      %get3A_1652 = arith.constant 128 : index
      %get3A_1653 = tpu.vector_load %arg7[%get3A_1651, %get3A_1652] {strides = array<i32>} : memref<256x256xf32, #tpu.memory_space<vmem>>, vector<16xf32>,
      %mul3A_1654 = arith.mulf %get3A_1653, %get3A_69 : vector<16xf32>
      %add3A_1655 = arith.addf %add3A_1599, %mul3A_1654 : vector<16xf32>
      %mul3A_1656 = arith.mulf %get3A_1653, %get3A_1653 : vector<16xf32>
      %add3A_1657 = arith.addf %add3A_1601, %mul3A_1656 : vector<16xf32>
      %get3A_1658 = arith.index_cast %add3A_1134 : i32 to index
      %get3A_1659 = arith.constant 128 : index
      %get3A_1660 = tpu.vector_load %arg7[%get3A_1658, %get3A_1659] {strides = array<i32>} : memref<256x256xf32, #tpu.memory_space<vmem>>, vector<16xf32>,
      %mul3A_1661 = arith.mulf %get3A_1660, %get3A_69 : vector<16xf32>
      %add3A_1662 = arith.addf %add3A_1606, %mul3A_1661 : vector<16xf32>
      %mul3A_1663 = arith.mulf %get3A_1660, %get3A_1660 : vector<16xf32>
      %add3A_1664 = arith.addf %add3A_1608, %mul3A_1663 : vector<16xf32>
      %get3A_1665 = arith.index_cast %add3A_1140 : i32 to index
      %get3A_1666 = arith.constant 128 : index
      %get3A_1667 = tpu.vector_load %arg7[%get3A_1665, %get3A_1666] {strides = array<i32>} : memref<256x256xf32, #tpu.memory_space<vmem>>, vector<16xf32>,
      %mul3A_1668 = arith.mulf %get3A_1667, %get3A_69 : vector<16xf32>
      %add3A_1669 = arith.addf %add3A_1613, %mul3A_1668 : vector<16xf32>
      %mul3A_1670 = arith.mulf %get3A_1667, %get3A_1667 : vector<16xf32>
      %add3A_1671 = arith.addf %add3A_1615, %mul3A_1670 : vector<16xf32>
      %get3A_1672 = arith.index_cast %add3A_1146 : i32 to index
      %get3A_1673 = arith.constant 128 : index
      %get3A_1674 = tpu.vector_load %arg7[%get3A_1672, %get3A_1673] {strides = array<i32>} : memref<256x256xf32, #tpu.memory_space<vmem>>, vector<16xf32>,
      %mul3A_1675 = arith.mulf %get3A_1674, %get3A_69 : vector<16xf32>
      %add3A_1676 = arith.addf %add3A_1620, %mul3A_1675 : vector<16xf32>
      %mul3A_1677 = arith.mulf %get3A_1674, %get3A_1674 : vector<16xf32>
      %add3A_1678 = arith.addf %add3A_1622, %mul3A_1677 : vector<16xf32>
      %get3A_1679 = arith.index_cast %add3A_1152 : i32 to index
      %get3A_1680 = arith.constant 128 : index
      %get3A_1681 = tpu.vector_load %arg7[%get3A_1679, %get3A_1680] {strides = array<i32>} : memref<256x256xf32, #tpu.memory_space<vmem>>, vector<16xf32>,
      %mul3A_1682 = arith.mulf %get3A_1681, %get3A_69 : vector<16xf32>
      %add3A_1683 = arith.addf %add3A_1627, %mul3A_1682 : vector<16xf32>
      %mul3A_1684 = arith.mulf %get3A_1681, %get3A_1681 : vector<16xf32>
      %add3A_1685 = arith.addf %add3A_1629, %mul3A_1684 : vector<16xf32>
      %get3A_1686 = arith.index_cast %add3A_1158 : i32 to index
      %get3A_1687 = arith.constant 128 : index
      %get3A_1688 = tpu.vector_load %arg7[%get3A_1686, %get3A_1687] {strides = array<i32>} : memref<256x256xf32, #tpu.memory_space<vmem>>, vector<16xf32>,
      %mul3A_1689 = arith.mulf %get3A_1688, %get3A_69 : vector<16xf32>
      %add3A_1690 = arith.addf %add3A_1634, %mul3A_1689 : vector<16xf32>
      %mul3A_1691 = arith.mulf %get3A_1688, %get3A_1688 : vector<16xf32>
      %add3A_1692 = arith.addf %add3A_1636, %mul3A_1691 : vector<16xf32>
      %get3A_1693 = arith.index_cast %add3A_1164 : i32 to index
      %get3A_1694 = arith.constant 128 : index
      %get3A_1695 = tpu.vector_load %arg7[%get3A_1693, %get3A_1694] {strides = array<i32>} : memref<256x256xf32, #tpu.memory_space<vmem>>, vector<16xf32>,
      %mul3A_1696 = arith.mulf %get3A_1695, %get3A_69 : vector<16xf32>
      %add3A_1697 = arith.addf %add3A_1641, %mul3A_1696 : vector<16xf32>
      %mul3A_1698 = arith.mulf %get3A_1695, %get3A_1695 : vector<16xf32>
      %add3A_1699 = arith.addf %add3A_1643, %mul3A_1698 : vector<16xf32>
      %get3A_1700 = arith.index_cast %add3A_1170 : i32 to index
      %get3A_1701 = arith.constant 128 : index
      %get3A_1702 = tpu.vector_load %arg7[%get3A_1700, %get3A_1701] {strides = array<i32>} : memref<256x256xf32, #tpu.memory_space<vmem>>, vector<16xf32>,
      %mul3A_1703 = arith.mulf %get3A_1702, %get3A_69 : vector<16xf32>
      %add3A_1704 = arith.addf %add3A_1648, %mul3A_1703 : vector<16xf32>
      %mul3A_1705 = arith.mulf %get3A_1702, %get3A_1702 : vector<16xf32>
      %add3A_1706 = arith.addf %add3A_1650, %mul3A_1705 : vector<16xf32>
      %get3A_1707 = arith.index_cast %add3A_1128 : i32 to index
      %get3A_1708 = arith.constant 144 : index
      %get3A_1709 = tpu.vector_load %arg7[%get3A_1707, %get3A_1708] {strides = array<i32>} : memref<256x256xf32, #tpu.memory_space<vmem>>, vector<16xf32>,
      %mul3A_1710 = arith.mulf %get3A_1709, %get3A_71 : vector<16xf32>
      %add3A_1711 = arith.addf %add3A_1655, %mul3A_1710 : vector<16xf32>
      %mul3A_1712 = arith.mulf %get3A_1709, %get3A_1709 : vector<16xf32>
      %add3A_1713 = arith.addf %add3A_1657, %mul3A_1712 : vector<16xf32>
      %get3A_1714 = arith.index_cast %add3A_1134 : i32 to index
      %get3A_1715 = arith.constant 144 : index
      %get3A_1716 = tpu.vector_load %arg7[%get3A_1714, %get3A_1715] {strides = array<i32>} : memref<256x256xf32, #tpu.memory_space<vmem>>, vector<16xf32>,
      %mul3A_1717 = arith.mulf %get3A_1716, %get3A_71 : vector<16xf32>
      %add3A_1718 = arith.addf %add3A_1662, %mul3A_1717 : vector<16xf32>
      %mul3A_1719 = arith.mulf %get3A_1716, %get3A_1716 : vector<16xf32>
      %add3A_1720 = arith.addf %add3A_1664, %mul3A_1719 : vector<16xf32>
      %get3A_1721 = arith.index_cast %add3A_1140 : i32 to index
      %get3A_1722 = arith.constant 144 : index
      %get3A_1723 = tpu.vector_load %arg7[%get3A_1721, %get3A_1722] {strides = array<i32>} : memref<256x256xf32, #tpu.memory_space<vmem>>, vector<16xf32>,
      %mul3A_1724 = arith.mulf %get3A_1723, %get3A_71 : vector<16xf32>
      %add3A_1725 = arith.addf %add3A_1669, %mul3A_1724 : vector<16xf32>
      %mul3A_1726 = arith.mulf %get3A_1723, %get3A_1723 : vector<16xf32>
      %add3A_1727 = arith.addf %add3A_1671, %mul3A_1726 : vector<16xf32>
      %get3A_1728 = arith.index_cast %add3A_1146 : i32 to index
      %get3A_1729 = arith.constant 144 : index
      %get3A_1730 = tpu.vector_load %arg7[%get3A_1728, %get3A_1729] {strides = array<i32>} : memref<256x256xf32, #tpu.memory_space<vmem>>, vector<16xf32>,
      %mul3A_1731 = arith.mulf %get3A_1730, %get3A_71 : vector<16xf32>
      %add3A_1732 = arith.addf %add3A_1676, %mul3A_1731 : vector<16xf32>
      %mul3A_1733 = arith.mulf %get3A_1730, %get3A_1730 : vector<16xf32>
      %add3A_1734 = arith.addf %add3A_1678, %mul3A_1733 : vector<16xf32>
      %get3A_1735 = arith.index_cast %add3A_1152 : i32 to index
      %get3A_1736 = arith.constant 144 : index
      %get3A_1737 = tpu.vector_load %arg7[%get3A_1735, %get3A_1736] {strides = array<i32>} : memref<256x256xf32, #tpu.memory_space<vmem>>, vector<16xf32>,
      %mul3A_1738 = arith.mulf %get3A_1737, %get3A_71 : vector<16xf32>
      %add3A_1739 = arith.addf %add3A_1683, %mul3A_1738 : vector<16xf32>
      %mul3A_1740 = arith.mulf %get3A_1737, %get3A_1737 : vector<16xf32>
      %add3A_1741 = arith.addf %add3A_1685, %mul3A_1740 : vector<16xf32>
      %get3A_1742 = arith.index_cast %add3A_1158 : i32 to index
      %get3A_1743 = arith.constant 144 : index
      %get3A_1744 = tpu.vector_load %arg7[%get3A_1742, %get3A_1743] {strides = array<i32>} : memref<256x256xf32, #tpu.memory_space<vmem>>, vector<16xf32>,
      %mul3A_1745 = arith.mulf %get3A_1744, %get3A_71 : vector<16xf32>
      %add3A_1746 = arith.addf %add3A_1690, %mul3A_1745 : vector<16xf32>
      %mul3A_1747 = arith.mulf %get3A_1744, %get3A_1744 : vector<16xf32>
      %add3A_1748 = arith.addf %add3A_1692, %mul3A_1747 : vector<16xf32>
      %get3A_1749 = arith.index_cast %add3A_1164 : i32 to index
      %get3A_1750 = arith.constant 144 : index
      %get3A_1751 = tpu.vector_load %arg7[%get3A_1749, %get3A_1750] {strides = array<i32>} : memref<256x256xf32, #tpu.memory_space<vmem>>, vector<16xf32>,
      %mul3A_1752 = arith.mulf %get3A_1751, %get3A_71 : vector<16xf32>
      %add3A_1753 = arith.addf %add3A_1697, %mul3A_1752 : vector<16xf32>
      %mul3A_1754 = arith.mulf %get3A_1751, %get3A_1751 : vector<16xf32>
      %add3A_1755 = arith.addf %add3A_1699, %mul3A_1754 : vector<16xf32>
      %get3A_1756 = arith.index_cast %add3A_1170 : i32 to index
      %get3A_1757 = arith.constant 144 : index
      %get3A_1758 = tpu.vector_load %arg7[%get3A_1756, %get3A_1757] {strides = array<i32>} : memref<256x256xf32, #tpu.memory_space<vmem>>, vector<16xf32>,
      %mul3A_1759 = arith.mulf %get3A_1758, %get3A_71 : vector<16xf32>
      %add3A_1760 = arith.addf %add3A_1704, %mul3A_1759 : vector<16xf32>
      %mul3A_1761 = arith.mulf %get3A_1758, %get3A_1758 : vector<16xf32>
      %add3A_1762 = arith.addf %add3A_1706, %mul3A_1761 : vector<16xf32>
      %get3A_1763 = arith.index_cast %add3A_1128 : i32 to index
      %get3A_1764 = arith.constant 160 : index
      %get3A_1765 = tpu.vector_load %arg7[%get3A_1763, %get3A_1764] {strides = array<i32>} : memref<256x256xf32, #tpu.memory_space<vmem>>, vector<16xf32>,
      %mul3A_1766 = arith.mulf %get3A_1765, %get3A_73 : vector<16xf32>
      %add3A_1767 = arith.addf %add3A_1711, %mul3A_1766 : vector<16xf32>
      %mul3A_1768 = arith.mulf %get3A_1765, %get3A_1765 : vector<16xf32>
      %add3A_1769 = arith.addf %add3A_1713, %mul3A_1768 : vector<16xf32>
      %get3A_1770 = arith.index_cast %add3A_1134 : i32 to index
      %get3A_1771 = arith.constant 160 : index
      %get3A_1772 = tpu.vector_load %arg7[%get3A_1770, %get3A_1771] {strides = array<i32>} : memref<256x256xf32, #tpu.memory_space<vmem>>, vector<16xf32>,
      %mul3A_1773 = arith.mulf %get3A_1772, %get3A_73 : vector<16xf32>
      %add3A_1774 = arith.addf %add3A_1718, %mul3A_1773 : vector<16xf32>
      %mul3A_1775 = arith.mulf %get3A_1772, %get3A_1772 : vector<16xf32>
      %add3A_1776 = arith.addf %add3A_1720, %mul3A_1775 : vector<16xf32>
      %get3A_1777 = arith.index_cast %add3A_1140 : i32 to index
      %get3A_1778 = arith.constant 160 : index
      %get3A_1779 = tpu.vector_load %arg7[%get3A_1777, %get3A_1778] {strides = array<i32>} : memref<256x256xf32, #tpu.memory_space<vmem>>, vector<16xf32>,
      %mul3A_1780 = arith.mulf %get3A_1779, %get3A_73 : vector<16xf32>
      %add3A_1781 = arith.addf %add3A_1725, %mul3A_1780 : vector<16xf32>
      %mul3A_1782 = arith.mulf %get3A_1779, %get3A_1779 : vector<16xf32>
      %add3A_1783 = arith.addf %add3A_1727, %mul3A_1782 : vector<16xf32>
      %get3A_1784 = arith.index_cast %add3A_1146 : i32 to index
      %get3A_1785 = arith.constant 160 : index
      %get3A_1786 = tpu.vector_load %arg7[%get3A_1784, %get3A_1785] {strides = array<i32>} : memref<256x256xf32, #tpu.memory_space<vmem>>, vector<16xf32>,
      %mul3A_1787 = arith.mulf %get3A_1786, %get3A_73 : vector<16xf32>
      %add3A_1788 = arith.addf %add3A_1732, %mul3A_1787 : vector<16xf32>
      %mul3A_1789 = arith.mulf %get3A_1786, %get3A_1786 : vector<16xf32>
      %add3A_1790 = arith.addf %add3A_1734, %mul3A_1789 : vector<16xf32>
      %get3A_1791 = arith.index_cast %add3A_1152 : i32 to index
      %get3A_1792 = arith.constant 160 : index
      %get3A_1793 = tpu.vector_load %arg7[%get3A_1791, %get3A_1792] {strides = array<i32>} : memref<256x256xf32, #tpu.memory_space<vmem>>, vector<16xf32>,
      %mul3A_1794 = arith.mulf %get3A_1793, %get3A_73 : vector<16xf32>
      %add3A_1795 = arith.addf %add3A_1739, %mul3A_1794 : vector<16xf32>
      %mul3A_1796 = arith.mulf %get3A_1793, %get3A_1793 : vector<16xf32>
      %add3A_1797 = arith.addf %add3A_1741, %mul3A_1796 : vector<16xf32>
      %get3A_1798 = arith.index_cast %add3A_1158 : i32 to index
      %get3A_1799 = arith.constant 160 : index
      %get3A_1800 = tpu.vector_load %arg7[%get3A_1798, %get3A_1799] {strides = array<i32>} : memref<256x256xf32, #tpu.memory_space<vmem>>, vector<16xf32>,
      %mul3A_1801 = arith.mulf %get3A_1800, %get3A_73 : vector<16xf32>
      %add3A_1802 = arith.addf %add3A_1746, %mul3A_1801 : vector<16xf32>
      %mul3A_1803 = arith.mulf %get3A_1800, %get3A_1800 : vector<16xf32>
      %add3A_1804 = arith.addf %add3A_1748, %mul3A_1803 : vector<16xf32>
      %get3A_1805 = arith.index_cast %add3A_1164 : i32 to index
      %get3A_1806 = arith.constant 160 : index
      %get3A_1807 = tpu.vector_load %arg7[%get3A_1805, %get3A_1806] {strides = array<i32>} : memref<256x256xf32, #tpu.memory_space<vmem>>, vector<16xf32>,
      %mul3A_1808 = arith.mulf %get3A_1807, %get3A_73 : vector<16xf32>
      %add3A_1809 = arith.addf %add3A_1753, %mul3A_1808 : vector<16xf32>
      %mul3A_1810 = arith.mulf %get3A_1807, %get3A_1807 : vector<16xf32>
      %add3A_1811 = arith.addf %add3A_1755, %mul3A_1810 : vector<16xf32>
      %get3A_1812 = arith.index_cast %add3A_1170 : i32 to index
      %get3A_1813 = arith.constant 160 : index
      %get3A_1814 = tpu.vector_load %arg7[%get3A_1812, %get3A_1813] {strides = array<i32>} : memref<256x256xf32, #tpu.memory_space<vmem>>, vector<16xf32>,
      %mul3A_1815 = arith.mulf %get3A_1814, %get3A_73 : vector<16xf32>
      %add3A_1816 = arith.addf %add3A_1760, %mul3A_1815 : vector<16xf32>
      %mul3A_1817 = arith.mulf %get3A_1814, %get3A_1814 : vector<16xf32>
      %add3A_1818 = arith.addf %add3A_1762, %mul3A_1817 : vector<16xf32>
      %get3A_1819 = arith.index_cast %add3A_1128 : i32 to index
      %get3A_1820 = arith.constant 176 : index
      %get3A_1821 = tpu.vector_load %arg7[%get3A_1819, %get3A_1820] {strides = array<i32>} : memref<256x256xf32, #tpu.memory_space<vmem>>, vector<16xf32>,
      %mul3A_1822 = arith.mulf %get3A_1821, %get3A_75 : vector<16xf32>
      %add3A_1823 = arith.addf %add3A_1767, %mul3A_1822 : vector<16xf32>
      %mul3A_1824 = arith.mulf %get3A_1821, %get3A_1821 : vector<16xf32>
      %add3A_1825 = arith.addf %add3A_1769, %mul3A_1824 : vector<16xf32>
      %get3A_1826 = arith.index_cast %add3A_1134 : i32 to index
      %get3A_1827 = arith.constant 176 : index
      %get3A_1828 = tpu.vector_load %arg7[%get3A_1826, %get3A_1827] {strides = array<i32>} : memref<256x256xf32, #tpu.memory_space<vmem>>, vector<16xf32>,
      %mul3A_1829 = arith.mulf %get3A_1828, %get3A_75 : vector<16xf32>
      %add3A_1830 = arith.addf %add3A_1774, %mul3A_1829 : vector<16xf32>
      %mul3A_1831 = arith.mulf %get3A_1828, %get3A_1828 : vector<16xf32>
      %add3A_1832 = arith.addf %add3A_1776, %mul3A_1831 : vector<16xf32>
      %get3A_1833 = arith.index_cast %add3A_1140 : i32 to index
      %get3A_1834 = arith.constant 176 : index
      %get3A_1835 = tpu.vector_load %arg7[%get3A_1833, %get3A_1834] {strides = array<i32>} : memref<256x256xf32, #tpu.memory_space<vmem>>, vector<16xf32>,
      %mul3A_1836 = arith.mulf %get3A_1835, %get3A_75 : vector<16xf32>
      %add3A_1837 = arith.addf %add3A_1781, %mul3A_1836 : vector<16xf32>
      %mul3A_1838 = arith.mulf %get3A_1835, %get3A_1835 : vector<16xf32>
      %add3A_1839 = arith.addf %add3A_1783, %mul3A_1838 : vector<16xf32>
      %get3A_1840 = arith.index_cast %add3A_1146 : i32 to index
      %get3A_1841 = arith.constant 176 : index
      %get3A_1842 = tpu.vector_load %arg7[%get3A_1840, %get3A_1841] {strides = array<i32>} : memref<256x256xf32, #tpu.memory_space<vmem>>, vector<16xf32>,
      %mul3A_1843 = arith.mulf %get3A_1842, %get3A_75 : vector<16xf32>
      %add3A_1844 = arith.addf %add3A_1788, %mul3A_1843 : vector<16xf32>
      %mul3A_1845 = arith.mulf %get3A_1842, %get3A_1842 : vector<16xf32>
      %add3A_1846 = arith.addf %add3A_1790, %mul3A_1845 : vector<16xf32>
      %get3A_1847 = arith.index_cast %add3A_1152 : i32 to index
      %get3A_1848 = arith.constant 176 : index
      %get3A_1849 = tpu.vector_load %arg7[%get3A_1847, %get3A_1848] {strides = array<i32>} : memref<256x256xf32, #tpu.memory_space<vmem>>, vector<16xf32>,
      %mul3A_1850 = arith.mulf %get3A_1849, %get3A_75 : vector<16xf32>
      %add3A_1851 = arith.addf %add3A_1795, %mul3A_1850 : vector<16xf32>
      %mul3A_1852 = arith.mulf %get3A_1849, %get3A_1849 : vector<16xf32>
      %add3A_1853 = arith.addf %add3A_1797, %mul3A_1852 : vector<16xf32>
      %get3A_1854 = arith.index_cast %add3A_1158 : i32 to index
      %get3A_1855 = arith.constant 176 : index
      %get3A_1856 = tpu.vector_load %arg7[%get3A_1854, %get3A_1855] {strides = array<i32>} : memref<256x256xf32, #tpu.memory_space<vmem>>, vector<16xf32>,
      %mul3A_1857 = arith.mulf %get3A_1856, %get3A_75 : vector<16xf32>
      %add3A_1858 = arith.addf %add3A_1802, %mul3A_1857 : vector<16xf32>
      %mul3A_1859 = arith.mulf %get3A_1856, %get3A_1856 : vector<16xf32>
      %add3A_1860 = arith.addf %add3A_1804, %mul3A_1859 : vector<16xf32>
      %get3A_1861 = arith.index_cast %add3A_1164 : i32 to index
      %get3A_1862 = arith.constant 176 : index
      %get3A_1863 = tpu.vector_load %arg7[%get3A_1861, %get3A_1862] {strides = array<i32>} : memref<256x256xf32, #tpu.memory_space<vmem>>, vector<16xf32>,
      %mul3A_1864 = arith.mulf %get3A_1863, %get3A_75 : vector<16xf32>
      %add3A_1865 = arith.addf %add3A_1809, %mul3A_1864 : vector<16xf32>
      %mul3A_1866 = arith.mulf %get3A_1863, %get3A_1863 : vector<16xf32>
      %add3A_1867 = arith.addf %add3A_1811, %mul3A_1866 : vector<16xf32>
      %get3A_1868 = arith.index_cast %add3A_1170 : i32 to index
      %get3A_1869 = arith.constant 176 : index
      %get3A_1870 = tpu.vector_load %arg7[%get3A_1868, %get3A_1869] {strides = array<i32>} : memref<256x256xf32, #tpu.memory_space<vmem>>, vector<16xf32>,
      %mul3A_1871 = arith.mulf %get3A_1870, %get3A_75 : vector<16xf32>
      %add3A_1872 = arith.addf %add3A_1816, %mul3A_1871 : vector<16xf32>
      %mul3A_1873 = arith.mulf %get3A_1870, %get3A_1870 : vector<16xf32>
      %add3A_1874 = arith.addf %add3A_1818, %mul3A_1873 : vector<16xf32>
      %get3A_1875 = arith.index_cast %add3A_1128 : i32 to index
      %get3A_1876 = arith.constant 192 : index
      %get3A_1877 = tpu.vector_load %arg7[%get3A_1875, %get3A_1876] {strides = array<i32>} : memref<256x256xf32, #tpu.memory_space<vmem>>, vector<16xf32>,
      %mul3A_1878 = arith.mulf %get3A_1877, %get3A_77 : vector<16xf32>
      %add3A_1879 = arith.addf %add3A_1823, %mul3A_1878 : vector<16xf32>
      %mul3A_1880 = arith.mulf %get3A_1877, %get3A_1877 : vector<16xf32>
      %add3A_1881 = arith.addf %add3A_1825, %mul3A_1880 : vector<16xf32>
      %get3A_1882 = arith.index_cast %add3A_1134 : i32 to index
      %get3A_1883 = arith.constant 192 : index
      %get3A_1884 = tpu.vector_load %arg7[%get3A_1882, %get3A_1883] {strides = array<i32>} : memref<256x256xf32, #tpu.memory_space<vmem>>, vector<16xf32>,
      %mul3A_1885 = arith.mulf %get3A_1884, %get3A_77 : vector<16xf32>
      %add3A_1886 = arith.addf %add3A_1830, %mul3A_1885 : vector<16xf32>
      %mul3A_1887 = arith.mulf %get3A_1884, %get3A_1884 : vector<16xf32>
      %add3A_1888 = arith.addf %add3A_1832, %mul3A_1887 : vector<16xf32>
      %get3A_1889 = arith.index_cast %add3A_1140 : i32 to index
      %get3A_1890 = arith.constant 192 : index
      %get3A_1891 = tpu.vector_load %arg7[%get3A_1889, %get3A_1890] {strides = array<i32>} : memref<256x256xf32, #tpu.memory_space<vmem>>, vector<16xf32>,
      %mul3A_1892 = arith.mulf %get3A_1891, %get3A_77 : vector<16xf32>
      %add3A_1893 = arith.addf %add3A_1837, %mul3A_1892 : vector<16xf32>
      %mul3A_1894 = arith.mulf %get3A_1891, %get3A_1891 : vector<16xf32>
      %add3A_1895 = arith.addf %add3A_1839, %mul3A_1894 : vector<16xf32>
      %get3A_1896 = arith.index_cast %add3A_1146 : i32 to index
      %get3A_1897 = arith.constant 192 : index
      %get3A_1898 = tpu.vector_load %arg7[%get3A_1896, %get3A_1897] {strides = array<i32>} : memref<256x256xf32, #tpu.memory_space<vmem>>, vector<16xf32>,
      %mul3A_1899 = arith.mulf %get3A_1898, %get3A_77 : vector<16xf32>
      %add3A_1900 = arith.addf %add3A_1844, %mul3A_1899 : vector<16xf32>
      %mul3A_1901 = arith.mulf %get3A_1898, %get3A_1898 : vector<16xf32>
      %add3A_1902 = arith.addf %add3A_1846, %mul3A_1901 : vector<16xf32>
      %get3A_1903 = arith.index_cast %add3A_1152 : i32 to index
      %get3A_1904 = arith.constant 192 : index
      %get3A_1905 = tpu.vector_load %arg7[%get3A_1903, %get3A_1904] {strides = array<i32>} : memref<256x256xf32, #tpu.memory_space<vmem>>, vector<16xf32>,
      %mul3A_1906 = arith.mulf %get3A_1905, %get3A_77 : vector<16xf32>
      %add3A_1907 = arith.addf %add3A_1851, %mul3A_1906 : vector<16xf32>
      %mul3A_1908 = arith.mulf %get3A_1905, %get3A_1905 : vector<16xf32>
      %add3A_1909 = arith.addf %add3A_1853, %mul3A_1908 : vector<16xf32>
      %get3A_1910 = arith.index_cast %add3A_1158 : i32 to index
      %get3A_1911 = arith.constant 192 : index
      %get3A_1912 = tpu.vector_load %arg7[%get3A_1910, %get3A_1911] {strides = array<i32>} : memref<256x256xf32, #tpu.memory_space<vmem>>, vector<16xf32>,
      %mul3A_1913 = arith.mulf %get3A_1912, %get3A_77 : vector<16xf32>
      %add3A_1914 = arith.addf %add3A_1858, %mul3A_1913 : vector<16xf32>
      %mul3A_1915 = arith.mulf %get3A_1912, %get3A_1912 : vector<16xf32>
      %add3A_1916 = arith.addf %add3A_1860, %mul3A_1915 : vector<16xf32>
      %get3A_1917 = arith.index_cast %add3A_1164 : i32 to index
      %get3A_1918 = arith.constant 192 : index
      %get3A_1919 = tpu.vector_load %arg7[%get3A_1917, %get3A_1918] {strides = array<i32>} : memref<256x256xf32, #tpu.memory_space<vmem>>, vector<16xf32>,
      %mul3A_1920 = arith.mulf %get3A_1919, %get3A_77 : vector<16xf32>
      %add3A_1921 = arith.addf %add3A_1865, %mul3A_1920 : vector<16xf32>
      %mul3A_1922 = arith.mulf %get3A_1919, %get3A_1919 : vector<16xf32>
      %add3A_1923 = arith.addf %add3A_1867, %mul3A_1922 : vector<16xf32>
      %get3A_1924 = arith.index_cast %add3A_1170 : i32 to index
      %get3A_1925 = arith.constant 192 : index
      %get3A_1926 = tpu.vector_load %arg7[%get3A_1924, %get3A_1925] {strides = array<i32>} : memref<256x256xf32, #tpu.memory_space<vmem>>, vector<16xf32>,
      %mul3A_1927 = arith.mulf %get3A_1926, %get3A_77 : vector<16xf32>
      %add3A_1928 = arith.addf %add3A_1872, %mul3A_1927 : vector<16xf32>
      %mul3A_1929 = arith.mulf %get3A_1926, %get3A_1926 : vector<16xf32>
      %add3A_1930 = arith.addf %add3A_1874, %mul3A_1929 : vector<16xf32>
      %get3A_1931 = arith.index_cast %add3A_1128 : i32 to index
      %get3A_1932 = arith.constant 208 : index
      %get3A_1933 = tpu.vector_load %arg7[%get3A_1931, %get3A_1932] {strides = array<i32>} : memref<256x256xf32, #tpu.memory_space<vmem>>, vector<16xf32>,
      %mul3A_1934 = arith.mulf %get3A_1933, %get3A_79 : vector<16xf32>
      %add3A_1935 = arith.addf %add3A_1879, %mul3A_1934 : vector<16xf32>
      %mul3A_1936 = arith.mulf %get3A_1933, %get3A_1933 : vector<16xf32>
      %add3A_1937 = arith.addf %add3A_1881, %mul3A_1936 : vector<16xf32>
      %get3A_1938 = arith.index_cast %add3A_1134 : i32 to index
      %get3A_1939 = arith.constant 208 : index
      %get3A_1940 = tpu.vector_load %arg7[%get3A_1938, %get3A_1939] {strides = array<i32>} : memref<256x256xf32, #tpu.memory_space<vmem>>, vector<16xf32>,
      %mul3A_1941 = arith.mulf %get3A_1940, %get3A_79 : vector<16xf32>
      %add3A_1942 = arith.addf %add3A_1886, %mul3A_1941 : vector<16xf32>
      %mul3A_1943 = arith.mulf %get3A_1940, %get3A_1940 : vector<16xf32>
      %add3A_1944 = arith.addf %add3A_1888, %mul3A_1943 : vector<16xf32>
      %get3A_1945 = arith.index_cast %add3A_1140 : i32 to index
      %get3A_1946 = arith.constant 208 : index
      %get3A_1947 = tpu.vector_load %arg7[%get3A_1945, %get3A_1946] {strides = array<i32>} : memref<256x256xf32, #tpu.memory_space<vmem>>, vector<16xf32>,
      %mul3A_1948 = arith.mulf %get3A_1947, %get3A_79 : vector<16xf32>
      %add3A_1949 = arith.addf %add3A_1893, %mul3A_1948 : vector<16xf32>
      %mul3A_1950 = arith.mulf %get3A_1947, %get3A_1947 : vector<16xf32>
      %add3A_1951 = arith.addf %add3A_1895, %mul3A_1950 : vector<16xf32>
      %get3A_1952 = arith.index_cast %add3A_1146 : i32 to index
      %get3A_1953 = arith.constant 208 : index
      %get3A_1954 = tpu.vector_load %arg7[%get3A_1952, %get3A_1953] {strides = array<i32>} : memref<256x256xf32, #tpu.memory_space<vmem>>, vector<16xf32>,
      %mul3A_1955 = arith.mulf %get3A_1954, %get3A_79 : vector<16xf32>
      %add3A_1956 = arith.addf %add3A_1900, %mul3A_1955 : vector<16xf32>
      %mul3A_1957 = arith.mulf %get3A_1954, %get3A_1954 : vector<16xf32>
      %add3A_1958 = arith.addf %add3A_1902, %mul3A_1957 : vector<16xf32>
      %get3A_1959 = arith.index_cast %add3A_1152 : i32 to index
      %get3A_1960 = arith.constant 208 : index
      %get3A_1961 = tpu.vector_load %arg7[%get3A_1959, %get3A_1960] {strides = array<i32>} : memref<256x256xf32, #tpu.memory_space<vmem>>, vector<16xf32>,
      %mul3A_1962 = arith.mulf %get3A_1961, %get3A_79 : vector<16xf32>
      %add3A_1963 = arith.addf %add3A_1907, %mul3A_1962 : vector<16xf32>
      %mul3A_1964 = arith.mulf %get3A_1961, %get3A_1961 : vector<16xf32>
      %add3A_1965 = arith.addf %add3A_1909, %mul3A_1964 : vector<16xf32>
      %get3A_1966 = arith.index_cast %add3A_1158 : i32 to index
      %get3A_1967 = arith.constant 208 : index
      %get3A_1968 = tpu.vector_load %arg7[%get3A_1966, %get3A_1967] {strides = array<i32>} : memref<256x256xf32, #tpu.memory_space<vmem>>, vector<16xf32>,
      %mul3A_1969 = arith.mulf %get3A_1968, %get3A_79 : vector<16xf32>
      %add3A_1970 = arith.addf %add3A_1914, %mul3A_1969 : vector<16xf32>
      %mul3A_1971 = arith.mulf %get3A_1968, %get3A_1968 : vector<16xf32>
      %add3A_1972 = arith.addf %add3A_1916, %mul3A_1971 : vector<16xf32>
      %get3A_1973 = arith.index_cast %add3A_1164 : i32 to index
      %get3A_1974 = arith.constant 208 : index
      %get3A_1975 = tpu.vector_load %arg7[%get3A_1973, %get3A_1974] {strides = array<i32>} : memref<256x256xf32, #tpu.memory_space<vmem>>, vector<16xf32>,
      %mul3A_1976 = arith.mulf %get3A_1975, %get3A_79 : vector<16xf32>
      %add3A_1977 = arith.addf %add3A_1921, %mul3A_1976 : vector<16xf32>
      %mul3A_1978 = arith.mulf %get3A_1975, %get3A_1975 : vector<16xf32>
      %add3A_1979 = arith.addf %add3A_1923, %mul3A_1978 : vector<16xf32>
      %get3A_1980 = arith.index_cast %add3A_1170 : i32 to index
      %get3A_1981 = arith.constant 208 : index
      %get3A_1982 = tpu.vector_load %arg7[%get3A_1980, %get3A_1981] {strides = array<i32>} : memref<256x256xf32, #tpu.memory_space<vmem>>, vector<16xf32>,
      %mul3A_1983 = arith.mulf %get3A_1982, %get3A_79 : vector<16xf32>
      %add3A_1984 = arith.addf %add3A_1928, %mul3A_1983 : vector<16xf32>
      %mul3A_1985 = arith.mulf %get3A_1982, %get3A_1982 : vector<16xf32>
      %add3A_1986 = arith.addf %add3A_1930, %mul3A_1985 : vector<16xf32>
      %get3A_1987 = arith.index_cast %add3A_1128 : i32 to index
      %get3A_1988 = arith.constant 224 : index
      %get3A_1989 = tpu.vector_load %arg7[%get3A_1987, %get3A_1988] {strides = array<i32>} : memref<256x256xf32, #tpu.memory_space<vmem>>, vector<16xf32>,
      %mul3A_1990 = arith.mulf %get3A_1989, %get3A_81 : vector<16xf32>
      %add3A_1991 = arith.addf %add3A_1935, %mul3A_1990 : vector<16xf32>
      %mul3A_1992 = arith.mulf %get3A_1989, %get3A_1989 : vector<16xf32>
      %add3A_1993 = arith.addf %add3A_1937, %mul3A_1992 : vector<16xf32>
      %get3A_1994 = arith.index_cast %add3A_1134 : i32 to index
      %get3A_1995 = arith.constant 224 : index
      %get3A_1996 = tpu.vector_load %arg7[%get3A_1994, %get3A_1995] {strides = array<i32>} : memref<256x256xf32, #tpu.memory_space<vmem>>, vector<16xf32>,
      %mul3A_1997 = arith.mulf %get3A_1996, %get3A_81 : vector<16xf32>
      %add3A_1998 = arith.addf %add3A_1942, %mul3A_1997 : vector<16xf32>
      %mul3A_1999 = arith.mulf %get3A_1996, %get3A_1996 : vector<16xf32>
      %add3A_2000 = arith.addf %add3A_1944, %mul3A_1999 : vector<16xf32>
      %get3A_2001 = arith.index_cast %add3A_1140 : i32 to index
      %get3A_2002 = arith.constant 224 : index
      %get3A_2003 = tpu.vector_load %arg7[%get3A_2001, %get3A_2002] {strides = array<i32>} : memref<256x256xf32, #tpu.memory_space<vmem>>, vector<16xf32>,
      %mul3A_2004 = arith.mulf %get3A_2003, %get3A_81 : vector<16xf32>
      %add3A_2005 = arith.addf %add3A_1949, %mul3A_2004 : vector<16xf32>
      %mul3A_2006 = arith.mulf %get3A_2003, %get3A_2003 : vector<16xf32>
      %add3A_2007 = arith.addf %add3A_1951, %mul3A_2006 : vector<16xf32>
      %get3A_2008 = arith.index_cast %add3A_1146 : i32 to index
      %get3A_2009 = arith.constant 224 : index
      %get3A_2010 = tpu.vector_load %arg7[%get3A_2008, %get3A_2009] {strides = array<i32>} : memref<256x256xf32, #tpu.memory_space<vmem>>, vector<16xf32>,
      %mul3A_2011 = arith.mulf %get3A_2010, %get3A_81 : vector<16xf32>
      %add3A_2012 = arith.addf %add3A_1956, %mul3A_2011 : vector<16xf32>
      %mul3A_2013 = arith.mulf %get3A_2010, %get3A_2010 : vector<16xf32>
      %add3A_2014 = arith.addf %add3A_1958, %mul3A_2013 : vector<16xf32>
      %get3A_2015 = arith.index_cast %add3A_1152 : i32 to index
      %get3A_2016 = arith.constant 224 : index
      %get3A_2017 = tpu.vector_load %arg7[%get3A_2015, %get3A_2016] {strides = array<i32>} : memref<256x256xf32, #tpu.memory_space<vmem>>, vector<16xf32>,
      %mul3A_2018 = arith.mulf %get3A_2017, %get3A_81 : vector<16xf32>
      %add3A_2019 = arith.addf %add3A_1963, %mul3A_2018 : vector<16xf32>
      %mul3A_2020 = arith.mulf %get3A_2017, %get3A_2017 : vector<16xf32>
      %add3A_2021 = arith.addf %add3A_1965, %mul3A_2020 : vector<16xf32>
      %get3A_2022 = arith.index_cast %add3A_1158 : i32 to index
      %get3A_2023 = arith.constant 224 : index
      %get3A_2024 = tpu.vector_load %arg7[%get3A_2022, %get3A_2023] {strides = array<i32>} : memref<256x256xf32, #tpu.memory_space<vmem>>, vector<16xf32>,
      %mul3A_2025 = arith.mulf %get3A_2024, %get3A_81 : vector<16xf32>
      %add3A_2026 = arith.addf %add3A_1970, %mul3A_2025 : vector<16xf32>
      %mul3A_2027 = arith.mulf %get3A_2024, %get3A_2024 : vector<16xf32>
      %add3A_2028 = arith.addf %add3A_1972, %mul3A_2027 : vector<16xf32>
      %get3A_2029 = arith.index_cast %add3A_1164 : i32 to index
      %get3A_2030 = arith.constant 224 : index
      %get3A_2031 = tpu.vector_load %arg7[%get3A_2029, %get3A_2030] {strides = array<i32>} : memref<256x256xf32, #tpu.memory_space<vmem>>, vector<16xf32>,
      %mul3A_2032 = arith.mulf %get3A_2031, %get3A_81 : vector<16xf32>
      %add3A_2033 = arith.addf %add3A_1977, %mul3A_2032 : vector<16xf32>
      %mul3A_2034 = arith.mulf %get3A_2031, %get3A_2031 : vector<16xf32>
      %add3A_2035 = arith.addf %add3A_1979, %mul3A_2034 : vector<16xf32>
      %get3A_2036 = arith.index_cast %add3A_1170 : i32 to index
      %get3A_2037 = arith.constant 224 : index
      %get3A_2038 = tpu.vector_load %arg7[%get3A_2036, %get3A_2037] {strides = array<i32>} : memref<256x256xf32, #tpu.memory_space<vmem>>, vector<16xf32>,
      %mul3A_2039 = arith.mulf %get3A_2038, %get3A_81 : vector<16xf32>
      %add3A_2040 = arith.addf %add3A_1984, %mul3A_2039 : vector<16xf32>
      %mul3A_2041 = arith.mulf %get3A_2038, %get3A_2038 : vector<16xf32>
      %add3A_2042 = arith.addf %add3A_1986, %mul3A_2041 : vector<16xf32>
      %get3A_2043 = arith.index_cast %add3A_1128 : i32 to index
      %get3A_2044 = arith.constant 240 : index
      %get3A_2045 = tpu.vector_load %arg7[%get3A_2043, %get3A_2044] {strides = array<i32>} : memref<256x256xf32, #tpu.memory_space<vmem>>, vector<16xf32>,
      %mul3A_2046 = arith.mulf %get3A_2045, %get3A_83 : vector<16xf32>
      %add3A_2047 = arith.addf %add3A_1991, %mul3A_2046 : vector<16xf32>
      %mul3A_2048 = arith.mulf %get3A_2045, %get3A_2045 : vector<16xf32>
      %add3A_2049 = arith.addf %add3A_1993, %mul3A_2048 : vector<16xf32>
      %get3A_2050 = arith.index_cast %add3A_1134 : i32 to index
      %get3A_2051 = arith.constant 240 : index
      %get3A_2052 = tpu.vector_load %arg7[%get3A_2050, %get3A_2051] {strides = array<i32>} : memref<256x256xf32, #tpu.memory_space<vmem>>, vector<16xf32>,
      %mul3A_2053 = arith.mulf %get3A_2052, %get3A_83 : vector<16xf32>
      %add3A_2054 = arith.addf %add3A_1998, %mul3A_2053 : vector<16xf32>
      %mul3A_2055 = arith.mulf %get3A_2052, %get3A_2052 : vector<16xf32>
      %add3A_2056 = arith.addf %add3A_2000, %mul3A_2055 : vector<16xf32>
      %get3A_2057 = arith.index_cast %add3A_1140 : i32 to index
      %get3A_2058 = arith.constant 240 : index
      %get3A_2059 = tpu.vector_load %arg7[%get3A_2057, %get3A_2058] {strides = array<i32>} : memref<256x256xf32, #tpu.memory_space<vmem>>, vector<16xf32>,
      %mul3A_2060 = arith.mulf %get3A_2059, %get3A_83 : vector<16xf32>
      %add3A_2061 = arith.addf %add3A_2005, %mul3A_2060 : vector<16xf32>
      %mul3A_2062 = arith.mulf %get3A_2059, %get3A_2059 : vector<16xf32>
      %add3A_2063 = arith.addf %add3A_2007, %mul3A_2062 : vector<16xf32>
      %get3A_2064 = arith.index_cast %add3A_1146 : i32 to index
      %get3A_2065 = arith.constant 240 : index
      %get3A_2066 = tpu.vector_load %arg7[%get3A_2064, %get3A_2065] {strides = array<i32>} : memref<256x256xf32, #tpu.memory_space<vmem>>, vector<16xf32>,
      %mul3A_2067 = arith.mulf %get3A_2066, %get3A_83 : vector<16xf32>
      %add3A_2068 = arith.addf %add3A_2012, %mul3A_2067 : vector<16xf32>
      %mul3A_2069 = arith.mulf %get3A_2066, %get3A_2066 : vector<16xf32>
      %add3A_2070 = arith.addf %add3A_2014, %mul3A_2069 : vector<16xf32>
      %get3A_2071 = arith.index_cast %add3A_1152 : i32 to index
      %get3A_2072 = arith.constant 240 : index
      %get3A_2073 = tpu.vector_load %arg7[%get3A_2071, %get3A_2072] {strides = array<i32>} : memref<256x256xf32, #tpu.memory_space<vmem>>, vector<16xf32>,
      %mul3A_2074 = arith.mulf %get3A_2073, %get3A_83 : vector<16xf32>
      %add3A_2075 = arith.addf %add3A_2019, %mul3A_2074 : vector<16xf32>
      %mul3A_2076 = arith.mulf %get3A_2073, %get3A_2073 : vector<16xf32>
      %add3A_2077 = arith.addf %add3A_2021, %mul3A_2076 : vector<16xf32>
      %get3A_2078 = arith.index_cast %add3A_1158 : i32 to index
      %get3A_2079 = arith.constant 240 : index
      %get3A_2080 = tpu.vector_load %arg7[%get3A_2078, %get3A_2079] {strides = array<i32>} : memref<256x256xf32, #tpu.memory_space<vmem>>, vector<16xf32>,
      %mul3A_2081 = arith.mulf %get3A_2080, %get3A_83 : vector<16xf32>
      %add3A_2082 = arith.addf %add3A_2026, %mul3A_2081 : vector<16xf32>
      %mul3A_2083 = arith.mulf %get3A_2080, %get3A_2080 : vector<16xf32>
      %add3A_2084 = arith.addf %add3A_2028, %mul3A_2083 : vector<16xf32>
      %get3A_2085 = arith.index_cast %add3A_1164 : i32 to index
      %get3A_2086 = arith.constant 240 : index
      %get3A_2087 = tpu.vector_load %arg7[%get3A_2085, %get3A_2086] {strides = array<i32>} : memref<256x256xf32, #tpu.memory_space<vmem>>, vector<16xf32>,
      %mul3A_2088 = arith.mulf %get3A_2087, %get3A_83 : vector<16xf32>
      %add3A_2089 = arith.addf %add3A_2033, %mul3A_2088 : vector<16xf32>
      %mul3A_2090 = arith.mulf %get3A_2087, %get3A_2087 : vector<16xf32>
      %add3A_2091 = arith.addf %add3A_2035, %mul3A_2090 : vector<16xf32>
      %get3A_2092 = arith.index_cast %add3A_1170 : i32 to index
      %get3A_2093 = arith.constant 240 : index
      %get3A_2094 = tpu.vector_load %arg7[%get3A_2092, %get3A_2093] {strides = array<i32>} : memref<256x256xf32, #tpu.memory_space<vmem>>, vector<16xf32>,
      %mul3A_2095 = arith.mulf %get3A_2094, %get3A_83 : vector<16xf32>
      %add3A_2096 = arith.addf %add3A_2040, %mul3A_2095 : vector<16xf32>
      %mul3A_2097 = arith.mulf %get3A_2094, %get3A_2094 : vector<16xf32>
      %add3A_2098 = arith.addf %add3A_2042, %mul3A_2097 : vector<16xf32>
      %swap3A_2099 = arith.constant 136 : index
      %swap3A_2100 = tpu.vector_load %arg8[%swap3A_2099] {strides = array<i32>} : memref<272xf32, #tpu.memory_space<vmem>>, vector<16xf32>,
      tpu.vector_store %arg8[%swap3A_2099], %add3A_2047 {strides = array<i32>} : memref<272xf32, #tpu.memory_space<vmem>>, vector<16xf32>,
      %swap3A_2101 = arith.constant 136 : index
      %swap3A_2102 = tpu.vector_load %arg9[%swap3A_2101] {strides = array<i32>} : memref<272xf32, #tpu.memory_space<vmem>>, vector<16xf32>,
      tpu.vector_store %arg9[%swap3A_2101], %add3A_2049 {strides = array<i32>} : memref<272xf32, #tpu.memory_space<vmem>>, vector<16xf32>,
      %swap3A_2103 = arith.constant 153 : index
      %swap3A_2104 = tpu.vector_load %arg8[%swap3A_2103] {strides = array<i32>} : memref<272xf32, #tpu.memory_space<vmem>>, vector<16xf32>,
      tpu.vector_store %arg8[%swap3A_2103], %add3A_2054 {strides = array<i32>} : memref<272xf32, #tpu.memory_space<vmem>>, vector<16xf32>,
      %swap3A_2105 = arith.constant 153 : index
      %swap3A_2106 = tpu.vector_load %arg9[%swap3A_2105] {strides = array<i32>} : memref<272xf32, #tpu.memory_space<vmem>>, vector<16xf32>,
      tpu.vector_store %arg9[%swap3A_2105], %add3A_2056 {strides = array<i32>} : memref<272xf32, #tpu.memory_space<vmem>>, vector<16xf32>,
      %swap3A_2107 = arith.constant 170 : index
      %swap3A_2108 = tpu.vector_load %arg8[%swap3A_2107] {strides = array<i32>} : memref<272xf32, #tpu.memory_space<vmem>>, vector<16xf32>,
      tpu.vector_store %arg8[%swap3A_2107], %add3A_2061 {strides = array<i32>} : memref<272xf32, #tpu.memory_space<vmem>>, vector<16xf32>,
      %swap3A_2109 = arith.constant 170 : index
      %swap3A_2110 = tpu.vector_load %arg9[%swap3A_2109] {strides = array<i32>} : memref<272xf32, #tpu.memory_space<vmem>>, vector<16xf32>,
      tpu.vector_store %arg9[%swap3A_2109], %add3A_2063 {strides = array<i32>} : memref<272xf32, #tpu.memory_space<vmem>>, vector<16xf32>,
      %swap3A_2111 = arith.constant 187 : index
      %swap3A_2112 = tpu.vector_load %arg8[%swap3A_2111] {strides = array<i32>} : memref<272xf32, #tpu.memory_space<vmem>>, vector<16xf32>,
      tpu.vector_store %arg8[%swap3A_2111], %add3A_2068 {strides = array<i32>} : memref<272xf32, #tpu.memory_space<vmem>>, vector<16xf32>,
      %swap3A_2113 = arith.constant 187 : index
      %swap3A_2114 = tpu.vector_load %arg9[%swap3A_2113] {strides = array<i32>} : memref<272xf32, #tpu.memory_space<vmem>>, vector<16xf32>,
      tpu.vector_store %arg9[%swap3A_2113], %add3A_2070 {strides = array<i32>} : memref<272xf32, #tpu.memory_space<vmem>>, vector<16xf32>,
      %swap3A_2115 = arith.constant 204 : index
      %swap3A_2116 = tpu.vector_load %arg8[%swap3A_2115] {strides = array<i32>} : memref<272xf32, #tpu.memory_space<vmem>>, vector<16xf32>,
      tpu.vector_store %arg8[%swap3A_2115], %add3A_2075 {strides = array<i32>} : memref<272xf32, #tpu.memory_space<vmem>>, vector<16xf32>,
      %swap3A_2117 = arith.constant 204 : index
      %swap3A_2118 = tpu.vector_load %arg9[%swap3A_2117] {strides = array<i32>} : memref<272xf32, #tpu.memory_space<vmem>>, vector<16xf32>,
      tpu.vector_store %arg9[%swap3A_2117], %add3A_2077 {strides = array<i32>} : memref<272xf32, #tpu.memory_space<vmem>>, vector<16xf32>,
      %swap3A_2119 = arith.constant 221 : index
      %swap3A_2120 = tpu.vector_load %arg8[%swap3A_2119] {strides = array<i32>} : memref<272xf32, #tpu.memory_space<vmem>>, vector<16xf32>,
      tpu.vector_store %arg8[%swap3A_2119], %add3A_2082 {strides = array<i32>} : memref<272xf32, #tpu.memory_space<vmem>>, vector<16xf32>,
      %swap3A_2121 = arith.constant 221 : index
      %swap3A_2122 = tpu.vector_load %arg9[%swap3A_2121] {strides = array<i32>} : memref<272xf32, #tpu.memory_space<vmem>>, vector<16xf32>,
      tpu.vector_store %arg9[%swap3A_2121], %add3A_2084 {strides = array<i32>} : memref<272xf32, #tpu.memory_space<vmem>>, vector<16xf32>,
      %swap3A_2123 = arith.constant 238 : index
      %swap3A_2124 = tpu.vector_load %arg8[%swap3A_2123] {strides = array<i32>} : memref<272xf32, #tpu.memory_space<vmem>>, vector<16xf32>,
      tpu.vector_store %arg8[%swap3A_2123], %add3A_2089 {strides = array<i32>} : memref<272xf32, #tpu.memory_space<vmem>>, vector<16xf32>,
      %swap3A_2125 = arith.constant 238 : index
      %swap3A_2126 = tpu.vector_load %arg9[%swap3A_2125] {strides = array<i32>} : memref<272xf32, #tpu.memory_space<vmem>>, vector<16xf32>,
      tpu.vector_store %arg9[%swap3A_2125], %add3A_2091 {strides = array<i32>} : memref<272xf32, #tpu.memory_space<vmem>>, vector<16xf32>,
      %swap3A_2127 = arith.constant 255 : index
      %swap3A_2128 = tpu.vector_load %arg8[%swap3A_2127] {strides = array<i32>} : memref<272xf32, #tpu.memory_space<vmem>>, vector<16xf32>,
      tpu.vector_store %arg8[%swap3A_2127], %add3A_2096 {strides = array<i32>} : memref<272xf32, #tpu.memory_space<vmem>>, vector<16xf32>,
      %swap3A_2129 = arith.constant 255 : index
      %swap3A_2130 = tpu.vector_load %arg9[%swap3A_2129] {strides = array<i32>} : memref<272xf32, #tpu.memory_space<vmem>>, vector<16xf32>,
      tpu.vector_store %arg9[%swap3A_2129], %add3A_2098 {strides = array<i32>} : memref<272xf32, #tpu.memory_space<vmem>>, vector<16xf32>,
      %gather3A = tpu.vector_load_idx %arg8[%mul3A_52] : memref<272xf32, #tpu.memory_space<vmem>>[vector<16xi32>], vector<16xf32>,
      %gather3A_2131 = tpu.vector_load_idx %arg9[%mul3A_52] : memref<272xf32, #tpu.memory_space<vmem>>[vector<16xi32>], vector<16xf32>,
      %add3A_2132 = arith.constant 1 : i32
      %add3A_2133 = vector.broadcast %add3A_2132 : i32 to vector<16xi32>
      %add3A_2134 = arith.addi %mul3A_52, %add3A_2133 : vector<16xi32>
      %gather3A_2135 = tpu.vector_load_idx %arg8[%add3A_2134] : memref<272xf32, #tpu.memory_space<vmem>>[vector<16xi32>], vector<16xf32>,
      %add3A_2136 = arith.addf %gather3A, %gather3A_2135 : vector<16xf32>
      %add3A_2137 = arith.constant 1 : i32
      %add3A_2138 = vector.broadcast %add3A_2137 : i32 to vector<16xi32>
      %add3A_2139 = arith.addi %mul3A_52, %add3A_2138 : vector<16xi32>
      %gather3A_2140 = tpu.vector_load_idx %arg9[%add3A_2139] : memref<272xf32, #tpu.memory_space<vmem>>[vector<16xi32>], vector<16xf32>,
      %add3A_2141 = arith.addf %gather3A_2131, %gather3A_2140 : vector<16xf32>
      %add3A_2142 = arith.constant 2 : i32
      %add3A_2143 = vector.broadcast %add3A_2142 : i32 to vector<16xi32>
      %add3A_2144 = arith.addi %mul3A_52, %add3A_2143 : vector<16xi32>
      %gather3A_2145 = tpu.vector_load_idx %arg8[%add3A_2144] : memref<272xf32, #tpu.memory_space<vmem>>[vector<16xi32>], vector<16xf32>,
      %add3A_2146 = arith.addf %add3A_2136, %gather3A_2145 : vector<16xf32>
      %add3A_2147 = arith.constant 2 : i32
      %add3A_2148 = vector.broadcast %add3A_2147 : i32 to vector<16xi32>
      %add3A_2149 = arith.addi %mul3A_52, %add3A_2148 : vector<16xi32>
      %gather3A_2150 = tpu.vector_load_idx %arg9[%add3A_2149] : memref<272xf32, #tpu.memory_space<vmem>>[vector<16xi32>], vector<16xf32>,
      %add3A_2151 = arith.addf %add3A_2141, %gather3A_2150 : vector<16xf32>
      %add3A_2152 = arith.constant 3 : i32
      %add3A_2153 = vector.broadcast %add3A_2152 : i32 to vector<16xi32>
      %add3A_2154 = arith.addi %mul3A_52, %add3A_2153 : vector<16xi32>
      %gather3A_2155 = tpu.vector_load_idx %arg8[%add3A_2154] : memref<272xf32, #tpu.memory_space<vmem>>[vector<16xi32>], vector<16xf32>,
      %add3A_2156 = arith.addf %add3A_2146, %gather3A_2155 : vector<16xf32>
      %add3A_2157 = arith.constant 3 : i32
      %add3A_2158 = vector.broadcast %add3A_2157 : i32 to vector<16xi32>
      %add3A_2159 = arith.addi %mul3A_52, %add3A_2158 : vector<16xi32>
      %gather3A_2160 = tpu.vector_load_idx %arg9[%add3A_2159] : memref<272xf32, #tpu.memory_space<vmem>>[vector<16xi32>], vector<16xf32>,
      %add3A_2161 = arith.addf %add3A_2151, %gather3A_2160 : vector<16xf32>
      %add3A_2162 = arith.constant 4 : i32
      %add3A_2163 = vector.broadcast %add3A_2162 : i32 to vector<16xi32>
      %add3A_2164 = arith.addi %mul3A_52, %add3A_2163 : vector<16xi32>
      %gather3A_2165 = tpu.vector_load_idx %arg8[%add3A_2164] : memref<272xf32, #tpu.memory_space<vmem>>[vector<16xi32>], vector<16xf32>,
      %add3A_2166 = arith.addf %add3A_2156, %gather3A_2165 : vector<16xf32>
      %add3A_2167 = arith.constant 4 : i32
      %add3A_2168 = vector.broadcast %add3A_2167 : i32 to vector<16xi32>
      %add3A_2169 = arith.addi %mul3A_52, %add3A_2168 : vector<16xi32>
      %gather3A_2170 = tpu.vector_load_idx %arg9[%add3A_2169] : memref<272xf32, #tpu.memory_space<vmem>>[vector<16xi32>], vector<16xf32>,
      %add3A_2171 = arith.addf %add3A_2161, %gather3A_2170 : vector<16xf32>
      %add3A_2172 = arith.constant 5 : i32
      %add3A_2173 = vector.broadcast %add3A_2172 : i32 to vector<16xi32>
      %add3A_2174 = arith.addi %mul3A_52, %add3A_2173 : vector<16xi32>
      %gather3A_2175 = tpu.vector_load_idx %arg8[%add3A_2174] : memref<272xf32, #tpu.memory_space<vmem>>[vector<16xi32>], vector<16xf32>,
      %add3A_2176 = arith.addf %add3A_2166, %gather3A_2175 : vector<16xf32>
      %add3A_2177 = arith.constant 5 : i32
      %add3A_2178 = vector.broadcast %add3A_2177 : i32 to vector<16xi32>
      %add3A_2179 = arith.addi %mul3A_52, %add3A_2178 : vector<16xi32>
      %gather3A_2180 = tpu.vector_load_idx %arg9[%add3A_2179] : memref<272xf32, #tpu.memory_space<vmem>>[vector<16xi32>], vector<16xf32>,
      %add3A_2181 = arith.addf %add3A_2171, %gather3A_2180 : vector<16xf32>
      %add3A_2182 = arith.constant 6 : i32
      %add3A_2183 = vector.broadcast %add3A_2182 : i32 to vector<16xi32>
      %add3A_2184 = arith.addi %mul3A_52, %add3A_2183 : vector<16xi32>
      %gather3A_2185 = tpu.vector_load_idx %arg8[%add3A_2184] : memref<272xf32, #tpu.memory_space<vmem>>[vector<16xi32>], vector<16xf32>,
      %add3A_2186 = arith.addf %add3A_2176, %gather3A_2185 : vector<16xf32>
      %add3A_2187 = arith.constant 6 : i32
      %add3A_2188 = vector.broadcast %add3A_2187 : i32 to vector<16xi32>
      %add3A_2189 = arith.addi %mul3A_52, %add3A_2188 : vector<16xi32>
      %gather3A_2190 = tpu.vector_load_idx %arg9[%add3A_2189] : memref<272xf32, #tpu.memory_space<vmem>>[vector<16xi32>], vector<16xf32>,
      %add3A_2191 = arith.addf %add3A_2181, %gather3A_2190 : vector<16xf32>
      %add3A_2192 = arith.constant 7 : i32
      %add3A_2193 = vector.broadcast %add3A_2192 : i32 to vector<16xi32>
      %add3A_2194 = arith.addi %mul3A_52, %add3A_2193 : vector<16xi32>
      %gather3A_2195 = tpu.vector_load_idx %arg8[%add3A_2194] : memref<272xf32, #tpu.memory_space<vmem>>[vector<16xi32>], vector<16xf32>,
      %add3A_2196 = arith.addf %add3A_2186, %gather3A_2195 : vector<16xf32>
      %add3A_2197 = arith.constant 7 : i32
      %add3A_2198 = vector.broadcast %add3A_2197 : i32 to vector<16xi32>
      %add3A_2199 = arith.addi %mul3A_52, %add3A_2198 : vector<16xi32>
      %gather3A_2200 = tpu.vector_load_idx %arg9[%add3A_2199] : memref<272xf32, #tpu.memory_space<vmem>>[vector<16xi32>], vector<16xf32>,
      %add3A_2201 = arith.addf %add3A_2191, %gather3A_2200 : vector<16xf32>
      %add3A_2202 = arith.constant 8 : i32
      %add3A_2203 = vector.broadcast %add3A_2202 : i32 to vector<16xi32>
      %add3A_2204 = arith.addi %mul3A_52, %add3A_2203 : vector<16xi32>
      %gather3A_2205 = tpu.vector_load_idx %arg8[%add3A_2204] : memref<272xf32, #tpu.memory_space<vmem>>[vector<16xi32>], vector<16xf32>,
      %add3A_2206 = arith.addf %add3A_2196, %gather3A_2205 : vector<16xf32>
      %add3A_2207 = arith.constant 8 : i32
      %add3A_2208 = vector.broadcast %add3A_2207 : i32 to vector<16xi32>
      %add3A_2209 = arith.addi %mul3A_52, %add3A_2208 : vector<16xi32>
      %gather3A_2210 = tpu.vector_load_idx %arg9[%add3A_2209] : memref<272xf32, #tpu.memory_space<vmem>>[vector<16xi32>], vector<16xf32>,
      %add3A_2211 = arith.addf %add3A_2201, %gather3A_2210 : vector<16xf32>
      %add3A_2212 = arith.constant 9 : i32
      %add3A_2213 = vector.broadcast %add3A_2212 : i32 to vector<16xi32>
      %add3A_2214 = arith.addi %mul3A_52, %add3A_2213 : vector<16xi32>
      %gather3A_2215 = tpu.vector_load_idx %arg8[%add3A_2214] : memref<272xf32, #tpu.memory_space<vmem>>[vector<16xi32>], vector<16xf32>,
      %add3A_2216 = arith.addf %add3A_2206, %gather3A_2215 : vector<16xf32>
      %add3A_2217 = arith.constant 9 : i32
      %add3A_2218 = vector.broadcast %add3A_2217 : i32 to vector<16xi32>
      %add3A_2219 = arith.addi %mul3A_52, %add3A_2218 : vector<16xi32>
      %gather3A_2220 = tpu.vector_load_idx %arg9[%add3A_2219] : memref<272xf32, #tpu.memory_space<vmem>>[vector<16xi32>], vector<16xf32>,
      %add3A_2221 = arith.addf %add3A_2211, %gather3A_2220 : vector<16xf32>
      %add3A_2222 = arith.constant 10 : i32
      %add3A_2223 = vector.broadcast %add3A_2222 : i32 to vector<16xi32>
      %add3A_2224 = arith.addi %mul3A_52, %add3A_2223 : vector<16xi32>
      %gather3A_2225 = tpu.vector_load_idx %arg8[%add3A_2224] : memref<272xf32, #tpu.memory_space<vmem>>[vector<16xi32>], vector<16xf32>,
      %add3A_2226 = arith.addf %add3A_2216, %gather3A_2225 : vector<16xf32>
      %add3A_2227 = arith.constant 10 : i32
      %add3A_2228 = vector.broadcast %add3A_2227 : i32 to vector<16xi32>
      %add3A_2229 = arith.addi %mul3A_52, %add3A_2228 : vector<16xi32>
      %gather3A_2230 = tpu.vector_load_idx %arg9[%add3A_2229] : memref<272xf32, #tpu.memory_space<vmem>>[vector<16xi32>], vector<16xf32>,
      %add3A_2231 = arith.addf %add3A_2221, %gather3A_2230 : vector<16xf32>
      %add3A_2232 = arith.constant 11 : i32
      %add3A_2233 = vector.broadcast %add3A_2232 : i32 to vector<16xi32>
      %add3A_2234 = arith.addi %mul3A_52, %add3A_2233 : vector<16xi32>
      %gather3A_2235 = tpu.vector_load_idx %arg8[%add3A_2234] : memref<272xf32, #tpu.memory_space<vmem>>[vector<16xi32>], vector<16xf32>,
      %add3A_2236 = arith.addf %add3A_2226, %gather3A_2235 : vector<16xf32>
      %add3A_2237 = arith.constant 11 : i32
      %add3A_2238 = vector.broadcast %add3A_2237 : i32 to vector<16xi32>
      %add3A_2239 = arith.addi %mul3A_52, %add3A_2238 : vector<16xi32>
      %gather3A_2240 = tpu.vector_load_idx %arg9[%add3A_2239] : memref<272xf32, #tpu.memory_space<vmem>>[vector<16xi32>], vector<16xf32>,
      %add3A_2241 = arith.addf %add3A_2231, %gather3A_2240 : vector<16xf32>
      %add3A_2242 = arith.constant 12 : i32
      %add3A_2243 = vector.broadcast %add3A_2242 : i32 to vector<16xi32>
      %add3A_2244 = arith.addi %mul3A_52, %add3A_2243 : vector<16xi32>
      %gather3A_2245 = tpu.vector_load_idx %arg8[%add3A_2244] : memref<272xf32, #tpu.memory_space<vmem>>[vector<16xi32>], vector<16xf32>,
      %add3A_2246 = arith.addf %add3A_2236, %gather3A_2245 : vector<16xf32>
      %add3A_2247 = arith.constant 12 : i32
      %add3A_2248 = vector.broadcast %add3A_2247 : i32 to vector<16xi32>
      %add3A_2249 = arith.addi %mul3A_52, %add3A_2248 : vector<16xi32>
      %gather3A_2250 = tpu.vector_load_idx %arg9[%add3A_2249] : memref<272xf32, #tpu.memory_space<vmem>>[vector<16xi32>], vector<16xf32>,
      %add3A_2251 = arith.addf %add3A_2241, %gather3A_2250 : vector<16xf32>
      %add3A_2252 = arith.constant 13 : i32
      %add3A_2253 = vector.broadcast %add3A_2252 : i32 to vector<16xi32>
      %add3A_2254 = arith.addi %mul3A_52, %add3A_2253 : vector<16xi32>
      %gather3A_2255 = tpu.vector_load_idx %arg8[%add3A_2254] : memref<272xf32, #tpu.memory_space<vmem>>[vector<16xi32>], vector<16xf32>,
      %add3A_2256 = arith.addf %add3A_2246, %gather3A_2255 : vector<16xf32>
      %add3A_2257 = arith.constant 13 : i32
      %add3A_2258 = vector.broadcast %add3A_2257 : i32 to vector<16xi32>
      %add3A_2259 = arith.addi %mul3A_52, %add3A_2258 : vector<16xi32>
      %gather3A_2260 = tpu.vector_load_idx %arg9[%add3A_2259] : memref<272xf32, #tpu.memory_space<vmem>>[vector<16xi32>], vector<16xf32>,
      %add3A_2261 = arith.addf %add3A_2251, %gather3A_2260 : vector<16xf32>
      %add3A_2262 = arith.constant 14 : i32
      %add3A_2263 = vector.broadcast %add3A_2262 : i32 to vector<16xi32>
      %add3A_2264 = arith.addi %mul3A_52, %add3A_2263 : vector<16xi32>
      %gather3A_2265 = tpu.vector_load_idx %arg8[%add3A_2264] : memref<272xf32, #tpu.memory_space<vmem>>[vector<16xi32>], vector<16xf32>,
      %add3A_2266 = arith.addf %add3A_2256, %gather3A_2265 : vector<16xf32>
      %add3A_2267 = arith.constant 14 : i32
      %add3A_2268 = vector.broadcast %add3A_2267 : i32 to vector<16xi32>
      %add3A_2269 = arith.addi %mul3A_52, %add3A_2268 : vector<16xi32>
      %gather3A_2270 = tpu.vector_load_idx %arg9[%add3A_2269] : memref<272xf32, #tpu.memory_space<vmem>>[vector<16xi32>], vector<16xf32>,
      %add3A_2271 = arith.addf %add3A_2261, %gather3A_2270 : vector<16xf32>
      %add3A_2272 = arith.constant 15 : i32
      %add3A_2273 = vector.broadcast %add3A_2272 : i32 to vector<16xi32>
      %add3A_2274 = arith.addi %mul3A_52, %add3A_2273 : vector<16xi32>
      %gather3A_2275 = tpu.vector_load_idx %arg8[%add3A_2274] : memref<272xf32, #tpu.memory_space<vmem>>[vector<16xi32>], vector<16xf32>,
      %add3A_2276 = arith.addf %add3A_2266, %gather3A_2275 : vector<16xf32>
      %add3A_2277 = arith.constant 15 : i32
      %add3A_2278 = vector.broadcast %add3A_2277 : i32 to vector<16xi32>
      %add3A_2279 = arith.addi %mul3A_52, %add3A_2278 : vector<16xi32>
      %gather3A_2280 = tpu.vector_load_idx %arg9[%add3A_2279] : memref<272xf32, #tpu.memory_space<vmem>>[vector<16xi32>], vector<16xf32>,
      %add3A_2281 = arith.addf %add3A_2271, %gather3A_2280 : vector<16xf32>
      %bitcast_convert_type3A = tpu.bitcast %add3A_2281 : vector<16xf32> -> vector<16xi32>
      %shift_right_arithmetic3A = arith.constant 1 : i32
      %shift_right_arithmetic3A_2282 = vector.broadcast %shift_right_arithmetic3A : i32 to vector<16xi32>
      %shift_right_arithmetic3A_2283 = arith.shrsi %bitcast_convert_type3A, %shift_right_arithmetic3A_2282 : vector<16xi32>
      %sub3A = arith.constant 1597463007 : i32
      %sub3A_2284 = vector.broadcast %sub3A : i32 to vector<16xi32>
      %sub3A_2285 = arith.subi %sub3A_2284, %shift_right_arithmetic3A_2283 : vector<16xi32>
      %bitcast_convert_type3A_2286 = tpu.bitcast %sub3A_2285 : vector<16xi32> -> vector<16xf32>
      %mul3A_2287 = arith.constant 5.000000e-01 : f32
      %mul3A_2288 = vector.broadcast %mul3A_2287 : f32 to vector<16xf32>
      %mul3A_2289 = arith.mulf %mul3A_2288, %add3A_2281 : vector<16xf32>
      %mul3A_2290 = arith.mulf %mul3A_2289, %bitcast_convert_type3A_2286 : vector<16xf32>
      %mul3A_2291 = arith.mulf %mul3A_2290, %bitcast_convert_type3A_2286 : vector<16xf32>
      %sub3A_2292 = arith.constant 1.500000e+00 : f32
      %sub3A_2293 = vector.broadcast %sub3A_2292 : f32 to vector<16xf32>
      %sub3A_2294 = arith.subf %sub3A_2293, %mul3A_2291 : vector<16xf32>
      %mul3A_2295 = arith.mulf %bitcast_convert_type3A_2286, %sub3A_2294 : vector<16xf32>
      %mul3A_2296 = arith.constant 5.000000e-01 : f32
      %mul3A_2297 = vector.broadcast %mul3A_2296 : f32 to vector<16xf32>
      %mul3A_2298 = arith.mulf %mul3A_2297, %add3A_2281 : vector<16xf32>
      %mul3A_2299 = arith.mulf %mul3A_2298, %mul3A_2295 : vector<16xf32>
      %mul3A_2300 = arith.mulf %mul3A_2299, %mul3A_2295 : vector<16xf32>
      %sub3A_2301 = arith.constant 1.500000e+00 : f32
      %sub3A_2302 = vector.broadcast %sub3A_2301 : f32 to vector<16xf32>
      %sub3A_2303 = arith.subf %sub3A_2302, %mul3A_2300 : vector<16xf32>
      %mul3A_2304 = arith.mulf %mul3A_2295, %sub3A_2303 : vector<16xf32>
      %mul3A_2305 = arith.constant 5.000000e-01 : f32
      %mul3A_2306 = vector.broadcast %mul3A_2305 : f32 to vector<16xf32>
      %mul3A_2307 = arith.mulf %mul3A_2306, %add3A_2281 : vector<16xf32>
      %mul3A_2308 = arith.mulf %mul3A_2307, %mul3A_2304 : vector<16xf32>
      %mul3A_2309 = arith.mulf %mul3A_2308, %mul3A_2304 : vector<16xf32>
      %sub3A_2310 = arith.constant 1.500000e+00 : f32
      %sub3A_2311 = vector.broadcast %sub3A_2310 : f32 to vector<16xf32>
      %sub3A_2312 = arith.subf %sub3A_2311, %mul3A_2309 : vector<16xf32>
      %mul3A_2313 = arith.mulf %mul3A_2304, %sub3A_2312 : vector<16xf32>
      %mul3A_2314 = arith.mulf %add3A_2281, %mul3A_2313 : vector<16xf32>
      %max3A = arith.constant 9.99999993E-9 : f32
      %max3A_2315 = vector.broadcast %max3A : f32 to vector<16xf32>
      %max3A_2316 = arith.maximumf %mul3A_2314, %max3A_2315 : vector<16xf32>
      %div3A = arith.divf %add3A_2276, %max3A_2316 : vector<16xf32>
      %gt3A = arith.cmpf ogt, %div3A, %scan3A_96 : vector<16xf32>
      %mul3A_2317 = arith.constant 16 : i32
      %mul3A_2318 = arith.muli %scan3A_95, %mul3A_2317 : i32
      %add3A_2319 = vector.broadcast %mul3A_2318 : i32 to vector<16xi32>
      %add3A_2320 = arith.addi %iota3A, %add3A_2319 : vector<16xi32>
      %select_n3A = arith.select %gt3A, %add3A_2320, %scan3A_97 : vector<16xi1>, vector<16xi32>
      %select_n3A_2321 = arith.select %gt3A, %div3A, %scan3A_96 : vector<16xi1>, vector<16xf32>
      scf.yield %select_n3A_2321, %select_n3A : vector<16xf32>, vector<16xi32>
    }
    %scan3A_91 = arith.constant 16 : i32
    %swap3A = arith.constant 0 : index
    %swap3A_92 = tpu.vector_load %arg10[%swap3A] {strides = array<i32>} : memref<16xf32, #tpu.memory_space<vmem>>, vector<16xf32>,
    tpu.vector_store %arg10[%swap3A], %scan3A_90#0 {strides = array<i32>} : memref<16xf32, #tpu.memory_space<vmem>>, vector<16xf32>,
    %swap3A_93 = arith.constant 0 : index
    %swap3A_94 = tpu.vector_load %arg11[%swap3A_93] {strides = array<i32>} : memref<16xi32, #tpu.memory_space<vmem>>, vector<16xi32>,
    tpu.vector_store %arg11[%swap3A_93], %scan3A_90#1 {strides = array<i32>} : memref<16xi32, #tpu.memory_space<vmem>>, vector<16xi32>,
    "tpu.region"() ({
      %run_scoped3A = tpu.sem_alloc : memref<!tpu.dma_semaphore, #tpu.memory_space<semaphore_mem>>
      %dma_start3A_95 = arith.constant 0 : i32
      %dma_start3A_96 = tpu.memref_slice %arg4[%add3A, %dma_start3A_95] : memref<32x16xf32, #tpu.memory_space<hbm>> -> memref<1x16xf32, #tpu.memory_space<hbm>>
      %dma_start3A_97 = tpu.memref_squeeze %dma_start3A_96 : memref<1x16xf32, #tpu.memory_space<hbm>> -> memref<16xf32, #tpu.memory_space<hbm>>
      %dma_start3A_98 = arith.constant 0 : i32
      %dma_start3A_99 = tpu.memref_slice %arg4[%add3A, %dma_start3A_98] : memref<32x16xf32, #tpu.memory_space<hbm>> -> memref<1x16xf32, #tpu.memory_space<hbm>>
      %dma_start3A_100 = tpu.memref_squeeze %dma_start3A_99 : memref<1x16xf32, #tpu.memory_space<hbm>> -> memref<16xf32, #tpu.memory_space<hbm>>
      tpu.enqueue_dma source(%arg10 : memref<16xf32, #tpu.memory_space<vmem>>) target(%dma_start3A_100 : memref<16xf32, #tpu.memory_space<hbm>>) target_semaphore(%run_scoped3A : memref<!tpu.dma_semaphore, #tpu.memory_space<semaphore_mem>>)
      %dma_wait3A = arith.constant 0 : i32
      %dma_wait3A_101 = tpu.memref_slice %arg4[%add3A, %dma_wait3A] : memref<32x16xf32, #tpu.memory_space<hbm>> -> memref<1x16xf32, #tpu.memory_space<hbm>>
      %dma_wait3A_102 = tpu.memref_squeeze %dma_wait3A_101 : memref<1x16xf32, #tpu.memory_space<hbm>> -> memref<16xf32, #tpu.memory_space<hbm>>
      %dma_wait3A_103 = arith.constant 0 : i32
      %dma_wait3A_104 = tpu.memref_slice %arg4[%add3A, %dma_wait3A_103] : memref<32x16xf32, #tpu.memory_space<hbm>> -> memref<1x16xf32, #tpu.memory_space<hbm>>
      %dma_wait3A_105 = tpu.memref_squeeze %dma_wait3A_104 : memref<1x16xf32, #tpu.memory_space<hbm>> -> memref<16xf32, #tpu.memory_space<hbm>>
      tpu.wait_dma2 semaphore(%run_scoped3A : memref<!tpu.dma_semaphore, #tpu.memory_space<semaphore_mem>>) src(%arg10 : memref<16xf32, #tpu.memory_space<vmem>>) dst(%dma_wait3A_105 : memref<16xf32, #tpu.memory_space<hbm>>)
      tpu.yield
    }) : () -> ()
    "tpu.region"() ({
      %run_scoped3A = tpu.sem_alloc : memref<!tpu.dma_semaphore, #tpu.memory_space<semaphore_mem>>
      %dma_start3A_95 = arith.constant 0 : i32
      %dma_start3A_96 = tpu.memref_slice %arg5[%add3A, %dma_start3A_95] : memref<32x16xi32, #tpu.memory_space<hbm>> -> memref<1x16xi32, #tpu.memory_space<hbm>>
      %dma_start3A_97 = tpu.memref_squeeze %dma_start3A_96 : memref<1x16xi32, #tpu.memory_space<hbm>> -> memref<16xi32, #tpu.memory_space<hbm>>
      %dma_start3A_98 = arith.constant 0 : i32
      %dma_start3A_99 = tpu.memref_slice %arg5[%add3A, %dma_start3A_98] : memref<32x16xi32, #tpu.memory_space<hbm>> -> memref<1x16xi32, #tpu.memory_space<hbm>>
      %dma_start3A_100 = tpu.memref_squeeze %dma_start3A_99 : memref<1x16xi32, #tpu.memory_space<hbm>> -> memref<16xi32, #tpu.memory_space<hbm>>
      tpu.enqueue_dma source(%arg11 : memref<16xi32, #tpu.memory_space<vmem>>) target(%dma_start3A_100 : memref<16xi32, #tpu.memory_space<hbm>>) target_semaphore(%run_scoped3A : memref<!tpu.dma_semaphore, #tpu.memory_space<semaphore_mem>>)
      %dma_wait3A = arith.constant 0 : i32
      %dma_wait3A_101 = tpu.memref_slice %arg5[%add3A, %dma_wait3A] : memref<32x16xi32, #tpu.memory_space<hbm>> -> memref<1x16xi32, #tpu.memory_space<hbm>>
      %dma_wait3A_102 = tpu.memref_squeeze %dma_wait3A_101 : memref<1x16xi32, #tpu.memory_space<hbm>> -> memref<16xi32, #tpu.memory_space<hbm>>
      %dma_wait3A_103 = arith.constant 0 : i32
      %dma_wait3A_104 = tpu.memref_slice %arg5[%add3A, %dma_wait3A_103] : memref<32x16xi32, #tpu.memory_space<hbm>> -> memref<1x16xi32, #tpu.memory_space<hbm>>
      %dma_wait3A_105 = tpu.memref_squeeze %dma_wait3A_104 : memref<1x16xi32, #tpu.memory_space<hbm>> -> memref<16xi32, #tpu.memory_space<hbm>>
      tpu.wait_dma2 semaphore(%run_scoped3A : memref<!tpu.dma_semaphore, #tpu.memory_space<semaphore_mem>>) src(%arg11 : memref<16xi32, #tpu.memory_space<vmem>>) dst(%dma_wait3A_105 : memref<16xi32, #tpu.memory_space<hbm>>)
      tpu.yield
    }) : () -> ()
    return
  }
}

module attributes {stable_mosaic.version = 14 : i64} {
  func.func @_merge_body(%arg0: memref<2x128xf32, #tpu.memory_space<vmem>>, %arg1: memref<32x16xf32, #tpu.memory_space<vmem>>, %arg2: memref<32x16xi32, #tpu.memory_space<vmem>>, %arg3: memref<64x128xf32, #tpu.memory_space<vmem>>) attributes {dimension_semantics = [], scalar_prefetch = 0 : i64, scratch_operands = 0 : i64, tpu.core_type = #tpu.core_type<tc>} {
    %get3A = arith.constant 0 : index
    %get3A_0 = arith.constant 0 : index
    %get3A_1 = vector.load %arg1[%get3A, %get3A_0] : memref<32x16xf32, #tpu.memory_space<vmem>>, vector<32x16xf32>
    %get3A_2 = arith.constant 0 : index
    %get3A_3 = arith.constant 0 : index
    %get3A_4 = vector.load %arg2[%get3A_2, %get3A_3] : memref<32x16xi32, #tpu.memory_space<vmem>>, vector<32x16xi32>
    %iota3A = tpu.iota {dimensions = array<i32: 0>} : vector<32x16xi32>
    %mul3A = arith.constant 256 : i32
    %mul3A_5 = vector.broadcast %mul3A : i32 to vector<32x16xi32>
    %mul3A_6 = arith.muli %iota3A, %mul3A_5 : vector<32x16xi32>
    %add3A = arith.addi %get3A_4, %mul3A_6 : vector<32x16xi32>
    %reduce_max3A = vector.shape_cast %get3A_1 : vector<32x16xf32> to vector<1x32x16xf32>
    %reduce_max3A_7 = arith.constant dense<0xFF800000> : vector<1xf32>
    %reduce_max3A_8 = vector.multi_reduction <maximumf>, %reduce_max3A, %reduce_max3A_7 [1, 2] : vector<1x32x16xf32> to vector<1xf32>
    %reduce_max3A_9 = vector.shape_cast %reduce_max3A_8 : vector<1xf32> to vector<1x1x1xf32>
    %reduce_max3A_10 = vector.extract %reduce_max3A_9[0, 0, 0] : f32 from vector<1x1x1xf32>
    %eq3A = vector.broadcast %reduce_max3A_10 : f32 to vector<32x16xf32>
    %eq3A_11 = arith.cmpf oeq, %get3A_1, %eq3A : vector<32x16xf32>
    %jit3A = arith.constant 2147483647 : i32
    %broadcast_in_dim3A = vector.broadcast %jit3A : i32 to vector<32x16xi32>
    %select_n3A = arith.select %eq3A_11, %add3A, %broadcast_in_dim3A : vector<32x16xi1>, vector<32x16xi32>
    %reduce_min3A = vector.shape_cast %select_n3A : vector<32x16xi32> to vector<1x32x16xi32>
    %reduce_min3A_12 = arith.constant dense<2147483647> : vector<1xi32>
    %reduce_min3A_13 = vector.multi_reduction <minsi>, %reduce_min3A, %reduce_min3A_12 [1, 2] : vector<1x32x16xi32> to vector<1xi32>
    %reduce_min3A_14 = vector.shape_cast %reduce_min3A_13 : vector<1xi32> to vector<1x1x1xi32>
    %reduce_min3A_15 = vector.extract %reduce_min3A_14[0, 0, 0] : i32 from vector<1x1x1xi32>
    %get3A_16 = arith.constant 0 : index
    %get3A_17 = arith.constant 0 : index
    %get3A_18 = vector.load %arg0[%get3A_16, %get3A_17] : memref<2x128xf32, #tpu.memory_space<vmem>>, vector<2x128xf32>
    %mul3A_19 = arith.mulf %get3A_18, %get3A_18 : vector<2x128xf32>
    %reduce_sum3A = vector.shape_cast %mul3A_19 : vector<2x128xf32> to vector<1x2x128xf32>
    %reduce_sum3A_20 = arith.constant dense<0.000000e+00> : vector<1xf32>
    %reduce_sum3A_21 = vector.multi_reduction <add>, %reduce_sum3A, %reduce_sum3A_20 [1, 2] : vector<1x2x128xf32> to vector<1xf32>
    %reduce_sum3A_22 = vector.shape_cast %reduce_sum3A_21 : vector<1xf32> to vector<1x1x1xf32>
    %reduce_sum3A_23 = vector.extract %reduce_sum3A_22[0, 0, 0] : f32 from vector<1x1x1xf32>
    %sqrt3A = math.sqrt %reduce_sum3A_23 : f32
    %max3A = arith.constant 9.99999993E-9 : f32
    %max3A_24 = arith.maximumf %sqrt3A, %max3A : f32
    %iota3A_25 = tpu.iota {dimensions = array<i32: 0>} : vector<64x128xi32>
    %iota3A_26 = tpu.iota {dimensions = array<i32: 1>} : vector<64x128xi32>
    %mul3A_27 = arith.constant 128 : i32
    %mul3A_28 = vector.broadcast %mul3A_27 : i32 to vector<64x128xi32>
    %mul3A_29 = arith.muli %iota3A_25, %mul3A_28 : vector<64x128xi32>
    %add3A_30 = arith.addi %mul3A_29, %iota3A_26 : vector<64x128xi32>
    %eq3A_31 = vector.broadcast %reduce_min3A_15 : i32 to vector<64x128xi32>
    %eq3A_32 = arith.cmpi eq, %add3A_30, %eq3A_31 : vector<64x128xi32>
    %div3A = arith.divf %reduce_max3A_10, %max3A_24 : f32
    %jit3A_33 = arith.constant 0.000000e+00 : f32
    %broadcast_in_dim3A_34 = vector.broadcast %div3A : f32 to vector<64x128xf32>
    %broadcast_in_dim3A_35 = vector.broadcast %jit3A_33 : f32 to vector<64x128xf32>
    %select_n3A_36 = arith.select %eq3A_32, %broadcast_in_dim3A_34, %broadcast_in_dim3A_35 : vector<64x128xi1>, vector<64x128xf32>
    %swap3A = arith.constant 0 : index
    %swap3A_37 = arith.constant 0 : index
    %swap3A_38 = vector.load %arg3[%swap3A, %swap3A_37] : memref<64x128xf32, #tpu.memory_space<vmem>>, vector<64x128xf32>
    tpu.vector_store %arg3[%swap3A, %swap3A_37], %select_n3A_36 {strides = array<i32>} : memref<64x128xf32, #tpu.memory_space<vmem>>, vector<64x128xf32>,
    return
  }
}

</mosaic_0001>

<sc_bundles>
// kernel: kernel.4.cloned.1.call-start
scs
__scs_entry_jumppad:
0x0: {  	(pc) =	sbr.rel $0x88, $3  }
0x1: {  	(tag) =	ssettag $0x0;
	lr =	simm.s32 $0x1  }
0x2: {  	[smem:$0x3F9F] =	sst lr;
	_ =	strace $0xD0000000  }
0x3: {  	_ = 	snop  }
0x4: {  	_ = 	snop  }
0x5: {  	_ = 	snop  }
0x6: {  	_ = 	snop  }
0x7: {  	_ = 	snop  }
__scs_overlays_trampoline_lowered:
0x8: {  	[smem:$0x3FAE] =	sst s0  }
0x9: {  	[smem:$0x3FAF] =	sst s1  }
0xa: {  	[smem:$0x3FB0] =	sst s2  }
0xb: {  	[smem:$0x3FB1] =	sst s3  }
0xc: {  	[smem:$0x3FB2] =	sst s4  }
0xd: {  	[smem:$0x3FB3] =	sst s5  }
0xe: {  	[smem:$0x3FB4] =	sst s6  }
0xf: {  	[smem:$0x3FB5] =	sst s7  }
0x10: {  	[smem:$0x3FB6] =	sst s8  }
0x11: {  	[smem:$0x3FB7] =	sst s9;
	s0 =	simm.s32 @!p0 $0x0  }
0x12: {  	s1 =	sld [smem:$0x3F9D];
	s0 =	simm.s32 @p0 $0x1  }
0x13: {  	[smem:$0x3FB8] =	sst s0;
	s0 =	simm.s32 @!p1 $0x0  }
0x14: {  	s2 =	sld [smem:$0x3F9C];
	s0 =	simm.s32 @p1 $0x1  }
0x15: {  	[smem:$0x3FB9] =	sst s0;
	s0 =	simm.s32 @!p2 $0x0  }
0x16: {  	s3 =	sld [smem:$0x3FDB];
	s0 =	simm.s32 @p2 $0x1  }
0x17: {  	s4 =	simm.s32 $0x1BF5;
	[smem:$0x3FBB] =	sst s0  }
0x18: {  	s0 =	sld [smem:$0x3F9E];
	_ =	swait.ge [sflag:s4], $0x0  }
0x19: {  	s7 =	sld [smem:$0x3F9F]  }
0x1a: {  	s8 =	sadd.s32 $0xFFFFE003, lr  }
0x1b: {  	s9 =	sadd.s32 $0xFFFFFEF7, lr;
	s5 =	simm.s32 $0xFFFFFFFF;
	p2 =	slt.u32 s8, $0xFFFFF086  }
0x1c: {  	p1 =	slt.u32 s9, $0xF7A;
	s5 =	simm.s32 @!p2 $0x0  }
0x1d: {  	s5 =	simm.s32 @p1 $0x1;
	p0 =	seq.s32 s7, s2  }
0x1e: {  	s7 =	smul.u32 @!p0 $0xF7A, s2;
	p2 =	seq.s32 @!p0 s5, $0x0  }
0x1f: {  	s9 =	smul.u32 $0xF7A, s1;
	s8 =	simm.s32 @!p0 $0x1BF5;
	p2 =	por !p2, p0  }
0x20: {  	[sflag:s8] =	ssyncset.s32 @!p0 $0xFFFFF086;
	s6 =	sadd.s32 @!p0 s3, s7;
	s7 =	simm.s32 @!p0 $0x108  }
0x21: {  	s3 =	sadd.s32 s3, s9;
	s6 =	sadd.s32 @!p0 $0x88, s6;
	s7 =	simm.s32 @p2 $0x1082  }
0x22: {  	[simem:s7], [sflag:s8] =	dma.local @!p0 [hbm:s6], $0xF7A  }
0x23: {  	s9 =	sor.u32 $0xD0000000, s2;
	s6 =	simm.s32 $0x108;
	_ =	swait.ge @!p0 [sflag:s8], $0x0  }
0x24: {  	s3 =	sadd.s32 $0x88, s3;
	s6 =	simm.s32 @!p1 $0x1082;
	[sflag:s4] =	ssyncset.s32 $0xFFFFF086  }
0x25: {  	[simem:s6], [sflag:s4] =	dma.local [hbm:s3], $0xF7A  }
0x26: {  	[smem:$0x3F9F] =	sst s1;
	(tag) =	ssettag s2;
	_ =	strace s9  }
0x27: {  	s1 =	sld [smem:$0x3FAF]  }
0x28: {  	s2 =	sld [smem:$0x3FB0]  }
0x29: {  	s4 =	sld [smem:$0x3FB2]  }
0x2a: {  	p0 =	seq.s32 s5, $0x0;
	s5 =	sld [smem:$0x3FB3]  }
0x2b: {  	s6 =	sld [smem:$0x3FB4]  }
0x2c: {  	s7 =	sld [smem:$0x3FB5]  }
0x2d: {  	s3 =	simm.s32 $0x108;
	s8 =	sld [smem:$0x3FB6]  }
0x2e: {  	s3 =	simm.s32 @!p0 $0x1082;
	s9 =	sld [smem:$0x3FB7]  }
0x2f: {  	lr =	sadd.s32 s0, s3;
	s0 =	sld [smem:$0x3FAE]  }
0x30: {  	s3 =	sld [smem:$0x3FB1]  }
0x31: {  	[smem:$0x3FBA] =	sst s10  }
0x32: {  	s10 =	sld [smem:$0x3FB8];
	_ =	sdelay $0x3  }
0x33: {  	p0 =	seq.s32 s10, $0x1;
	s10 =	sld [smem:$0x3FBA];
	_ =	sdelay $0x3  }
0x34: {  	[smem:$0x3FBA] =	sst s10  }
0x35: {  	s10 =	sld [smem:$0x3FB9];
	_ =	sdelay $0x3  }
0x36: {  	p1 =	seq.s32 s10, $0x1;
	s10 =	sld [smem:$0x3FBA];
	_ =	sdelay $0x3  }
0x37: {  	[smem:$0x3FBA] =	sst s10  }
0x38: {  	s10 =	sld [smem:$0x3FBB]  }
0x39: {  	_ = 	snop;
	(pc) =	sbr.ind lr, $3  }
0x3a: {  	_ = 	snop  }
0x3b: {  	_ = 	snop  }
0x3c: {  	p2 =	seq.s32 s10, $0x1;
	s10 =	sld [smem:$0x3FBA]  }
0x3d: {  	_ =	shalt  }
0x3e: {  	_ =	shalt  }
0x3f: {  	_ =	shalt  }
0x40: {  	_ =	shalt  }
0x41: {  	_ =	shalt  }
0x42: {  	_ =	shalt  }
0x43: {  	_ =	shalt  }
0x44: {  	_ =	shalt  }
0x45: {  	_ =	shalt  }
0x46: {  	_ =	shalt  }
0x47: {  	_ =	shalt  }
0x48: {  	_ =	shalt  }
0x49: {  	_ =	shalt  }
0x4a: {  	_ =	shalt  }
0x4b: {  	_ =	shalt  }
0x4c: {  	_ =	shalt  }
0x4d: {  	_ =	shalt  }
0x4e: {  	_ =	shalt  }
0x4f: {  	_ =	shalt  }
0x50: {  	_ =	shalt  }
0x51: {  	_ =	shalt  }
0x52: {  	_ =	shalt  }
0x53: {  	_ =	shalt  }
0x54: {  	_ =	shalt  }
0x55: {  	_ =	shalt  }
0x56: {  	_ =	shalt  }
0x57: {  	_ =	shalt  }
0x58: {  	_ =	shalt  }
0x59: {  	_ =	shalt  }
0x5a: {  	_ =	shalt  }
0x5b: {  	_ =	shalt  }
0x5c: {  	_ =	shalt  }
0x5d: {  	_ =	shalt  }
0x5e: {  	_ =	shalt  }
0x5f: {  	_ =	shalt  }
0x60: {  	_ =	shalt  }
0x61: {  	_ =	shalt  }
0x62: {  	_ =	shalt  }
0x63: {  	_ =	shalt  }
0x64: {  	_ =	shalt  }
0x65: {  	_ =	shalt  }
0x66: {  	_ =	shalt  }
0x67: {  	_ =	shalt  }
0x68: {  	_ =	shalt  }
0x69: {  	_ =	shalt  }
0x6a: {  	_ =	shalt  }
0x6b: {  	_ =	shalt  }
0x6c: {  	_ =	shalt  }
0x6d: {  	_ =	shalt  }
0x6e: {  	_ =	shalt  }
0x6f: {  	_ =	shalt  }
0x70: {  	_ =	shalt  }
0x71: {  	_ =	shalt  }
0x72: {  	_ =	shalt  }
0x73: {  	_ =	shalt  }
0x74: {  	_ =	shalt  }
0x75: {  	_ =	shalt  }
0x76: {  	_ =	shalt  }
0x77: {  	_ =	shalt  }
0x78: {  	_ =	shalt  }
0x79: {  	_ =	shalt  }
0x7a: {  	_ =	shalt  }
0x7b: {  	_ =	shalt  }
0x7c: {  	_ =	shalt  }
0x7d: {  	_ =	shalt  }
0x7e: {  	_ =	shalt  }
0x7f: {  	_ =	shalt  }
0x80: {  	_ =	shalt  }
0x81: {  	_ =	shalt  }
0x82: {  	_ =	shalt  }
0x83: {  	_ =	shalt  }
0x84: {  	_ =	shalt  }
0x85: {  	_ =	shalt  }
0x86: {  	_ =	shalt  }
0x87: {  	_ =	shalt  }
.Lfunc_end0:
.L_simem_size_0:
called_computation_lowered:
.L_overlay_start_0:
0x88: {  	s2 =	sld [smem:$0x3FD9]  }
0x89: {  	s3 =	sld [smem:$0x3FFE];
	_ =	sdelay $0x1  }
0x8a: {  	s1 =	srdreg.scid  }
0x8b: {  	s0 =	sand.u32 $0x1, s1  }
0x8c: {  	s17 =	sshll.u32 s0, $0xA;
	s2 =	sadd.s32 s3, s2  }
0x8d: {  	s2 =	sadd.s32 s2, s17  }
0x8e: {  	[smem:$0x3FC6] =	sst s2  }
0x8f: {  	_ = 	snop  }
0x90: {  	s2 =	sld [smem:$0x3FC9]  }
0x91: {  	s18 =	sld [smem:$0x3FC8]  }
0x92: {  	s4 =	sld [smem:$0x3FD0];
	(tm) =	ssettm $0x1  }
0x93: {  	s5 =	sld [smem:$0x3FFB];
	_ =	sdelay $0x3  }
0x94: {  	_ =	strace s5  }
0x95: {  	s5 =	sld [smem:$0x3FFC];
	_ =	sdelay $0x3  }
0x96: {  	_ =	strace s5  }
0x97: {  	s5 =	sld [smem:$0x3FFD];
	_ =	sdelay $0x3  }
0x98: {  	_ =	strace s5  }
0x99: {  	_ =	strace $0x8FFFFFFF  }
0x9a: {  	s19 =	sld [smem:$0x3FDB];
	_ =	sdelay $0x1  }
0x9b: {  	s6 =	simm.s32 $_scs_section_size  }
0x9c: {  	s7 =	simm.s32 $_size__tile_overlayer_lowered;
	s8 =	simm.s32 $_tile_overlayer_lowered  }
0x9d: {  	s22 =	simm.s32 $0x1BFF;
	s21 =	sshll.u32 s8, $0x1;
	s5 =	sadd.s32 s6, s19  }
0x9e: {  	s9 =	simm.s32 $0x0;
	s20 =	sshll.u32 s7, $0x1;
	s7 =	sadd.s32 s21, s5  }
0x9f: {  	[timem:s9], [sflag:s22] =	dma.local [hbm:s7], s20  }
0xa0: {  	_ =	swait.ge [sflag:s22], s20  }
0xa1: {  	s6 =	ssub.s32 $0x0, s20;
	[sflag:s22] =	ssyncset.done $0x0  }
0xa2: {  	[sflag:s22] =	ssyncadd.s32 s6;
	_ =	sdelay $0x1  }
0xa3: {  	s23 =	simm.s32 $0x1B8B  }
0xa4: {  	_ =	swait.ge [sflag:s23], $0x1  }
0xa5: {  	[sflag:s23] =	ssyncset.done $0x0  }
0xa6: {  	s25 =	simm.s32 $0x1B8E;
	s24 =	sld [smem:$0x3FFE];
	[sflag:s23] =	ssyncadd.s32 $0xFFFFFFFF  }
0xa7: {  	s26 =	simm.s32 $execute0_lowered;
	[smem:$0x3FD2] =	sst s25  }
0xa8: {  	s7 =	sshll.u32 s26, $0x1;
	_ =	strace $0x80000046;
	[dreg:$0x1] =	wrdreg $0xFFFFFFFF  }
0xa9: {  	s28 =	simm.s32 $_size_execute0_lowered;
	s5 =	sadd.s32 s5, s7;
	[dreg:$0x0] =	wrdreg $0x0  }
0xaa: {  	s7 =	sshll.u32 s28, $0x1;
	[dreg:$0x2] =	wrdreg s5  }
0xab: {  	[dreg:$0x3] =	wrdreg s7  }
0xac: {  	[dreg:$0x4] =	wrdreg $0xC0  }
0xad: {  	_ =	task [dreg:s9], $0x5FFFF  }
0xae: {  	[dreg:$0x1] =	wrdreg $0xFFFFFFFF  }
0xaf: {  	[dreg:$0x0] =	wrdreg $0x60  }
0xb0: {  	[dreg:$0x2] =	wrdreg s2  }
0xb1: {  	[dreg:$0x3] =	wrdreg s18  }
0xb2: {  	[dreg:$0x4] =	wrdreg s4  }
0xb3: {  	[dreg:$0x5] =	wrdreg s24  }
0xb4: {  	[dreg:$0x6] =	wrdreg $0x9  }
0xb5: {  	_ =	task.clear_ibuf [dreg:s9], $0x7FFFF;
	_ =	strace $0x90000046  }
0xb6: {  	s29 =	simm.s32 $0x9;
	_ =	strace $0x80000048  }
0xb7: {  	_ =	swait.ge [sflag:s29], $0x1  }
0xb8: {  	[sflag:s29] =	ssyncadd.s32 $0xFFFFFFFF  }
0xb9: {  	_ =	strace $0x90000048  }
0xba: {  	_ =	sfence  }
0xbb: {  	s30 =	sld [smem:$0x0];
	_ =	sdelay $0x2  }
0xbc: {  	s31 =	sshll.u32 s1, $0xD;
	s1 =	sshrl.u32 s1, $0x2  }
0xbd: {  	s3 =	sand.u32 $0x4000, s31;
	s1 =	sadd.s32 s1, s30  }
0xbe: {  	s0 =	sor.u32 s3, s0;
	s1 =	sshll.u32 s1, $0x11  }
0xbf: {  	s0 =	sor.u32 s1, s0  }
0xc0: {  	s0 =	sadd.s32 $0x8F2B, s0  }
0xc1: {  	[sflag:s0] =	ssyncadd.remote.s32 $0x1  }
0xc2: {  	_ =	sfence.sel $0xFFFF  }
0xc3: {  	[dreg:$0x0] =	wrdreg $0xFFFFFFFF;
	(pc) =	sbr.abs _section_cstart, $3  }
0xc4: {  	[dreg:$0x1] =	wrdreg $0xFFFFFFFF  }
0xc5: {  	_ =	task.clear_ibuf [dreg:s9], $0x2FFFF;
	_ =	strace $0x9FFFFFFF  }
0xc6: {  	(tm) =	ssettm $0x7FFFFFFF  }
0xc7: {  	_ =	shalt  }
tec
execute0_lowered:
.L_overlay_start_1:
0x0: {  	(tag) =	ssettag $0x1  }
0x1: {  	s1 =	rddreg [dreg:$0x0]  }
0x2: {  	s4 =	rddreg [dreg:$0x1]  }
0x3: {  	s8 =	rddreg [dreg:$0x2]  }
0x4: {  	s5 =	rddreg [dreg:$0x3]  }
0x5: {  	s0 =	rddreg [dreg:$0x4]  }
0x6: {  	s6 =	srdreg.scid;
	s2 =	stileid.u32  }
0x7: {  	s3 =	simm.s32 $0x0;
	s12 =	simm.s32 $0x4100;
	s13 =	simm.s32 $0x8100  }
0x8: {  	s14 =	simm.s32 $0xC100;
	s15 =	simm.s32 $0x5;
	s16 =	simm.s32 $0x10100  }
0x9: {  	v0 =	vlaneseq.u32;
	s17 =	simm.s32 $0x10280;
	s18 =	simm.s32 $0x10400;
	s19 =	simm.s32 $0x10480  }
0xa: {  	s6 =	sand.u32 $0x1, s6;
	s7 =	sshll.u32 s2, $0x1;
	[smem:$0x7FF] =	sst s3;
	v1 =	vmul.u32 $0x11, v0  }
0xb: {  	s20 =	simm.s32 $0x0;
	s7 =	sor.u32 s6, s7;
	_ =	strace $0x80000047  }
.Ltmp0:
0xc: {  	s6 =	ssub.s32 $0x2, s6;
	s9 =	sshll.u32 s7, $0xD;
	v2 =	vadd.s32 $0x1, v1;
	v3 =	vadd.s32 $0x2, v1;
	v4 =	vadd.s32 $0x3, v1;
	(pc) =	sbr.rel .LBB2_1-.Ltmp0, $4  }
0xd: {  	s10 =	sshll.u32 s7, $0x4;
	s30 =	sshrl.u32 s6, $0x1;
	v5 =	vadd.s32 $0x4, v1;
	v6 =	vadd.s32 $0x5, v1;
	v7 =	vadd.s32 $0x6, v1;
	s4 =	sadd.s32 s4, s9  }
0xe: {  	v8 =	vadd.s32 $0x7, v1;
	v9 =	vadd.s32 $0x8, v1;
	v10 =	vadd.s32 $0x9, v1;
	s31 =	sadd.s32 s10, s5;
	s11 =	ssub.s32 s6, s30;
	s8 =	sadd.s32 s8, s10  }
0xf: {  	v11 =	vadd.s32 $0xA, v1;
	v12 =	vadd.s32 $0xB, v1;
	v13 =	vadd.s32 $0xC, v1;
	s5 =	sadd.s32 $0x800, s4;
	s6 =	sadd.s32 $0x1000, s4;
	s7 =	sadd.s32 $0x1800, s4  }
0x10: {  	v14 =	vadd.s32 $0xD, v1;
	v15 =	vadd.s32 $0xE, v1;
	v16 =	vadd.s32 $0xF, v1;
	s9 =	sadd.s32 $0xE00, s31;
	s10 =	smax.u32 s11, $0x1;
	s11 =	simm.s32 $0x100  }
.LBB2_13:
0x11: {  	[tilespmem:$0x10400] =	vst v32  }
0x12: {  	[tilespmem:$0x10480] =	vst v31  }
0x13: {  	[hbm4b:s8+s3] =	stream.linear.scatter [tilespmem:s18], [sflag:$0x5], $0x80, $0x38;
	[tilespmem:$0x10500] =	vst v63  }
0x14: {  	s20 =	sadd.s32 $0x1, s20;
	_ =	swait.ge [sflag:s15], $0x80  }
0x15: {  	p0 =	sne.s32 s20, s10;
	[sflag:s15] =	ssyncset.done $0x0  }
.Ltmp1:
0x16: {  	[sflag:s15] =	ssyncadd.s32 $0xFFFFFF80;
	(pc) =	sbr.rel @!p0 .LBB2_14-.Ltmp1, $4  }
0x17: {  	[hbm4b:s9+s3] =	stream.linear.scatter [tilespmem:s19], [sflag:$0x5], $0x80, $0x38;
	[tilespmem:$0x10500] =	vst v63  }
0x18: {  	_ =	swait.ge [sflag:s15], $0x80  }
0x19: {  	[sflag:s15] =	ssyncset.done $0x0  }
0x1a: {  	[sflag:s15] =	ssyncadd.s32 $0xFFFFFF80  }
.LBB2_1:
0x1b: {  	[tilespmem:s11], [sflag:$0x1] =	stream.linear.gather [hbm4b:s4+s3], $0x4000, $0x38;
	[tilespmem:$0x10500] =	vst v63  }
0x1c: {  	_ = 	snop  }
0x1d: {  	[tilespmem:s12], [sflag:$0x2] =	stream.linear.gather [hbm4b:s5+s3], $0x4000, $0x38;
	[tilespmem:$0x10500] =	vst v63  }
0x1e: {  	_ = 	snop  }
0x1f: {  	[tilespmem:s13], [sflag:$0x3] =	stream.linear.gather [hbm4b:s6+s3], $0x4000, $0x38;
	[tilespmem:$0x10500] =	vst v63  }
0x20: {  	_ = 	snop  }
0x21: {  	[tilespmem:s14], [sflag:$0x4] =	stream.linear.gather [hbm4b:s7+s3], $0x4000, $0x38;
	[tilespmem:$0x10500] =	vst v63  }
0x22: {  	_ = 	snop  }
0x23: {  	[tilespmem:s3], [sflag:$0x5] =	stream.linear.gather [hbm4b:s1+s3], $0x100, $0x38;
	[tilespmem:$0x10500] =	vst v63  }
0x24: {  	_ =	swait.ge [sflag:s15], $0x100  }
0x25: {  	[sflag:s15] =	ssyncset.done $0x0  }
0x26: {  	[sflag:s15] =	ssyncadd.s32 $0xFFFFFF00  }
0x27: {  	v17 =	vld [tilespmem:$0x0]  }
0x28: {  	v18 =	vld [tilespmem:$0x10]  }
0x29: {  	v19 =	vld [tilespmem:$0x20]  }
0x2a: {  	v20 =	vld [tilespmem:$0x30]  }
0x2b: {  	v21 =	vld [tilespmem:$0x40]  }
0x2c: {  	v22 =	vld [tilespmem:$0x50]  }
0x2d: {  	v23 =	vld [tilespmem:$0x60]  }
0x2e: {  	v24 =	vld [tilespmem:$0x70]  }
0x2f: {  	v25 =	vld [tilespmem:$0x80]  }
0x30: {  	v26 =	vld [tilespmem:$0x90]  }
0x31: {  	v27 =	vld [tilespmem:$0xA0]  }
.Ltmp2:
0x32: {  	v28 =	vld [tilespmem:$0xB0];
	(pc) =	sbr.rel .LBB2_2-.Ltmp2, $4  }
0x33: {  	v29 =	vld [tilespmem:$0xC0]  }
0x34: {  	v30 =	vld [tilespmem:$0xD0]  }
0x35: {  	v33 =	vld [tilespmem:$0xE0]  }
0x36: {  	v32 =	vimm.f32 $-Inf;
	v31 =	vimm.s32 $0x0;
	s21 =	simm.s32 $0x0;
	v34 =	vld [tilespmem:$0xF0]  }
.LBB2_10:
0x37: {  	s22 =	simm.s32 $0x3  }
.LBB2_11:
0x38: {  	_ =	swait.ge [sflag:s22], $0x4000  }
0x39: {  	[sflag:s22] =	ssyncset.done $0x0  }
0x3a: {  	[sflag:s22] =	ssyncadd.s32 $0xFFFFC000  }
.LBB2_12:
0x3b: {  	s22 =	sshll.u32 s21, $0xC  }
0x3c: {  	s22 =	sand.u32 $0x3FFFF000, s22  }
0x3d: {  	v35 =	vld [tilespmem:s22+$0x100]  }
0x3e: {  	v36 =	vld [tilespmem:s22+$0x180]  }
0x3f: {  	v37 =	vld [tilespmem:s22+$0x200]  }
0x40: {  	v38 =	vld [tilespmem:s22+$0x280]  }
0x41: {  	v39 =	vld [tilespmem:s22+$0x300]  }
0x42: {  	v41 =	vld [tilespmem:s22+$0x380]  }
0x43: {  	v43 =	vld [tilespmem:s22+$0x400]  }
0x44: {  	v45 =	vld [tilespmem:s22+$0x480];
	v40 =	vmul.f32 v35, v17;
	v35 =	vmul.f32 v35, v35  }
0x45: {  	v47 =	vld [tilespmem:s22+$0x110];
	v42 =	vmul.f32 v36, v17;
	v36 =	vmul.f32 v36, v36  }
0x46: {  	v49 =	vld [tilespmem:s22+$0x190];
	v44 =	vmul.f32 v37, v17;
	v37 =	vmul.f32 v37, v37  }
0x47: {  	v51 =	vld [tilespmem:s22+$0x210];
	v46 =	vmul.f32 v38, v17;
	v38 =	vmul.f32 v38, v38  }
0x48: {  	v48 =	vmul.f32 v39, v17;
	v39 =	vmul.f32 v39, v39  }
0x49: {  	v54 =	vld [tilespmem:s22+$0x290];
	v50 =	vmul.f32 v41, v17;
	v52 =	vmul.f32 v43, v17  }
0x4a: {  	v53 =	vmul.f32 v45, v17;
	v55 =	vmul.f32 v47, v18  }
0x4b: {  	v56 =	vld [tilespmem:s22+$0x310];
	v47 =	vmul.f32 v47, v47;
	v57 =	vmul.f32 v49, v18  }
0x4c: {  	v49 =	vmul.f32 v49, v49;
	v61 =	vmul.f32 v51, v18  }
0x4d: {  	v62 =	vmul.f32 v51, v51;
	v40 =	vadd.f32 $0.0e+00, v40;
	v42 =	vadd.f32 $0.0e+00, v42  }
0x4e: {  	v63 =	vmul.f32 v54, v18;
	v44 =	vadd.f32 $0.0e+00, v44;
	v46 =	vadd.f32 $0.0e+00, v46  }
0x4f: {  	v58 =	vld [tilespmem:s22+$0x390];
	v54 =	vmul.f32 v54, v54;
	v48 =	vadd.f32 $0.0e+00, v48;
	v50 =	vadd.f32 $0.0e+00, v50  }
0x50: {  	v51 =	vld [tilespmem:s22+$0x410];
	v60 =	vmul.f32 v56, v18;
	v52 =	vadd.f32 $0.0e+00, v52;
	v53 =	vadd.f32 $0.0e+00, v53  }
0x51: {  	v56 =	vmul.f32 v56, v56;
	v35 =	vadd.f32 v47, v35;
	v36 =	vadd.f32 v49, v36  }
0x52: {  	v41 =	vmul.f32 v41, v41;
	v37 =	vadd.f32 v62, v37;
	v38 =	vadd.f32 v54, v38;
	v54 =	vld [tilespmem:s22+$0x1A0]  }
0x53: {  	v43 =	vmul.f32 v43, v43;
	v39 =	vadd.f32 v56, v39;
	v40 =	vadd.f32 v55, v40;
	v55 =	vld [tilespmem:s22+$0x490]  }
0x54: {  	v45 =	vmul.f32 v45, v45;
	v42 =	vadd.f32 v57, v42;
	v44 =	vadd.f32 v61, v44;
	v57 =	vld [tilespmem:s22+$0x120]  }
0x55: {  	v46 =	vadd.f32 v63, v46;
	v61 =	vmul.f32 v58, v18;
	v63 =	vmul.f32 v51, v18  }
0x56: {  	v62 =	vmul.f32 v58, v58;
	v48 =	vadd.f32 v60, v48;
	v58 =	vld [tilespmem:s22+$0x2A0];
	v51 =	vmul.f32 v51, v51  }
0x57: {  	v47 =	vadd.f32 v61, v50;
	v50 =	vadd.f32 v63, v52;
	v63 =	vmul.f32 v54, v19  }
0x58: {  	v56 =	vld [tilespmem:s22+$0x220];
	v41 =	vadd.f32 v62, v41;
	v60 =	vmul.f32 v55, v18;
	v55 =	vmul.f32 v55, v55  }
0x59: {  	v43 =	vadd.f32 v51, v43;
	v61 =	vmul.f32 v57, v19;
	v62 =	vmul.f32 v57, v57;
	v57 =	vld [tilespmem:s22+$0x420]  }
0x5a: {  	v54 =	vmul.f32 v54, v54;
	v42 =	vadd.f32 v63, v42;
	v49 =	vadd.f32 v60, v53;
	v53 =	vld [tilespmem:s22+$0x320]  }
0x5b: {  	v45 =	vadd.f32 v55, v45;
	v40 =	vadd.f32 v61, v40;
	v55 =	vld [tilespmem:s22+$0x3A0];
	v61 =	vmul.f32 v58, v19  }
0x5c: {  	v36 =	vadd.f32 v54, v36;
	v35 =	vadd.f32 v62, v35;
	v62 =	vmul.f32 v58, v58;
	v58 =	vld [tilespmem:s22+$0x1B0]  }
0x5d: {  	v60 =	vmul.f32 v56, v19;
	v56 =	vmul.f32 v56, v56;
	v46 =	vadd.f32 v61, v46  }
0x5e: {  	v54 =	vld [tilespmem:s22+$0x4A0];
	v38 =	vadd.f32 v62, v38;
	v61 =	vmul.f32 v57, v19;
	v62 =	vmul.f32 v57, v57  }
0x5f: {  	v37 =	vadd.f32 v56, v37;
	v56 =	vld [tilespmem:s22+$0x130];
	v63 =	vmul.f32 v53, v19;
	v53 =	vmul.f32 v53, v53  }
0x60: {  	v44 =	vadd.f32 v60, v44;
	v57 =	vld [tilespmem:s22+$0x330];
	v60 =	vmul.f32 v55, v19;
	v55 =	vmul.f32 v55, v55  }
0x61: {  	v50 =	vadd.f32 v61, v50;
	v43 =	vadd.f32 v62, v43;
	v61 =	vmul.f32 v58, v20  }
0x62: {  	v62 =	vmul.f32 v58, v58;
	v58 =	vld [tilespmem:s22+$0x4B0];
	v48 =	vadd.f32 v63, v48;
	v39 =	vadd.f32 v53, v39  }
0x63: {  	v47 =	vadd.f32 v60, v47;
	v53 =	vld [tilespmem:s22+$0x230];
	v63 =	vmul.f32 v54, v19;
	v54 =	vmul.f32 v54, v54  }
0x64: {  	v41 =	vadd.f32 v55, v41;
	v55 =	vld [tilespmem:s22+$0x2B0];
	v60 =	vmul.f32 v56, v20;
	v56 =	vmul.f32 v56, v56  }
0x65: {  	v42 =	vadd.f32 v61, v42;
	v36 =	vadd.f32 v62, v36;
	v61 =	vmul.f32 v57, v20  }
0x66: {  	v62 =	vmul.f32 v57, v57;
	v57 =	vld [tilespmem:s22+$0x240];
	v49 =	vadd.f32 v63, v49;
	v45 =	vadd.f32 v54, v45  }
0x67: {  	v35 =	vadd.f32 v56, v35;
	v54 =	vld [tilespmem:s22+$0x3B0];
	v48 =	vadd.f32 v61, v48;
	v61 =	vmul.f32 v58, v20  }
0x68: {  	v56 =	vld [tilespmem:s22+$0x430];
	v39 =	vadd.f32 v62, v39;
	v62 =	vmul.f32 v58, v58;
	v63 =	vmul.f32 v53, v20  }
0x69: {  	v40 =	vadd.f32 v60, v40;
	v53 =	vmul.f32 v53, v53;
	v60 =	vmul.f32 v55, v20  }
0x6a: {  	v58 =	vld [tilespmem:s22+$0x3C0];
	v55 =	vmul.f32 v55, v55;
	v49 =	vadd.f32 v61, v49;
	v45 =	vadd.f32 v62, v45  }
0x6b: {  	v61 =	vmul.f32 v57, v21;
	v62 =	vmul.f32 v57, v57;
	v57 =	vld [tilespmem:s22+$0x150];
	v44 =	vadd.f32 v63, v44  }
0x6c: {  	v37 =	vadd.f32 v53, v37;
	v53 =	vld [tilespmem:s22+$0x140];
	v63 =	vmul.f32 v54, v20;
	v54 =	vmul.f32 v54, v54  }
0x6d: {  	v46 =	vadd.f32 v60, v46;
	v38 =	vadd.f32 v55, v38;
	v60 =	vmul.f32 v56, v20  }
0x6e: {  	v55 =	vld [tilespmem:s22+$0x1C0];
	v56 =	vmul.f32 v56, v56;
	v47 =	vadd.f32 v63, v47;
	v41 =	vadd.f32 v54, v41  }
0x6f: {  	v50 =	vadd.f32 v60, v50;
	v54 =	vld [tilespmem:s22+$0x2C0];
	v44 =	vadd.f32 v61, v44;
	v61 =	vmul.f32 v58, v21  }
0x70: {  	v43 =	vadd.f32 v56, v43;
	v56 =	vld [tilespmem:s22+$0x340];
	v37 =	vadd.f32 v62, v37;
	v62 =	vmul.f32 v58, v58  }
0x71: {  	v47 =	vadd.f32 v61, v47;
	v61 =	vmul.f32 v57, v22;
	v63 =	vmul.f32 v53, v21  }
0x72: {  	v58 =	vld [tilespmem:s22+$0x2D0];
	v41 =	vadd.f32 v62, v41;
	v62 =	vmul.f32 v57, v57;
	v53 =	vmul.f32 v53, v53  }
0x73: {  	v57 =	vld [tilespmem:s22+$0x450];
	v60 =	vmul.f32 v55, v21;
	v55 =	vmul.f32 v55, v55;
	v40 =	vadd.f32 v63, v40  }
0x74: {  	v35 =	vadd.f32 v53, v35;
	v53 =	vld [tilespmem:s22+$0x440];
	v63 =	vmul.f32 v54, v21;
	v54 =	vmul.f32 v54, v54  }
0x75: {  	v42 =	vadd.f32 v60, v42;
	v36 =	vadd.f32 v55, v36;
	v60 =	vmul.f32 v56, v21  }
0x76: {  	v55 =	vld [tilespmem:s22+$0x4C0];
	v56 =	vmul.f32 v56, v56;
	v46 =	vadd.f32 v63, v46;
	v38 =	vadd.f32 v54, v38  }
0x77: {  	v48 =	vadd.f32 v60, v48;
	v54 =	vld [tilespmem:s22+$0x1D0];
	v40 =	vadd.f32 v61, v40;
	v61 =	vmul.f32 v58, v22  }
0x78: {  	v39 =	vadd.f32 v56, v39;
	v56 =	vld [tilespmem:s22+$0x250];
	v35 =	vadd.f32 v62, v35;
	v62 =	vmul.f32 v58, v58  }
0x79: {  	v46 =	vadd.f32 v61, v46;
	v61 =	vmul.f32 v57, v22;
	v63 =	vmul.f32 v53, v21  }
0x7a: {  	v58 =	vld [tilespmem:s22+$0x1E0];
	v38 =	vadd.f32 v62, v38;
	v62 =	vmul.f32 v57, v57;
	v53 =	vmul.f32 v53, v53  }
0x7b: {  	v57 =	vld [tilespmem:s22+$0x360];
	v60 =	vmul.f32 v55, v21;
	v55 =	vmul.f32 v55, v55;
	v50 =	vadd.f32 v63, v50  }
0x7c: {  	v43 =	vadd.f32 v53, v43;
	v53 =	vld [tilespmem:s22+$0x350];
	v63 =	vmul.f32 v54, v22;
	v54 =	vmul.f32 v54, v54  }
0x7d: {  	v49 =	vadd.f32 v60, v49;
	v45 =	vadd.f32 v55, v45;
	v60 =	vmul.f32 v56, v22  }
0x7e: {  	v55 =	vld [tilespmem:s22+$0x3D0];
	v56 =	vmul.f32 v56, v56;
	v42 =	vadd.f32 v63, v42;
	v36 =	vadd.f32 v54, v36  }
0x7f: {  	v44 =	vadd.f32 v60, v44;
	v54 =	vld [tilespmem:s22+$0x4D0];
	v50 =	vadd.f32 v61, v50;
	v61 =	vmul.f32 v58, v23  }
0x80: {  	v37 =	vadd.f32 v56, v37;
	v56 =	vld [tilespmem:s22+$0x160];
	v43 =	vadd.f32 v62, v43;
	v62 =	vmul.f32 v58, v58  }
0x81: {  	v42 =	vadd.f32 v61, v42;
	v61 =	vmul.f32 v57, v23;
	v63 =	vmul.f32 v53, v22  }
0x82: {  	v58 =	vld [tilespmem:s22+$0x4E0];
	v36 =	vadd.f32 v62, v36;
	v62 =	vmul.f32 v57, v57;
	v53 =	vmul.f32 v53, v53  }
0x83: {  	v57 =	vld [tilespmem:s22+$0x270];
	v60 =	vmul.f32 v55, v22;
	v55 =	vmul.f32 v55, v55;
	v48 =	vadd.f32 v63, v48  }
0x84: {  	v39 =	vadd.f32 v53, v39;
	v53 =	vld [tilespmem:s22+$0x260];
	v63 =	vmul.f32 v54, v22;
	v54 =	vmul.f32 v54, v54  }
0x85: {  	v47 =	vadd.f32 v60, v47;
	v41 =	vadd.f32 v55, v41;
	v60 =	vmul.f32 v56, v23  }
0x86: {  	v55 =	vld [tilespmem:s22+$0x2E0];
	v56 =	vmul.f32 v56, v56;
	v49 =	vadd.f32 v63, v49;
	v45 =	vadd.f32 v54, v45  }
0x87: {  	v40 =	vadd.f32 v60, v40;
	v54 =	vld [tilespmem:s22+$0x3E0];
	v48 =	vadd.f32 v61, v48;
	v61 =	vmul.f32 v58, v23  }
0x88: {  	v35 =	vadd.f32 v56, v35;
	v56 =	vld [tilespmem:s22+$0x460];
	v39 =	vadd.f32 v62, v39;
	v62 =	vmul.f32 v58, v58  }
0x89: {  	v49 =	vadd.f32 v61, v49;
	v61 =	vmul.f32 v57, v24;
	v63 =	vmul.f32 v53, v23  }
0x8a: {  	v58 =	vld [tilespmem:s22+$0x3F0];
	v45 =	vadd.f32 v62, v45;
	v62 =	vmul.f32 v57, v57;
	v53 =	vmul.f32 v53, v53  }
0x8b: {  	v57 =	vld [tilespmem:s22+$0x500];
	v60 =	vmul.f32 v55, v23;
	v55 =	vmul.f32 v55, v55;
	v44 =	vadd.f32 v63, v44  }
0x8c: {  	v37 =	vadd.f32 v53, v37;
	v53 =	vld [tilespmem:s22+$0x170];
	v63 =	vmul.f32 v54, v23;
	v54 =	vmul.f32 v54, v54  }
0x8d: {  	v46 =	vadd.f32 v60, v46;
	v38 =	vadd.f32 v55, v38;
	v60 =	vmul.f32 v56, v23  }
0x8e: {  	v55 =	vld [tilespmem:s22+$0x1F0];
	v56 =	vmul.f32 v56, v56;
	v47 =	vadd.f32 v63, v47;
	v41 =	vadd.f32 v54, v41  }
0x8f: {  	v50 =	vadd.f32 v60, v50;
	v54 =	vld [tilespmem:s22+$0x2F0];
	v44 =	vadd.f32 v61, v44;
	v61 =	vmul.f32 v58, v24  }
0x90: {  	v43 =	vadd.f32 v56, v43;
	v56 =	vld [tilespmem:s22+$0x370];
	v37 =	vadd.f32 v62, v37;
	v62 =	vmul.f32 v58, v58  }
0x91: {  	v47 =	vadd.f32 v61, v47;
	v61 =	vmul.f32 v57, v25;
	v63 =	vmul.f32 v53, v24  }
0x92: {  	v58 =	vld [tilespmem:s22+$0x680];
	v41 =	vadd.f32 v62, v41;
	v62 =	vmul.f32 v57, v57;
	v53 =	vmul.f32 v53, v53  }
0x93: {  	v57 =	vld [tilespmem:s22+$0x800];
	v60 =	vmul.f32 v55, v24;
	v55 =	vmul.f32 v55, v55;
	v40 =	vadd.f32 v63, v40  }
0x94: {  	v35 =	vadd.f32 v53, v35;
	v53 =	vld [tilespmem:s22+$0x470];
	v63 =	vmul.f32 v54, v24;
	v54 =	vmul.f32 v54, v54  }
0x95: {  	v42 =	vadd.f32 v60, v42;
	v36 =	vadd.f32 v55, v36;
	v60 =	vmul.f32 v56, v24  }
0x96: {  	v55 =	vld [tilespmem:s22+$0x4F0];
	v56 =	vmul.f32 v56, v56;
	v46 =	vadd.f32 v63, v46;
	v38 =	vadd.f32 v54, v38  }
0x97: {  	v48 =	vadd.f32 v60, v48;
	v54 =	vld [tilespmem:s22+$0x580];
	v40 =	vadd.f32 v61, v40;
	v61 =	vmul.f32 v58, v25  }
0x98: {  	v39 =	vadd.f32 v56, v39;
	v56 =	vld [tilespmem:s22+$0x600];
	v35 =	vadd.f32 v62, v35;
	v62 =	vmul.f32 v58, v58  }
0x99: {  	v46 =	vadd.f32 v61, v46;
	v61 =	vmul.f32 v57, v25;
	v63 =	vmul.f32 v53, v24  }
0x9a: {  	v58 =	vld [tilespmem:s22+$0x590];
	v38 =	vadd.f32 v62, v38;
	v62 =	vmul.f32 v57, v57;
	v53 =	vmul.f32 v53, v53  }
0x9b: {  	v57 =	vld [tilespmem:s22+$0x710];
	v60 =	vmul.f32 v55, v24;
	v55 =	vmul.f32 v55, v55;
	v50 =	vadd.f32 v63, v50  }
0x9c: {  	v43 =	vadd.f32 v53, v43;
	v53 =	vld [tilespmem:s22+$0x700];
	v63 =	vmul.f32 v54, v25;
	v54 =	vmul.f32 v54, v54  }
0x9d: {  	v49 =	vadd.f32 v60, v49;
	v45 =	vadd.f32 v55, v45;
	v60 =	vmul.f32 v56, v25  }
0x9e: {  	v55 =	vld [tilespmem:s22+$0x780];
	v56 =	vmul.f32 v56, v56;
	v42 =	vadd.f32 v63, v42;
	v36 =	vadd.f32 v54, v36  }
0x9f: {  	v44 =	vadd.f32 v60, v44;
	v54 =	vld [tilespmem:s22+$0x880];
	v50 =	vadd.f32 v61, v50;
	v61 =	vmul.f32 v58, v26  }
0xa0: {  	v37 =	vadd.f32 v56, v37;
	v56 =	vld [tilespmem:s22+$0x510];
	v43 =	vadd.f32 v62, v43;
	v62 =	vmul.f32 v58, v58  }
0xa1: {  	v42 =	vadd.f32 v61, v42;
	v61 =	vmul.f32 v57, v26;
	v63 =	vmul.f32 v53, v25  }
0xa2: {  	v58 =	vld [tilespmem:s22+$0x890];
	v36 =	vadd.f32 v62, v36;
	v62 =	vmul.f32 v57, v57;
	v53 =	vmul.f32 v53, v53  }
0xa3: {  	v57 =	vld [tilespmem:s22+$0x620];
	v60 =	vmul.f32 v55, v25;
	v55 =	vmul.f32 v55, v55;
	v48 =	vadd.f32 v63, v48  }
0xa4: {  	v39 =	vadd.f32 v53, v39;
	v53 =	vld [tilespmem:s22+$0x610];
	v63 =	vmul.f32 v54, v25;
	v54 =	vmul.f32 v54, v54  }
0xa5: {  	v47 =	vadd.f32 v60, v47;
	v41 =	vadd.f32 v55, v41;
	v60 =	vmul.f32 v56, v26  }
0xa6: {  	v55 =	vld [tilespmem:s22+$0x690];
	v56 =	vmul.f32 v56, v56;
	v49 =	vadd.f32 v63, v49;
	v45 =	vadd.f32 v54, v45  }
0xa7: {  	v40 =	vadd.f32 v60, v40;
	v54 =	vld [tilespmem:s22+$0x790];
	v48 =	vadd.f32 v61, v48;
	v61 =	vmul.f32 v58, v26  }
0xa8: {  	v35 =	vadd.f32 v56, v35;
	v56 =	vld [tilespmem:s22+$0x810];
	v39 =	vadd.f32 v62, v39;
	v62 =	vmul.f32 v58, v58  }
0xa9: {  	v49 =	vadd.f32 v61, v49;
	v61 =	vmul.f32 v57, v27;
	v63 =	vmul.f32 v53, v26  }
0xaa: {  	v58 =	vld [tilespmem:s22+$0x7A0];
	v45 =	vadd.f32 v62, v45;
	v62 =	vmul.f32 v57, v57;
	v53 =	vmul.f32 v53, v53  }
0xab: {  	v57 =	vld [tilespmem:s22+$0x530];
	v60 =	vmul.f32 v55, v26;
	v55 =	vmul.f32 v55, v55;
	v44 =	vadd.f32 v63, v44  }
0xac: {  	v37 =	vadd.f32 v53, v37;
	v53 =	vld [tilespmem:s22+$0x520];
	v63 =	vmul.f32 v54, v26;
	v54 =	vmul.f32 v54, v54  }
0xad: {  	v46 =	vadd.f32 v60, v46;
	v38 =	vadd.f32 v55, v38;
	v60 =	vmul.f32 v56, v26  }
0xae: {  	v55 =	vld [tilespmem:s22+$0x5A0];
	v56 =	vmul.f32 v56, v56;
	v47 =	vadd.f32 v63, v47;
	v41 =	vadd.f32 v54, v41  }
0xaf: {  	v50 =	vadd.f32 v60, v50;
	v54 =	vld [tilespmem:s22+$0x6A0];
	v44 =	vadd.f32 v61, v44;
	v61 =	vmul.f32 v58, v27  }
0xb0: {  	v43 =	vadd.f32 v56, v43;
	v56 =	vld [tilespmem:s22+$0x720];
	v37 =	vadd.f32 v62, v37;
	v62 =	vmul.f32 v58, v58  }
0xb1: {  	v47 =	vadd.f32 v61, v47;
	v61 =	vmul.f32 v57, v28;
	v63 =	vmul.f32 v53, v27  }
0xb2: {  	v58 =	vld [tilespmem:s22+$0x6B0];
	v41 =	vadd.f32 v62, v41;
	v62 =	vmul.f32 v57, v57;
	v53 =	vmul.f32 v53, v53  }
0xb3: {  	v57 =	vld [tilespmem:s22+$0x830];
	v60 =	vmul.f32 v55, v27;
	v55 =	vmul.f32 v55, v55;
	v40 =	vadd.f32 v63, v40  }
0xb4: {  	v35 =	vadd.f32 v53, v35;
	v53 =	vld [tilespmem:s22+$0x820];
	v63 =	vmul.f32 v54, v27;
	v54 =	vmul.f32 v54, v54  }
0xb5: {  	v42 =	vadd.f32 v60, v42;
	v36 =	vadd.f32 v55, v36;
	v60 =	vmul.f32 v56, v27  }
0xb6: {  	v55 =	vld [tilespmem:s22+$0x8A0];
	v56 =	vmul.f32 v56, v56;
	v46 =	vadd.f32 v63, v46;
	v38 =	vadd.f32 v54, v38  }
0xb7: {  	v48 =	vadd.f32 v60, v48;
	v54 =	vld [tilespmem:s22+$0x5B0];
	v40 =	vadd.f32 v61, v40;
	v61 =	vmul.f32 v58, v28  }
0xb8: {  	v39 =	vadd.f32 v56, v39;
	v56 =	vld [tilespmem:s22+$0x630];
	v35 =	vadd.f32 v62, v35;
	v62 =	vmul.f32 v58, v58  }
0xb9: {  	v46 =	vadd.f32 v61, v46;
	v61 =	vmul.f32 v57, v28;
	v63 =	vmul.f32 v53, v27  }
0xba: {  	v58 =	vld [tilespmem:s22+$0x5C0];
	v38 =	vadd.f32 v62, v38;
	v62 =	vmul.f32 v57, v57;
	v53 =	vmul.f32 v53, v53  }
0xbb: {  	v57 =	vld [tilespmem:s22+$0x740];
	v60 =	vmul.f32 v55, v27;
	v55 =	vmul.f32 v55, v55;
	v50 =	vadd.f32 v63, v50  }
0xbc: {  	v43 =	vadd.f32 v53, v43;
	v53 =	vld [tilespmem:s22+$0x730];
	v63 =	vmul.f32 v54, v28;
	v54 =	vmul.f32 v54, v54  }
0xbd: {  	v49 =	vadd.f32 v60, v49;
	v45 =	vadd.f32 v55, v45;
	v60 =	vmul.f32 v56, v28  }
0xbe: {  	v55 =	vld [tilespmem:s22+$0x7B0];
	v56 =	vmul.f32 v56, v56;
	v42 =	vadd.f32 v63, v42;
	v36 =	vadd.f32 v54, v36  }
0xbf: {  	v44 =	vadd.f32 v60, v44;
	v54 =	vld [tilespmem:s22+$0x8B0];
	v50 =	vadd.f32 v61, v50;
	v61 =	vmul.f32 v58, v29  }
0xc0: {  	v37 =	vadd.f32 v56, v37;
	v56 =	vld [tilespmem:s22+$0x540];
	v43 =	vadd.f32 v62, v43;
	v62 =	vmul.f32 v58, v58  }
0xc1: {  	v42 =	vadd.f32 v61, v42;
	v61 =	vmul.f32 v57, v29;
	v63 =	vmul.f32 v53, v28  }
0xc2: {  	v58 =	vld [tilespmem:s22+$0x8C0];
	v36 =	vadd.f32 v62, v36;
	v62 =	vmul.f32 v57, v57;
	v53 =	vmul.f32 v53, v53  }
0xc3: {  	v60 =	vmul.f32 v55, v28;
	v55 =	vmul.f32 v55, v55;
	v48 =	vadd.f32 v63, v48  }
0xc4: {  	v39 =	vadd.f32 v53, v39;
	v53 =	vld [tilespmem:s22+$0x640];
	v63 =	vmul.f32 v54, v28;
	v54 =	vmul.f32 v54, v54  }
0xc5: {  	v47 =	vadd.f32 v60, v47;
	v41 =	vadd.f32 v55, v41;
	v55 =	vld [tilespmem:s22+$0x6C0];
	v60 =	vmul.f32 v56, v29  }
0xc6: {  	v57 =	vld [tilespmem:s22+$0x650];
	v56 =	vmul.f32 v56, v56;
	v49 =	vadd.f32 v63, v49;
	v45 =	vadd.f32 v54, v45  }
0xc7: {  	v40 =	vadd.f32 v60, v40;
	v54 =	vld [tilespmem:s22+$0x7C0];
	v48 =	vadd.f32 v61, v48;
	v61 =	vmul.f32 v58, v29  }
0xc8: {  	v35 =	vadd.f32 v56, v35;
	v56 =	vld [tilespmem:s22+$0x840];
	v39 =	vadd.f32 v62, v39;
	v62 =	vmul.f32 v58, v58  }
0xc9: {  	v49 =	vadd.f32 v61, v49;
	v63 =	vmul.f32 v53, v29;
	v53 =	vmul.f32 v53, v53  }
0xca: {  	v58 =	vld [tilespmem:s22+$0x7D0];
	v45 =	vadd.f32 v62, v45;
	v60 =	vmul.f32 v55, v29;
	v55 =	vmul.f32 v55, v55  }
0xcb: {  	v61 =	vmul.f32 v57, v30;
	v44 =	vadd.f32 v63, v44;
	v37 =	vadd.f32 v53, v37;
	v53 =	vld [tilespmem:s22+$0x550]  }
0xcc: {  	v38 =	vadd.f32 v55, v38;
	v63 =	vmul.f32 v54, v29;
	v54 =	vmul.f32 v54, v54;
	v55 =	vld [tilespmem:s22+$0x5D0]  }
0xcd: {  	v46 =	vadd.f32 v60, v46;
	v60 =	vmul.f32 v56, v29;
	v56 =	vmul.f32 v56, v56  }
0xce: {  	v62 =	vmul.f32 v57, v57;
	v47 =	vadd.f32 v63, v47;
	v41 =	vadd.f32 v54, v41;
	v54 =	vld [tilespmem:s22+$0x6D0]  }
0xcf: {  	v43 =	vadd.f32 v56, v43;
	v56 =	vld [tilespmem:s22+$0x750];
	v44 =	vadd.f32 v61, v44;
	v61 =	vmul.f32 v58, v30  }
0xd0: {  	v37 =	vadd.f32 v62, v37;
	v62 =	vmul.f32 v58, v58;
	v63 =	vmul.f32 v53, v30  }
0xd1: {  	v57 =	vld [tilespmem:s22+$0x560];
	v50 =	vadd.f32 v60, v50;
	v53 =	vmul.f32 v53, v53;
	v60 =	vmul.f32 v55, v30  }
0xd2: {  	v59 =	vld [tilespmem:s22+$0x5E0];
	v47 =	vadd.f32 v61, v47;
	v55 =	vmul.f32 v55, v55;
	v40 =	vadd.f32 v63, v40  }
0xd3: {  	v35 =	vadd.f32 v53, v35;
	v53 =	vld [tilespmem:s22+$0x850];
	v42 =	vadd.f32 v60, v42;
	v63 =	vmul.f32 v54, v30  }
0xd4: {  	v36 =	vadd.f32 v55, v36;
	v55 =	vld [tilespmem:s22+$0x8D0];
	v54 =	vmul.f32 v54, v54;
	v60 =	vmul.f32 v56, v30  }
0xd5: {  	v41 =	vadd.f32 v62, v41;
	v56 =	vmul.f32 v56, v56;
	v46 =	vadd.f32 v63, v46  }
0xd6: {  	v58 =	vld [tilespmem:s22+$0x760];
	v61 =	vmul.f32 v57, v57;
	v38 =	vadd.f32 v54, v38;
	v48 =	vadd.f32 v60, v48  }
0xd7: {  	v54 =	vld [tilespmem:s22+$0x660];
	v39 =	vadd.f32 v56, v39;
	v63 =	vmul.f32 v57, v33;
	v57 =	vmul.f32 v59, v59  }
0xd8: {  	v56 =	vld [tilespmem:s22+$0x6E0];
	v35 =	vadd.f32 v61, v35;
	v51 =	vmul.f32 v53, v30;
	v53 =	vmul.f32 v53, v53  }
0xd9: {  	v60 =	vld [tilespmem:s22+$0x7E0];
	v40 =	vadd.f32 v63, v40;
	v52 =	vmul.f32 v55, v30;
	v55 =	vmul.f32 v55, v55  }
0xda: {  	v61 =	vld [tilespmem:s22+$0x5F0];
	v36 =	vadd.f32 v57, v36;
	v50 =	vadd.f32 v51, v50  }
0xdb: {  	v43 =	vadd.f32 v53, v43;
	v45 =	vadd.f32 v55, v45;
	v55 =	vld [tilespmem:s22+$0x570];
	v51 =	vmul.f32 v59, v33  }
0xdc: {  	v57 =	vld [tilespmem:s22+$0x670];
	v49 =	vadd.f32 v52, v49;
	v52 =	vmul.f32 v54, v33;
	v54 =	vmul.f32 v54, v54  }
0xdd: {  	v53 =	vld [tilespmem:s22+$0x860];
	v62 =	vmul.f32 v56, v33;
	v42 =	vadd.f32 v51, v42;
	v51 =	vmul.f32 v58, v33  }
0xde: {  	v59 =	vld [tilespmem:s22+$0x8E0];
	v44 =	vadd.f32 v52, v44;
	v37 =	vadd.f32 v54, v37;
	v52 =	vmul.f32 v56, v56  }
0xdf: {  	v54 =	vld [tilespmem:s22+$0x6F0];
	v46 =	vadd.f32 v62, v46;
	v48 =	vadd.f32 v51, v48;
	v51 =	vmul.f32 v61, v34  }
0xe0: {  	v62 =	vld [tilespmem:s22+$0x770];
	v38 =	vadd.f32 v52, v38;
	v52 =	vmul.f32 v61, v61;
	v56 =	vmul.f32 v55, v34  }
0xe1: {  	v63 =	vmul.f32 v58, v58;
	v58 =	vld [tilespmem:s22+$0x7F0];
	v55 =	vmul.f32 v55, v55;
	v42 =	vadd.f32 v51, v42  }
0xe2: {  	v36 =	vadd.f32 v52, v36;
	v40 =	vadd.f32 v56, v40;
	v56 =	vld [tilespmem:s22+$0x870]  }
0xe3: {  	v51 =	vmul.f32 v57, v34;
	v57 =	vmul.f32 v57, v57;
	v35 =	vadd.f32 v55, v35;
	v55 =	vld [tilespmem:s22+$0x8F0];
	[tilespmem:$0x10111] =	vst v42  }
0xe4: {  	v39 =	vadd.f32 v63, v39;
	v63 =	vmul.f32 v60, v60;
	v61 =	vmul.f32 v60, v33;
	[tilespmem:$0x10291] =	vst v36  }
0xe5: {  	v60 =	vmul.f32 v54, v34;
	v44 =	vadd.f32 v51, v44;
	v37 =	vadd.f32 v57, v37;
	[tilespmem:$0x10100] =	vst v40  }
0xe6: {  	v52 =	vmul.f32 v62, v34;
	[tilespmem:$0x10280] =	vst v35;
	v35 =	vadd.f32 v61, v47;
	v40 =	vadd.f32 v63, v41  }
0xe7: {  	v61 =	vmul.f32 v54, v54;
	v63 =	vmul.f32 v53, v33;
	v51 =	vadd.f32 v60, v46;
	[tilespmem:$0x10122] =	vst v44  }
0xe8: {  	v53 =	vmul.f32 v53, v53;
	v54 =	vmul.f32 v62, v62;
	v57 =	vadd.f32 v52, v48;
	[tilespmem:$0x102A2] =	vst v37  }
0xe9: {  	v60 =	vmul.f32 v58, v34;
	v62 =	vmul.f32 v58, v58;
	v38 =	vadd.f32 v61, v38;
	[tilespmem:$0x10133] =	vst v51  }
0xea: {  	v47 =	vmul.f32 v59, v59;
	v36 =	vadd.f32 v63, v50;
	v39 =	vadd.f32 v54, v39;
	[tilespmem:$0x10144] =	vst v57  }
0xeb: {  	v61 =	vadd.f32 v53, v43;
	v35 =	vadd.f32 v60, v35;
	v46 =	vmul.f32 v56, v34;
	[tilespmem:$0x102B3] =	vst v38  }
0xec: {  	v63 =	vmul.f32 v59, v33;
	v40 =	vadd.f32 v62, v40;
	v48 =	vmul.f32 v56, v56;
	[tilespmem:$0x102C4] =	vst v39  }
0xed: {  	v51 =	vadd.f32 v47, v45;
	v53 =	vmul.f32 v55, v55;
	[tilespmem:$0x10155] =	vst v35;
	v36 =	vadd.f32 v46, v36  }
0xee: {  	v50 =	vmul.f32 v55, v34;
	v38 =	vadd.f32 v63, v49;
	[tilespmem:$0x102D5] =	vst v40;
	v52 =	vadd.f32 v48, v61  }
0xef: {  	v35 =	vadd.f32 v53, v51;
	[tilespmem:$0x10166] =	vst v36  }
0xf0: {  	v38 =	vadd.f32 v50, v38;
	[tilespmem:$0x102E6] =	vst v52  }
0xf1: {  	[tilespmem:$0x102F7] =	vst v35  }
0xf2: {  	[tilespmem:$0x10177] =	vst v38  }
0xf3: {  	v35 =	vld [tilespmem:s22+$0x900]  }
0xf4: {  	v36 =	vld [tilespmem:s22+$0x980]  }
0xf5: {  	v37 =	vld [tilespmem:s22+$0xA00]  }
0xf6: {  	v38 =	vld [tilespmem:s22+$0xA80]  }
0xf7: {  	v54 =	vld [tilespmem:s22+$0xB00]  }
0xf8: {  	v61 =	vld [tilespmem:s22+$0xB80]  }
0xf9: {  	v63 =	vld [tilespmem:s22+$0xC00];
	v60 =	vmul.f32 v35, v17  }
0xfa: {  	v56 =	vld [tilespmem:s22+$0xC80];
	v35 =	vmul.f32 v35, v35;
	v62 =	vmul.f32 v36, v17  }
0xfb: {  	v58 =	vld [tilespmem:s22+$0x910];
	v36 =	vmul.f32 v36, v36;
	v55 =	vmul.f32 v37, v17  }
0xfc: {  	v37 =	vmul.f32 v37, v37;
	v57 =	vmul.f32 v38, v17  }
0xfd: {  	v38 =	vmul.f32 v38, v38;
	v59 =	vmul.f32 v54, v17  }
0xfe: {  	v39 =	vmul.f32 v54, v54;
	v41 =	vmul.f32 v61, v61  }
0xff: {  	v49 =	vld [tilespmem:s22+$0x990];
	v43 =	vmul.f32 v63, v63;
	v45 =	vmul.f32 v56, v56;
	v40 =	vadd.f32 $0.0e+00, v60  }
0x100: {  	v51 =	vld [tilespmem:s22+$0xA10];
	v47 =	vmul.f32 v58, v58;
	v42 =	vadd.f32 $0.0e+00, v62;
	v44 =	vadd.f32 $0.0e+00, v55  }
0x101: {  	v54 =	vld [tilespmem:s22+$0xA90];
	v46 =	vadd.f32 $0.0e+00, v57;
	v60 =	vmul.f32 v61, v17;
	v61 =	vmul.f32 v63, v17  }
0x102: {  	v48 =	vadd.f32 $0.0e+00, v59;
	v62 =	vmul.f32 v56, v17;
	v35 =	vadd.f32 v47, v35  }
0x103: {  	v63 =	vmul.f32 v58, v18;
	v56 =	vld [tilespmem:s22+$0xB10];
	v50 =	vadd.f32 $0.0e+00, v60;
	v52 =	vadd.f32 $0.0e+00, v61  }
0x104: {  	v58 =	vld [tilespmem:s22+$0xB90];
	v53 =	vadd.f32 $0.0e+00, v62;
	v60 =	vmul.f32 v49, v18;
	v49 =	vmul.f32 v49, v49  }
0x105: {  	v40 =	vadd.f32 v63, v40;
	v61 =	vmul.f32 v51, v18;
	v62 =	vmul.f32 v51, v51;
	v51 =	vld [tilespmem:s22+$0xC10]  }
0x106: {  	v55 =	vld [tilespmem:s22+$0xC90];
	v63 =	vmul.f32 v54, v18;
	v42 =	vadd.f32 v60, v42;
	v36 =	vadd.f32 v49, v36  }
0x107: {  	v57 =	vld [tilespmem:s22+$0x920];
	v54 =	vmul.f32 v54, v54;
	v44 =	vadd.f32 v61, v44;
	v37 =	vadd.f32 v62, v37  }
0x108: {  	v60 =	vmul.f32 v56, v18;
	v56 =	vmul.f32 v56, v56;
	v46 =	vadd.f32 v63, v46  }
0x109: {  	v38 =	vadd.f32 v54, v38;
	v61 =	vmul.f32 v58, v18;
	v62 =	vmul.f32 v58, v58;
	v54 =	vld [tilespmem:s22+$0x9A0]  }
0x10a: {  	v58 =	vld [tilespmem:s22+$0xAA0];
	v48 =	vadd.f32 v60, v48;
	v39 =	vadd.f32 v56, v39;
	v63 =	vmul.f32 v51, v18  }
0x10b: {  	v47 =	vadd.f32 v61, v50;
	v51 =	vmul.f32 v51, v51;
	v56 =	vld [tilespmem:s22+$0xA20];
	v60 =	vmul.f32 v55, v18  }
0x10c: {  	v41 =	vadd.f32 v62, v41;
	v55 =	vmul.f32 v55, v55;
	v61 =	vmul.f32 v57, v19  }
0x10d: {  	v62 =	vmul.f32 v57, v57;
	v57 =	vld [tilespmem:s22+$0xC20];
	v50 =	vadd.f32 v63, v52;
	v43 =	vadd.f32 v51, v43  }
0x10e: {  	v49 =	vadd.f32 v60, v53;
	v45 =	vadd.f32 v55, v45;
	v53 =	vld [tilespmem:s22+$0xB20];
	v63 =	vmul.f32 v54, v19  }
0x10f: {  	v40 =	vadd.f32 v61, v40;
	v55 =	vld [tilespmem:s22+$0xBA0];
	v54 =	vmul.f32 v54, v54;
	v61 =	vmul.f32 v58, v19  }
0x110: {  	v35 =	vadd.f32 v62, v35;
	v62 =	vmul.f32 v58, v58;
	v60 =	vmul.f32 v56, v19  }
0x111: {  	v58 =	vld [tilespmem:s22+$0x9B0];
	v56 =	vmul.f32 v56, v56;
	v42 =	vadd.f32 v63, v42;
	v36 =	vadd.f32 v54, v36  }
0x112: {  	v46 =	vadd.f32 v61, v46;
	v38 =	vadd.f32 v62, v38;
	v61 =	vmul.f32 v57, v19  }
0x113: {  	v54 =	vld [tilespmem:s22+$0xCA0];
	v62 =	vmul.f32 v57, v57;
	v44 =	vadd.f32 v60, v44;
	v63 =	vmul.f32 v53, v19  }
0x114: {  	v57 =	vld [tilespmem:s22+$0xB30];
	v37 =	vadd.f32 v56, v37;
	v53 =	vmul.f32 v53, v53;
	v60 =	vmul.f32 v55, v19  }
0x115: {  	v56 =	vld [tilespmem:s22+$0x930];
	v55 =	vmul.f32 v55, v55;
	v50 =	vadd.f32 v61, v50;
	v43 =	vadd.f32 v62, v43  }
0x116: {  	v61 =	vmul.f32 v58, v20;
	v48 =	vadd.f32 v63, v48;
	v39 =	vadd.f32 v53, v39  }
0x117: {  	v62 =	vmul.f32 v58, v58;
	v58 =	vld [tilespmem:s22+$0xCB0];
	v47 =	vadd.f32 v60, v47;
	v41 =	vadd.f32 v55, v41  }
0x118: {  	v53 =	vld [tilespmem:s22+$0xA30];
	v63 =	vmul.f32 v54, v19;
	v54 =	vmul.f32 v54, v54;
	v42 =	vadd.f32 v61, v42  }
0x119: {  	v55 =	vld [tilespmem:s22+$0xAB0];
	v36 =	vadd.f32 v62, v36;
	v61 =	vmul.f32 v57, v20;
	v62 =	vmul.f32 v57, v57  }
0x11a: {  	v57 =	vld [tilespmem:s22+$0xA40];
	v60 =	vmul.f32 v56, v20;
	v49 =	vadd.f32 v63, v49;
	v45 =	vadd.f32 v54, v45  }
0x11b: {  	v56 =	vmul.f32 v56, v56;
	v48 =	vadd.f32 v61, v48;
	v39 =	vadd.f32 v62, v39  }
0x11c: {  	v54 =	vld [tilespmem:s22+$0xBB0];
	v61 =	vmul.f32 v58, v20;
	v62 =	vmul.f32 v58, v58;
	v40 =	vadd.f32 v60, v40  }
0x11d: {  	v35 =	vadd.f32 v56, v35;
	v63 =	vmul.f32 v53, v20;
	v53 =	vmul.f32 v53, v53;
	v56 =	vld [tilespmem:s22+$0xC30]  }
0x11e: {  	v58 =	vld [tilespmem:s22+$0xBC0];
	v60 =	vmul.f32 v55, v20;
	v55 =	vmul.f32 v55, v55;
	v49 =	vadd.f32 v61, v49  }
0x11f: {  	v45 =	vadd.f32 v62, v45;
	v61 =	vmul.f32 v57, v21;
	v44 =	vadd.f32 v63, v44  }
0x120: {  	v62 =	vmul.f32 v57, v57;
	v37 =	vadd.f32 v53, v37;
	v46 =	vadd.f32 v60, v46;
	v53 =	vld [tilespmem:s22+$0x940]  }
0x121: {  	v38 =	vadd.f32 v55, v38;
	v55 =	vld [tilespmem:s22+$0x9C0];
	v63 =	vmul.f32 v54, v20;
	v54 =	vmul.f32 v54, v54  }
0x122: {  	v57 =	vld [tilespmem:s22+$0x950];
	v44 =	vadd.f32 v61, v44;
	v37 =	vadd.f32 v62, v37;
	v60 =	vmul.f32 v56, v20  }
0x123: {  	v61 =	vmul.f32 v58, v21;
	v56 =	vmul.f32 v56, v56;
	v47 =	vadd.f32 v63, v47  }
0x124: {  	v62 =	vmul.f32 v58, v58;
	v41 =	vadd.f32 v54, v41;
	v54 =	vld [tilespmem:s22+$0xAC0];
	v50 =	vadd.f32 v60, v50  }
0x125: {  	v43 =	vadd.f32 v56, v43;
	v63 =	vmul.f32 v53, v21;
	v53 =	vmul.f32 v53, v53;
	v56 =	vld [tilespmem:s22+$0xB40]  }
0x126: {  	v58 =	vld [tilespmem:s22+$0xAD0];
	v60 =	vmul.f32 v55, v21;
	v55 =	vmul.f32 v55, v55;
	v47 =	vadd.f32 v61, v47  }
0x127: {  	v41 =	vadd.f32 v62, v41;
	v61 =	vmul.f32 v57, v22;
	v40 =	vadd.f32 v63, v40  }
0x128: {  	v62 =	vmul.f32 v57, v57;
	v35 =	vadd.f32 v53, v35;
	v42 =	vadd.f32 v60, v42;
	v53 =	vld [tilespmem:s22+$0xC40]  }
0x129: {  	v36 =	vadd.f32 v55, v36;
	v55 =	vld [tilespmem:s22+$0xCC0];
	v63 =	vmul.f32 v54, v21;
	v54 =	vmul.f32 v54, v54  }
0x12a: {  	v57 =	vld [tilespmem:s22+$0xC50];
	v40 =	vadd.f32 v61, v40;
	v35 =	vadd.f32 v62, v35;
	v60 =	vmul.f32 v56, v21  }
0x12b: {  	v61 =	vmul.f32 v58, v22;
	v56 =	vmul.f32 v56, v56;
	v46 =	vadd.f32 v63, v46  }
0x12c: {  	v62 =	vmul.f32 v58, v58;
	v38 =	vadd.f32 v54, v38;
	v54 =	vld [tilespmem:s22+$0x9D0];
	v48 =	vadd.f32 v60, v48  }
0x12d: {  	v39 =	vadd.f32 v56, v39;
	v63 =	vmul.f32 v53, v21;
	v53 =	vmul.f32 v53, v53;
	v56 =	vld [tilespmem:s22+$0xA50]  }
0x12e: {  	v58 =	vld [tilespmem:s22+$0x9E0];
	v60 =	vmul.f32 v55, v21;
	v55 =	vmul.f32 v55, v55;
	v46 =	vadd.f32 v61, v46  }
0x12f: {  	v38 =	vadd.f32 v62, v38;
	v61 =	vmul.f32 v57, v22;
	v50 =	vadd.f32 v63, v50  }
0x130: {  	v62 =	vmul.f32 v57, v57;
	v43 =	vadd.f32 v53, v43;
	v49 =	vadd.f32 v60, v49;
	v53 =	vld [tilespmem:s22+$0xB50]  }
0x131: {  	v45 =	vadd.f32 v55, v45;
	v55 =	vld [tilespmem:s22+$0xBD0];
	v63 =	vmul.f32 v54, v22;
	v54 =	vmul.f32 v54, v54  }
0x132: {  	v57 =	vld [tilespmem:s22+$0xB60];
	v50 =	vadd.f32 v61, v50;
	v43 =	vadd.f32 v62, v43;
	v60 =	vmul.f32 v56, v22  }
0x133: {  	v61 =	vmul.f32 v58, v23;
	v56 =	vmul.f32 v56, v56;
	v42 =	vadd.f32 v63, v42  }
0x134: {  	v62 =	vmul.f32 v58, v58;
	v36 =	vadd.f32 v54, v36;
	v54 =	vld [tilespmem:s22+$0xCD0];
	v44 =	vadd.f32 v60, v44  }
0x135: {  	v37 =	vadd.f32 v56, v37;
	v63 =	vmul.f32 v53, v22;
	v53 =	vmul.f32 v53, v53;
	v56 =	vld [tilespmem:s22+$0x960]  }
0x136: {  	v58 =	vld [tilespmem:s22+$0xCE0];
	v60 =	vmul.f32 v55, v22;
	v55 =	vmul.f32 v55, v55;
	v42 =	vadd.f32 v61, v42  }
0x137: {  	v36 =	vadd.f32 v62, v36;
	v61 =	vmul.f32 v57, v23;
	v48 =	vadd.f32 v63, v48  }
0x138: {  	v62 =	vmul.f32 v57, v57;
	v39 =	vadd.f32 v53, v39;
	v47 =	vadd.f32 v60, v47;
	v53 =	vld [tilespmem:s22+$0xA60]  }
0x139: {  	v41 =	vadd.f32 v55, v41;
	v55 =	vld [tilespmem:s22+$0xAE0];
	v63 =	vmul.f32 v54, v22;
	v54 =	vmul.f32 v54, v54  }
0x13a: {  	v57 =	vld [tilespmem:s22+$0xA70];
	v48 =	vadd.f32 v61, v48;
	v39 =	vadd.f32 v62, v39;
	v60 =	vmul.f32 v56, v23  }
0x13b: {  	v61 =	vmul.f32 v58, v23;
	v56 =	vmul.f32 v56, v56;
	v49 =	vadd.f32 v63, v49  }
0x13c: {  	v62 =	vmul.f32 v58, v58;
	v45 =	vadd.f32 v54, v45;
	v54 =	vld [tilespmem:s22+$0xBE0];
	v40 =	vadd.f32 v60, v40  }
0x13d: {  	v35 =	vadd.f32 v56, v35;
	v63 =	vmul.f32 v53, v23;
	v53 =	vmul.f32 v53, v53;
	v56 =	vld [tilespmem:s22+$0xC60]  }
0x13e: {  	v58 =	vld [tilespmem:s22+$0xBF0];
	v60 =	vmul.f32 v55, v23;
	v55 =	vmul.f32 v55, v55;
	v49 =	vadd.f32 v61, v49  }
0x13f: {  	v45 =	vadd.f32 v62, v45;
	v61 =	vmul.f32 v57, v24;
	v44 =	vadd.f32 v63, v44  }
0x140: {  	v62 =	vmul.f32 v57, v57;
	v37 =	vadd.f32 v53, v37;
	v46 =	vadd.f32 v60, v46;
	v53 =	vld [tilespmem:s22+$0x970]  }
0x141: {  	v38 =	vadd.f32 v55, v38;
	v55 =	vld [tilespmem:s22+$0x9F0];
	v63 =	vmul.f32 v54, v23;
	v54 =	vmul.f32 v54, v54  }
0x142: {  	v57 =	vld [tilespmem:s22+$0xD00];
	v44 =	vadd.f32 v61, v44;
	v37 =	vadd.f32 v62, v37;
	v60 =	vmul.f32 v56, v23  }
0x143: {  	v61 =	vmul.f32 v58, v24;
	v56 =	vmul.f32 v56, v56;
	v47 =	vadd.f32 v63, v47  }
0x144: {  	v62 =	vmul.f32 v58, v58;
	v41 =	vadd.f32 v54, v41;
	v54 =	vld [tilespmem:s22+$0xAF0];
	v50 =	vadd.f32 v60, v50  }
0x145: {  	v43 =	vadd.f32 v56, v43;
	v63 =	vmul.f32 v53, v24;
	v53 =	vmul.f32 v53, v53;
	v56 =	vld [tilespmem:s22+$0xB70]  }
0x146: {  	v58 =	vld [tilespmem:s22+$0xE80];
	v60 =	vmul.f32 v55, v24;
	v55 =	vmul.f32 v55, v55;
	v47 =	vadd.f32 v61, v47  }
0x147: {  	v41 =	vadd.f32 v62, v41;
	v61 =	vmul.f32 v57, v25;
	v40 =	vadd.f32 v63, v40  }
0x148: {  	v62 =	vmul.f32 v57, v57;
	v35 =	vadd.f32 v53, v35;
	v42 =	vadd.f32 v60, v42;
	v53 =	vld [tilespmem:s22+$0xC70]  }
0x149: {  	v36 =	vadd.f32 v55, v36;
	v55 =	vld [tilespmem:s22+$0xCF0];
	v63 =	vmul.f32 v54, v24;
	v54 =	vmul.f32 v54, v54  }
0x14a: {  	v57 =	vld [tilespmem:s22+$0x1000];
	v40 =	vadd.f32 v61, v40;
	v35 =	vadd.f32 v62, v35;
	v60 =	vmul.f32 v56, v24  }
0x14b: {  	v61 =	vmul.f32 v58, v25;
	v56 =	vmul.f32 v56, v56;
	v46 =	vadd.f32 v63, v46  }
0x14c: {  	v62 =	vmul.f32 v58, v58;
	v38 =	vadd.f32 v54, v38;
	v54 =	vld [tilespmem:s22+$0xD80];
	v48 =	vadd.f32 v60, v48  }
0x14d: {  	v39 =	vadd.f32 v56, v39;
	v63 =	vmul.f32 v53, v24;
	v53 =	vmul.f32 v53, v53;
	v56 =	vld [tilespmem:s22+$0xE00]  }
0x14e: {  	v58 =	vld [tilespmem:s22+$0xD90];
	v60 =	vmul.f32 v55, v24;
	v55 =	vmul.f32 v55, v55;
	v46 =	vadd.f32 v61, v46  }
0x14f: {  	v38 =	vadd.f32 v62, v38;
	v61 =	vmul.f32 v57, v25;
	v50 =	vadd.f32 v63, v50  }
0x150: {  	v62 =	vmul.f32 v57, v57;
	v43 =	vadd.f32 v53, v43;
	v49 =	vadd.f32 v60, v49;
	v53 =	vld [tilespmem:s22+$0xF00]  }
0x151: {  	v45 =	vadd.f32 v55, v45;
	v55 =	vld [tilespmem:s22+$0xF80];
	v63 =	vmul.f32 v54, v25;
	v54 =	vmul.f32 v54, v54  }
0x152: {  	v57 =	vld [tilespmem:s22+$0xF10];
	v50 =	vadd.f32 v61, v50;
	v43 =	vadd.f32 v62, v43;
	v60 =	vmul.f32 v56, v25  }
0x153: {  	v61 =	vmul.f32 v58, v26;
	v56 =	vmul.f32 v56, v56;
	v42 =	vadd.f32 v63, v42  }
0x154: {  	v62 =	vmul.f32 v58, v58;
	v36 =	vadd.f32 v54, v36;
	v54 =	vld [tilespmem:s22+$0x1080];
	v44 =	vadd.f32 v60, v44  }
0x155: {  	v37 =	vadd.f32 v56, v37;
	v63 =	vmul.f32 v53, v25;
	v53 =	vmul.f32 v53, v53;
	v56 =	vld [tilespmem:s22+$0xD10]  }
0x156: {  	v58 =	vld [tilespmem:s22+$0x1090];
	v60 =	vmul.f32 v55, v25;
	v55 =	vmul.f32 v55, v55;
	v42 =	vadd.f32 v61, v42  }
0x157: {  	v36 =	vadd.f32 v62, v36;
	v61 =	vmul.f32 v57, v26;
	v48 =	vadd.f32 v63, v48  }
0x158: {  	v62 =	vmul.f32 v57, v57;
	v39 =	vadd.f32 v53, v39;
	v47 =	vadd.f32 v60, v47;
	v53 =	vld [tilespmem:s22+$0xE10]  }
0x159: {  	v41 =	vadd.f32 v55, v41;
	v55 =	vld [tilespmem:s22+$0xE90];
	v63 =	vmul.f32 v54, v25;
	v54 =	vmul.f32 v54, v54  }
0x15a: {  	v57 =	vld [tilespmem:s22+$0xE20];
	v48 =	vadd.f32 v61, v48;
	v39 =	vadd.f32 v62, v39;
	v60 =	vmul.f32 v56, v26  }
0x15b: {  	v61 =	vmul.f32 v58, v26;
	v56 =	vmul.f32 v56, v56;
	v49 =	vadd.f32 v63, v49  }
0x15c: {  	v62 =	vmul.f32 v58, v58;
	v45 =	vadd.f32 v54, v45;
	v54 =	vld [tilespmem:s22+$0xF90];
	v40 =	vadd.f32 v60, v40  }
0x15d: {  	v35 =	vadd.f32 v56, v35;
	v63 =	vmul.f32 v53, v26;
	v53 =	vmul.f32 v53, v53;
	v56 =	vld [tilespmem:s22+$0x1010]  }
0x15e: {  	v58 =	vld [tilespmem:s22+$0xFA0];
	v60 =	vmul.f32 v55, v26;
	v55 =	vmul.f32 v55, v55;
	v49 =	vadd.f32 v61, v49  }
0x15f: {  	v45 =	vadd.f32 v62, v45;
	v61 =	vmul.f32 v57, v27;
	v44 =	vadd.f32 v63, v44  }
0x160: {  	v62 =	vmul.f32 v57, v57;
	v37 =	vadd.f32 v53, v37;
	v46 =	vadd.f32 v60, v46;
	v53 =	vld [tilespmem:s22+$0xD20]  }
0x161: {  	v38 =	vadd.f32 v55, v38;
	v55 =	vld [tilespmem:s22+$0xDA0];
	v63 =	vmul.f32 v54, v26;
	v54 =	vmul.f32 v54, v54  }
0x162: {  	v57 =	vld [tilespmem:s22+$0xD30];
	v44 =	vadd.f32 v61, v44;
	v37 =	vadd.f32 v62, v37;
	v60 =	vmul.f32 v56, v26  }
0x163: {  	v61 =	vmul.f32 v58, v27;
	v56 =	vmul.f32 v56, v56;
	v47 =	vadd.f32 v63, v47  }
0x164: {  	v62 =	vmul.f32 v58, v58;
	v41 =	vadd.f32 v54, v41;
	v54 =	vld [tilespmem:s22+$0xEA0];
	v50 =	vadd.f32 v60, v50  }
0x165: {  	v43 =	vadd.f32 v56, v43;
	v63 =	vmul.f32 v53, v27;
	v53 =	vmul.f32 v53, v53;
	v56 =	vld [tilespmem:s22+$0xF20]  }
0x166: {  	v58 =	vld [tilespmem:s22+$0xEB0];
	v60 =	vmul.f32 v55, v27;
	v55 =	vmul.f32 v55, v55;
	v47 =	vadd.f32 v61, v47  }
0x167: {  	v41 =	vadd.f32 v62, v41;
	v61 =	vmul.f32 v57, v28;
	v40 =	vadd.f32 v63, v40  }
0x168: {  	v62 =	vmul.f32 v57, v57;
	v35 =	vadd.f32 v53, v35;
	v42 =	vadd.f32 v60, v42;
	v53 =	vld [tilespmem:s22+$0x1020]  }
0x169: {  	v36 =	vadd.f32 v55, v36;
	v55 =	vld [tilespmem:s22+$0x10A0];
	v63 =	vmul.f32 v54, v27;
	v54 =	vmul.f32 v54, v54  }
0x16a: {  	v57 =	vld [tilespmem:s22+$0x1030];
	v40 =	vadd.f32 v61, v40;
	v35 =	vadd.f32 v62, v35;
	v60 =	vmul.f32 v56, v27  }
0x16b: {  	v61 =	vmul.f32 v58, v28;
	v56 =	vmul.f32 v56, v56;
	v46 =	vadd.f32 v63, v46  }
0x16c: {  	v62 =	vmul.f32 v58, v58;
	v38 =	vadd.f32 v54, v38;
	v54 =	vld [tilespmem:s22+$0xDB0];
	v48 =	vadd.f32 v60, v48  }
0x16d: {  	v39 =	vadd.f32 v56, v39;
	v63 =	vmul.f32 v53, v27;
	v53 =	vmul.f32 v53, v53;
	v56 =	vld [tilespmem:s22+$0xE30]  }
0x16e: {  	v58 =	vld [tilespmem:s22+$0xDC0];
	v60 =	vmul.f32 v55, v27;
	v55 =	vmul.f32 v55, v55;
	v46 =	vadd.f32 v61, v46  }
0x16f: {  	v38 =	vadd.f32 v62, v38;
	v61 =	vmul.f32 v57, v28;
	v50 =	vadd.f32 v63, v50  }
0x170: {  	v62 =	vmul.f32 v57, v57;
	v43 =	vadd.f32 v53, v43;
	v49 =	vadd.f32 v60, v49;
	v53 =	vld [tilespmem:s22+$0xF30]  }
0x171: {  	v45 =	vadd.f32 v55, v45;
	v55 =	vld [tilespmem:s22+$0xFB0];
	v63 =	vmul.f32 v54, v28;
	v54 =	vmul.f32 v54, v54  }
0x172: {  	v57 =	vld [tilespmem:s22+$0xF40];
	v50 =	vadd.f32 v61, v50;
	v43 =	vadd.f32 v62, v43;
	v60 =	vmul.f32 v56, v28  }
0x173: {  	v61 =	vmul.f32 v58, v29;
	v56 =	vmul.f32 v56, v56;
	v42 =	vadd.f32 v63, v42  }
0x174: {  	v62 =	vmul.f32 v58, v58;
	v36 =	vadd.f32 v54, v36;
	v54 =	vld [tilespmem:s22+$0x10B0];
	v44 =	vadd.f32 v60, v44  }
0x175: {  	v37 =	vadd.f32 v56, v37;
	v63 =	vmul.f32 v53, v28;
	v53 =	vmul.f32 v53, v53;
	v56 =	vld [tilespmem:s22+$0xD40]  }
0x176: {  	v58 =	vld [tilespmem:s22+$0x10C0];
	v60 =	vmul.f32 v55, v28;
	v55 =	vmul.f32 v55, v55;
	v42 =	vadd.f32 v61, v42  }
0x177: {  	v36 =	vadd.f32 v62, v36;
	v61 =	vmul.f32 v57, v29;
	v48 =	vadd.f32 v63, v48  }
0x178: {  	v62 =	vmul.f32 v57, v57;
	v39 =	vadd.f32 v53, v39;
	v47 =	vadd.f32 v60, v47;
	v53 =	vld [tilespmem:s22+$0xE40]  }
0x179: {  	v41 =	vadd.f32 v55, v41;
	v55 =	vld [tilespmem:s22+$0xEC0];
	v63 =	vmul.f32 v54, v28;
	v54 =	vmul.f32 v54, v54  }
0x17a: {  	v57 =	vld [tilespmem:s22+$0xE50];
	v48 =	vadd.f32 v61, v48;
	v39 =	vadd.f32 v62, v39;
	v60 =	vmul.f32 v56, v29  }
0x17b: {  	v61 =	vmul.f32 v58, v29;
	v56 =	vmul.f32 v56, v56;
	v49 =	vadd.f32 v63, v49  }
0x17c: {  	v62 =	vmul.f32 v58, v58;
	v45 =	vadd.f32 v54, v45;
	v54 =	vld [tilespmem:s22+$0xFC0];
	v40 =	vadd.f32 v60, v40  }
0x17d: {  	v35 =	vadd.f32 v56, v35;
	v63 =	vmul.f32 v53, v29;
	v53 =	vmul.f32 v53, v53;
	v56 =	vld [tilespmem:s22+$0x1040]  }
0x17e: {  	v58 =	vld [tilespmem:s22+$0xFD0];
	v60 =	vmul.f32 v55, v29;
	v55 =	vmul.f32 v55, v55;
	v49 =	vadd.f32 v61, v49  }
0x17f: {  	v45 =	vadd.f32 v62, v45;
	v61 =	vmul.f32 v57, v30;
	v44 =	vadd.f32 v63, v44  }
0x180: {  	v62 =	vmul.f32 v57, v57;
	v37 =	vadd.f32 v53, v37;
	v46 =	vadd.f32 v60, v46;
	v53 =	vld [tilespmem:s22+$0xD50]  }
0x181: {  	v38 =	vadd.f32 v55, v38;
	v55 =	vld [tilespmem:s22+$0xDD0];
	v63 =	vmul.f32 v54, v29;
	v54 =	vmul.f32 v54, v54  }
0x182: {  	v44 =	vadd.f32 v61, v44;
	v37 =	vadd.f32 v62, v37;
	v60 =	vmul.f32 v56, v29  }
0x183: {  	v57 =	vld [tilespmem:s22+$0xD60];
	v61 =	vmul.f32 v58, v30;
	v56 =	vmul.f32 v56, v56;
	v47 =	vadd.f32 v63, v47  }
0x184: {  	v62 =	vmul.f32 v58, v58;
	v41 =	vadd.f32 v54, v41;
	v54 =	vld [tilespmem:s22+$0xED0];
	v50 =	vadd.f32 v60, v50  }
0x185: {  	v43 =	vadd.f32 v56, v43;
	v63 =	vmul.f32 v53, v30;
	v53 =	vmul.f32 v53, v53;
	v56 =	vld [tilespmem:s22+$0xF50]  }
0x186: {  	v59 =	vld [tilespmem:s22+$0xDE0];
	v60 =	vmul.f32 v55, v30;
	v55 =	vmul.f32 v55, v55;
	v47 =	vadd.f32 v61, v47  }
0x187: {  	v41 =	vadd.f32 v62, v41;
	v35 =	vadd.f32 v53, v35;
	v53 =	vld [tilespmem:s22+$0x1050]  }
0x188: {  	v61 =	vmul.f32 v57, v57;
	v40 =	vadd.f32 v63, v40;
	v36 =	vadd.f32 v55, v36;
	v55 =	vld [tilespmem:s22+$0x10D0]  }
0x189: {  	v42 =	vadd.f32 v60, v42;
	v63 =	vmul.f32 v54, v30;
	v54 =	vmul.f32 v54, v54  }
0x18a: {  	v58 =	vld [tilespmem:s22+$0xF60];
	v35 =	vadd.f32 v61, v35;
	v60 =	vmul.f32 v56, v30;
	v56 =	vmul.f32 v56, v56  }
0x18b: {  	v61 =	vld [tilespmem:s22+$0xDF0];
	v46 =	vadd.f32 v63, v46;
	v38 =	vadd.f32 v54, v38;
	v63 =	vmul.f32 v57, v33  }
0x18c: {  	v54 =	vld [tilespmem:s22+$0xE60];
	v57 =	vmul.f32 v59, v59;
	v48 =	vadd.f32 v60, v48;
	v51 =	vmul.f32 v53, v30  }
0x18d: {  	v39 =	vadd.f32 v56, v39;
	v53 =	vmul.f32 v53, v53;
	v52 =	vmul.f32 v55, v30  }
0x18e: {  	v56 =	vld [tilespmem:s22+$0xEE0];
	v55 =	vmul.f32 v55, v55;
	v40 =	vadd.f32 v63, v40;
	v36 =	vadd.f32 v57, v36  }
0x18f: {  	v57 =	vld [tilespmem:s22+$0xE70];
	v63 =	vmul.f32 v58, v58;
	v50 =	vadd.f32 v51, v50;
	v43 =	vadd.f32 v53, v43  }
0x190: {  	v49 =	vadd.f32 v52, v49;
	v45 =	vadd.f32 v55, v45;
	v55 =	vld [tilespmem:s22+$0xD70];
	v51 =	vmul.f32 v59, v33  }
0x191: {  	v60 =	vld [tilespmem:s22+$0xFE0];
	v39 =	vadd.f32 v63, v39;
	v63 =	vmul.f32 v61, v61;
	v52 =	vmul.f32 v54, v33  }
0x192: {  	v53 =	vld [tilespmem:s22+$0x1060];
	v54 =	vmul.f32 v54, v54;
	v42 =	vadd.f32 v51, v42;
	v51 =	vmul.f32 v58, v33  }
0x193: {  	v59 =	vld [tilespmem:s22+$0x10E0];
	v36 =	vadd.f32 v63, v36;
	v62 =	vmul.f32 v56, v33;
	v44 =	vadd.f32 v52, v44  }
0x194: {  	v37 =	vadd.f32 v54, v37;
	v52 =	vmul.f32 v56, v56;
	v54 =	vld [tilespmem:s22+$0xEF0];
	v63 =	vmul.f32 v57, v57  }
0x195: {  	v58 =	vld [tilespmem:s22+$0xFF0];
	v48 =	vadd.f32 v51, v48;
	v51 =	vmul.f32 v61, v34;
	v56 =	vmul.f32 v55, v34  }
0x196: {  	v46 =	vadd.f32 v62, v46;
	v62 =	vld [tilespmem:s22+$0xF70];
	v55 =	vmul.f32 v55, v55;
	v37 =	vadd.f32 v63, v37  }
0x197: {  	v42 =	vadd.f32 v51, v42;
	v51 =	vmul.f32 v60, v33;
	v40 =	vadd.f32 v56, v40;
	v56 =	vld [tilespmem:s22+$0x1070]  }
0x198: {  	v35 =	vadd.f32 v55, v35;
	v55 =	vld [tilespmem:s22+$0x10F0];
	[tilespmem:$0x10319] =	vst v36  }
0x199: {  	v61 =	vmul.f32 v60, v60;
	[tilespmem:$0x1032A] =	vst v37;
	v47 =	vadd.f32 v51, v47;
	v51 =	vmul.f32 v54, v34  }
0x19a: {  	v38 =	vadd.f32 v52, v38;
	v63 =	vmul.f32 v53, v53;
	[tilespmem:$0x10199] =	vst v42;
	v54 =	vmul.f32 v54, v54  }
0x19b: {  	v60 =	vmul.f32 v53, v33;
	[tilespmem:$0x10188] =	vst v40;
	v40 =	vmul.f32 v57, v34;
	v57 =	vadd.f32 v51, v46  }
0x19c: {  	v53 =	vmul.f32 v58, v58;
	[tilespmem:$0x10308] =	vst v35;
	v35 =	vadd.f32 v61, v41;
	v36 =	vadd.f32 v54, v38  }
0x19d: {  	v51 =	vmul.f32 v62, v62;
	v40 =	vadd.f32 v40, v44;
	[tilespmem:$0x101BB] =	vst v57  }
0x19e: {  	v52 =	vmul.f32 v58, v34;
	v37 =	vadd.f32 v63, v43;
	v35 =	vadd.f32 v53, v35;
	[tilespmem:$0x1033B] =	vst v36  }
0x19f: {  	v42 =	vadd.f32 v60, v50;
	v61 =	vmul.f32 v62, v34;
	v38 =	vadd.f32 v51, v39;
	[tilespmem:$0x101AA] =	vst v40  }
0x1a0: {  	v54 =	vmul.f32 v59, v33;
	v57 =	vadd.f32 v52, v47;
	v58 =	vmul.f32 v56, v34;
	[tilespmem:$0x1035D] =	vst v35  }
0x1a1: {  	v60 =	vmul.f32 v59, v59;
	v40 =	vadd.f32 v61, v48;
	v61 =	vmul.f32 v56, v56;
	[tilespmem:$0x1034C] =	vst v38  }
0x1a2: {  	v36 =	vadd.f32 v54, v49;
	v63 =	vmul.f32 v55, v34;
	v62 =	vadd.f32 v58, v42;
	[tilespmem:$0x101DD] =	vst v57  }
0x1a3: {  	v44 =	vmul.f32 v55, v55;
	[tilespmem:$0x101CC] =	vst v40;
	v40 =	vadd.f32 v60, v45;
	v37 =	vadd.f32 v61, v37  }
0x1a4: {  	v45 =	vadd.f32 v63, v36;
	[tilespmem:$0x101EE] =	vst v62  }
0x1a5: {  	v46 =	vadd.f32 v44, v40;
	[tilespmem:$0x1036E] =	vst v37  }
0x1a6: {  	[tilespmem:$0x101FF] =	vst v45  }
0x1a7: {  	[tilespmem:$0x1037F] =	vst v46  }
0x1a8: {  	v35 =	vld.idx.msk [tilespmem:v1+s17+$0x0], $0xffff  }
0x1a9: {  	v36 =	vld.idx.msk [tilespmem:v2+s17+$0x0], $0xffff;
	_ =	sdelay $0x1  }
0x1aa: {  	v37 =	vld.idx.msk [tilespmem:v3+s17+$0x0], $0xffff;
	_ =	sdelay $0x1  }
0x1ab: {  	v38 =	vld.idx.msk [tilespmem:v4+s17+$0x0], $0xffff  }
0x1ac: {  	v35 =	vadd.f32 v36, v35  }
0x1ad: {  	v47 =	vld.idx.msk [tilespmem:v5+s17+$0x0], $0xffff  }
0x1ae: {  	v35 =	vadd.f32 v37, v35  }
0x1af: {  	v48 =	vld.idx.msk [tilespmem:v6+s17+$0x0], $0xffff  }
0x1b0: {  	v35 =	vadd.f32 v38, v35  }
0x1b1: {  	v49 =	vld.idx.msk [tilespmem:v7+s17+$0x0], $0xffff  }
0x1b2: {  	v35 =	vadd.f32 v47, v35  }
0x1b3: {  	v50 =	vld.idx.msk [tilespmem:v8+s17+$0x0], $0xffff  }
0x1b4: {  	v35 =	vadd.f32 v48, v35  }
0x1b5: {  	v51 =	vld.idx.msk [tilespmem:v9+s17+$0x0], $0xffff  }
0x1b6: {  	v35 =	vadd.f32 v49, v35  }
0x1b7: {  	v52 =	vld.idx.msk [tilespmem:v10+s17+$0x0], $0xffff  }
0x1b8: {  	v35 =	vadd.f32 v50, v35  }
0x1b9: {  	v53 =	vld.idx.msk [tilespmem:v11+s17+$0x0], $0xffff  }
0x1ba: {  	v35 =	vadd.f32 v51, v35  }
0x1bb: {  	v54 =	vld.idx.msk [tilespmem:v12+s17+$0x0], $0xffff  }
0x1bc: {  	v35 =	vadd.f32 v52, v35  }
0x1bd: {  	v55 =	vld.idx.msk [tilespmem:v13+s17+$0x0], $0xffff  }
0x1be: {  	v35 =	vadd.f32 v53, v35  }
0x1bf: {  	v56 =	vld.idx.msk [tilespmem:v14+s17+$0x0], $0xffff  }
0x1c0: {  	v35 =	vadd.f32 v54, v35  }
0x1c1: {  	v57 =	vld.idx.msk [tilespmem:v15+s17+$0x0], $0xffff  }
0x1c2: {  	v35 =	vadd.f32 v55, v35  }
0x1c3: {  	v58 =	vld.idx.msk [tilespmem:v16+s17+$0x0], $0xffff  }
0x1c4: {  	v35 =	vadd.f32 v56, v35;
	_ =	sdelay $0x1  }
0x1c5: {  	v35 =	vadd.f32 v57, v35;
	_ =	sdelay $0x1  }
0x1c6: {  	v35 =	vadd.f32 v58, v35;
	_ =	sdelay $0x1  }
0x1c7: {  	v59 =	vshra.s32 v35, $0x1;
	v60 =	vmul.f32 $5.000000000e-01, v35  }
0x1c8: {  	v36 =	vsub.s32 $0x5F3759DF, v59  }
0x1c9: {  	v61 =	vmul.f32 v36, v60  }
0x1ca: {  	v62 =	vld.idx.msk [tilespmem:v1+s16+$0x0], $0xffff  }
0x1cb: {  	v63 =	vld.idx.msk [tilespmem:v2+s16+$0x0], $0xffff;
	v38 =	vmul.f32 v36, v61;
	_ =	sdelay $0x1  }
0x1cc: {  	v41 =	vld.idx.msk [tilespmem:v3+s16+$0x0], $0xffff;
	v38 =	vsub.f32 $1.500000000e+00, v38;
	_ =	sdelay $0x1  }
0x1cd: {  	v45 =	vld.idx.msk [tilespmem:v4+s16+$0x0], $0xffff;
	v36 =	vmul.f32 v36, v38  }
0x1ce: {  	v46 =	vadd.f32 v63, v62  }
0x1cf: {  	v47 =	vld.idx.msk [tilespmem:v5+s16+$0x0], $0xffff;
	v48 =	vmul.f32 v36, v60  }
0x1d0: {  	v38 =	vadd.f32 v41, v46  }
0x1d1: {  	v49 =	vld.idx.msk [tilespmem:v6+s16+$0x0], $0xffff;
	v40 =	vmul.f32 v48, v36  }
0x1d2: {  	v38 =	vadd.f32 v45, v38  }
0x1d3: {  	v50 =	vld.idx.msk [tilespmem:v7+s16+$0x0], $0xffff;
	v40 =	vsub.f32 $1.500000000e+00, v40  }
0x1d4: {  	v38 =	vadd.f32 v47, v38  }
0x1d5: {  	v51 =	vld.idx.msk [tilespmem:v8+s16+$0x0], $0xffff;
	v36 =	vmul.f32 v40, v36  }
0x1d6: {  	v38 =	vadd.f32 v49, v38  }
0x1d7: {  	v52 =	vld.idx.msk [tilespmem:v9+s16+$0x0], $0xffff;
	v37 =	vmul.f32 v36, v60  }
0x1d8: {  	v38 =	vadd.f32 v50, v38  }
0x1d9: {  	v53 =	vld.idx.msk [tilespmem:v10+s16+$0x0], $0xffff;
	v37 =	vmul.f32 v37, v36  }
0x1da: {  	v38 =	vadd.f32 v51, v38  }
0x1db: {  	v54 =	vld.idx.msk [tilespmem:v11+s16+$0x0], $0xffff;
	v37 =	vsub.f32 $1.500000000e+00, v37  }
0x1dc: {  	v38 =	vadd.f32 v52, v38  }
0x1dd: {  	v55 =	vld.idx.msk [tilespmem:v12+s16+$0x0], $0xffff;
	v36 =	vmul.f32 v37, v36  }
0x1de: {  	v56 =	vadd.f32 v53, v38  }
0x1df: {  	v57 =	vld.idx.msk [tilespmem:v13+s16+$0x0], $0xffff;
	v35 =	vmul.f32 v36, v35  }
0x1e0: {  	v58 =	vadd.f32 v54, v56  }
0x1e1: {  	v59 =	vld.idx.msk [tilespmem:v14+s16+$0x0], $0xffff;
	v35 =	vmax.f32 v35, $9.999999930e-09  }
0x1e2: {  	v36 =	vadd.f32 v55, v58;
	(erf) = vrcp.f32 v35  }
0x1e3: {  	v60 =	vld.idx.msk [tilespmem:v15+s16+$0x0], $0xffff  }
0x1e4: {  	v36 =	vadd.f32 v57, v36  }
0x1e5: {  	v61 =	vld.idx.msk [tilespmem:v16+s16+$0x0], $0xffff  }
0x1e6: {  	v36 =	vadd.f32 v59, v36;
	_ =	sdelay $0x1  }
0x1e7: {  	v35 =	vadd.f32 v60, v36  }
0x1e8: {  	s31 =	sshll.u32 s21, $0x4;
	s21 =	sadd.s32 $0x1, s21  }
0x1e9: {  	p0 =	sne.s32 s21, $0x10;
	v35 =	vadd.f32 v61, v35  }
.Ltmp3:
0x1ea: {  	v62 =	vpop (erf);
	(pc) =	sbr.rel @!p0 .LBB2_13-.Ltmp3, $3  }
0x1eb: {  	v35 =	vmul.f32 v62, v35;
	_ =	sdelay $0x1  }
0x1ec: {  	v63 =	vor.u32 s31, v0;
	vm0 =	vgt.f32 v35, v32  }
0x1ed: {  	v31 =	vsel vm0, v63, v31;
	v32 =	vsel vm0, v35, v32  }
.LBB2_2:
0x1ee: {  	p0 =	sgt.s32 s21, $0x7  }
.Ltmp4:
0x1ef: {  	_ = 	snop;
	(pc) =	sbr.rel @p0 .LBB2_5-.Ltmp4, $1  }
0x1f0: {  	_ =	sdelay $0x3  }
0x1f1: {  	p0 =	seq.s32 s21, $0x0  }
.Ltmp5:
0x1f2: {  	_ = 	snop;
	(pc) =	sbr.rel @p0 .LBB2_4-.Ltmp5, $1  }
0x1f3: {  	_ =	sdelay $0x3  }
0x1f4: {  	p0 =	seq.s32 s21, $0x4  }
.Ltmp6:
0x1f5: {  	_ = 	snop;
	(pc) =	sbr.rel @!p0 .LBB2_12-.Ltmp6, $1  }
0x1f6: {  	_ =	sdelay $0x3  }
.Ltmp7:
0x1f7: {  	(pc) =	sbr.rel .LBB2_11-.Ltmp7, $2  }
0x1f8: {  	_ =	sdelay $0x2  }
0x1f9: {  	s22 =	simm.s32 $0x2  }
.LBB2_5:
0x1fa: {  	p0 =	seq.s32 s21, $0x8  }
.Ltmp8:
0x1fb: {  	_ = 	snop;
	(pc) =	sbr.rel @p0 .LBB2_10-.Ltmp8, $1  }
0x1fc: {  	_ =	sdelay $0x3  }
0x1fd: {  	p0 =	seq.s32 s21, $0xC  }
.Ltmp9:
0x1fe: {  	_ = 	snop;
	(pc) =	sbr.rel @!p0 .LBB2_12-.Ltmp9, $1  }
0x1ff: {  	_ =	sdelay $0x3  }
.Ltmp10:
0x200: {  	(pc) =	sbr.rel .LBB2_11-.Ltmp10, $2  }
0x201: {  	_ =	sdelay $0x2  }
0x202: {  	s22 =	simm.s32 $0x4  }
.LBB2_4:
.Ltmp11:
0x203: {  	(pc) =	sbr.rel .LBB2_11-.Ltmp11, $2  }
0x204: {  	_ =	sdelay $0x2  }
0x205: {  	s22 =	simm.s32 $0x1  }
.LBB2_14:
0x206: {  	_ =	sfence.sel $0x180000  }
0x207: {  	[bflag:$0x0] =	sbarrier.arrive $0xFFFF  }
0x208: {  	p0 =	sne.s32 s2, $0x0;
	_ =	strace $0x90000047  }
0x209: {  	s0 =	sadd.s32 @!p0 $0x100000, s0;
	[bflag:$0x2] =	sbarrier.arrive $0xFFFF  }
0x20a: {  	[sflag:s0] =	ssyncadd.tile.s32 @!p0 $0x1;
	_ =	shalt  }
.Lfunc_end2:
_tile_overlayer_lowered:
.L_overlay_start_2:
0x20b: {  	(tag) =	ssettag $0x2  }
0x20c: {  	s0 =	rddreg [dreg:$0x0];
	s2 =	stileid.u32  }
0x20d: {  	s1 =	rddreg [dreg:$0x1];
	p0 =	sne.s32 s2, $0x0  }
0x20e: {  	s3 =	rddreg [dreg:$0x2];
	[bflag:$0x3] =	sbarrier.arrive $0xFFFF;
	s2 =	simm.s32 @!p0 $0x1C05  }
0x20f: {  	[timem:s3], [sflag:s2] =	dma.local @!p0 [hbm:s0], s1  }
0x210: {  	s0 =	simm.s32 @!p0 $0x5  }
0x211: {  	_ =	swait.ge @!p0 [sflag:s0], s1  }
0x212: {  	s1 =	ssub.s32 @!p0 $0x0, s1;
	[sflag:s0] =	ssyncset.done @!p0 $0x0  }
0x213: {  	[sflag:s0] =	ssyncadd.s32 @!p0 s1  }
0x214: {  	[bflag:$0x3] =	sbarrier.arrive $0xFFFF  }
0x215: {  	_ =	shalt  }

</sc_bundles>
